<compile_context>
chip_gen: v7x
topology: tpu7x:2x2x1
jax: 0.10.2.dev20260603
libtpu: 0.0.44.dev20260713+nightly
codegen_flags: <defaults>
</compile_context>

<pallas_src>
import functools

import jax
import jax.numpy as jnp
from jax import lax
from jax.experimental import pallas as pl
from jax.experimental.pallas import tpu as pltpu
from jax.experimental.pallas import tpu_sc as plsc

N = 1_000_000
M = 16
F = 26
B = 16384
MAX_NORM = 1.0 - 1e-05
MN2 = MAX_NORM * MAX_NORM

NC, NS = 2, 16
NW = NC * NS
BW = B // NW
QG = BW // 128

WBLK = 512
NBLK = N // WBLK
NTAIL = N - NBLK * WBLK
NSLOT = 64
XCH = F * B // NW // 1024

_MAGIC = 0x5F3759DF

_LANES = functools.partial(jnp.arange, 16, dtype=jnp.int32)



def _transpose_block(bin_v, bout_v):
    lanes = _LANES()

    def group(g, carry):
        ridx = g * 16 + lanes
        for j in range(M):
            cidx = jnp.bitwise_and(lanes + j, 15)
            v = plsc.load_gather(bin_v, [cidx, ridx])
            plsc.store_scatter(bout_v, [ridx * M + cidx], v)
        return carry

    lax.fori_loop(0, WBLK // 16, group, 0)


def _format_body(wt_hbm, xt_hbm, wtail_hbm, w_hbm, xf_hbm, xbuf_v, bin0_v,
                 bin1_v, bout0_v, bout1_v, tail_v, gs0, gs1, os0, os1):
    wid = lax.axis_index("s") * NC + lax.axis_index("c")

    def rd(t, buf, sem):
        blk = t * NW + wid
        return pltpu.make_async_copy(
            wt_hbm.at[:, pl.ds(blk * WBLK, WBLK)], buf, sem)

    def wr(t, buf, sem):
        blk = t * NW + wid
        return pltpu.make_async_copy(
            buf, w_hbm.at[pl.ds(blk * WBLK * M, WBLK * M)], sem)

    rd(0, bin0_v, gs0).start()

    def xchunk(c, carry):
        p = pl.multiple_of(wid * (F * B // NW) + c * 1024, 1024)
        b = pl.multiple_of(p % B, 1024)
        pltpu.sync_copy(xt_hbm.at[p // B, pl.ds(b, 1024)], xbuf_v)
        pltpu.sync_copy(xbuf_v, xf_hbm.at[pl.ds(p, 1024)])
        return carry

    lax.fori_loop(0, XCH, xchunk, 0)

    @pl.when(wid == NW - 1)
    def _():
        pltpu.sync_copy(wtail_hbm, tail_v)
        pltpu.sync_copy(tail_v, w_hbm.at[pl.ds(NBLK * WBLK * M, NTAIL * M)])

    def slot(t, bin_b, bin_n, bout_b, gs_b, gs_n, os_b):
        nxt = (t + 1) * NW + wid

        @pl.when(nxt < NBLK)
        def _():
            rd(t + 1, bin_n, gs_n).start()

        @pl.when(t * NW + wid < NBLK)
        def _():
            rd(t, bin_b, gs_b).wait()

            @pl.when(t >= 2)
            def _():
                wr(t - 2, bout_b, os_b).wait()

            _transpose_block(bin_b, bout_b)
            wr(t, bout_b, os_b).start()

    def pair(t2, carry):
        slot(2 * t2, bin0_v, bin1_v, bout0_v, gs0, gs1, os0)
        slot(2 * t2 + 1, bin1_v, bin0_v, bout1_v, gs1, gs0, os1)
        return carry

    lax.fori_loop(0, NSLOT // 2, pair, 0)
    wr(0, bout0_v, os0).wait()
    wr(1, bout1_v, os1).wait()


_mesh = plsc.VectorSubcoreMesh(
    core_axis_name="c", subcore_axis_name="s", num_cores=NC, num_subcores=NS
)

_format = functools.partial(
    pl.kernel,
    out_type=(
        jax.ShapeDtypeStruct((N * M,), jnp.float32),
        jax.ShapeDtypeStruct((F * B,), jnp.int32),
    ),
    mesh=_mesh,
    scratch_types=[
        pltpu.VMEM((1024,), jnp.int32),
        pltpu.VMEM((M, WBLK), jnp.float32),
        pltpu.VMEM((M, WBLK), jnp.float32),
        pltpu.VMEM((WBLK * M,), jnp.float32),
        pltpu.VMEM((WBLK * M,), jnp.float32),
        pltpu.VMEM((NTAIL * M,), jnp.float32),
        pltpu.SemaphoreType.DMA,
        pltpu.SemaphoreType.DMA,
        pltpu.SemaphoreType.DMA,
        pltpu.SemaphoreType.DMA,
    ],
    compiler_params=pltpu.CompilerParams(
        needs_layout_passes=False, use_tc_tiling_on_sc=True
    ),
)(_format_body)



def _clip_group(rows_v, rows_t, r, _):
    base = r * 16
    lanes = _LANES()
    ridx = base + lanes
    cols = []
    acc = jnp.zeros((16,), jnp.float32)
    for j in range(M):
        cidx = jnp.bitwise_and(lanes + j, 15)
        v = plsc.load_gather(rows_v, [ridx, cidx])
        cols.append((cidx, v))
        acc = acc + v * v
    y = plsc.bitcast(_MAGIC - (plsc.bitcast(acc, jnp.int32) >> 1), jnp.float32)
    for _ in range(3):
        y = y * (1.5 - 0.5 * acc * y * y)
    scale = jnp.where(acc > MN2, MAX_NORM * y, 1.0)
    bhi, blo = ridx >> 7, jnp.bitwise_and(ridx, 127)
    for cidx, v in cols:
        plsc.store_scatter(
            rows_t, [cidx >> 3, bhi, jnp.bitwise_and(cidx, 7), blo], v * scale
        )
    return 0


def _embed_body(xt_hbm, w_hbm, out_hbm, idx_v, rows0_v, rows1_v, rt0_v,
                rt1_v, g0, g1, o0, o1):
    wid = lax.axis_index("s") * NC + lax.axis_index("c")
    b0 = wid * BW

    def load_idx(f, carry):
        pltpu.sync_copy(xt_hbm.at[pl.ds(f * B + b0, BW)], idx_v.at[f])
        return carry

    lax.fori_loop(0, F, load_idx, 0)

    def gathers(f, rows_b, sem):
        return [
            pltpu.make_async_copy(
                w_hbm.at[idx_v.at[f, pl.ds(q * 128, 128)]],
                rows_b.at[pl.ds(q * 128, 128)],
                sem,
            )
            for q in range(QG)
        ]

    def wr(rt_b, f, sem):
        return pltpu.make_async_copy(
            rt_b, out_hbm.at[f, :, pl.ds(wid * (BW // 128), BW // 128)], sem)

    for d in gathers(0, rows0_v, g0):
        d.start()

    def slot(f, rows_b, rows_n, rt_b, g_b, g_n, o_b):
        @pl.when(f + 1 < F)
        def _():
            for d in gathers(f + 1, rows_n, g_n):
                d.start()

        for d in gathers(f, rows_b, g_b):
            d.wait()

        @pl.when(f >= 2)
        def _():
            wr(rt_b, f - 2, o_b).wait()

        lax.fori_loop(
            0, BW // 16, functools.partial(_clip_group, rows_b, rt_b), 0
        )
        wr(rt_b, f, o_b).start()

    def pair(f2, carry):
        slot(2 * f2, rows0_v, rows1_v, rt0_v, g0, g1, o0)
        slot(2 * f2 + 1, rows1_v, rows0_v, rt1_v, g1, g0, o1)
        return carry

    lax.fori_loop(0, F // 2, pair, 0)
    wr(rt0_v, F - 2, o0).wait()
    wr(rt1_v, F - 1, o1).wait()


_embed = functools.partial(
    pl.kernel,
    out_type=jax.ShapeDtypeStruct((F, 2, B // 128, 8, 128), jnp.float32),
    mesh=_mesh,
    scratch_types=[
        pltpu.VMEM((F, BW), jnp.int32),
        pltpu.VMEM((BW, M), jnp.float32),
        pltpu.VMEM((BW, M), jnp.float32),
        pltpu.VMEM((2, BW // 128, 8, 128), jnp.float32),
        pltpu.VMEM((2, BW // 128, 8, 128), jnp.float32),
        pltpu.SemaphoreType.DMA,
        pltpu.SemaphoreType.DMA,
        pltpu.SemaphoreType.DMA,
        pltpu.SemaphoreType.DMA,
    ],
    compiler_params=pltpu.CompilerParams(
        needs_layout_passes=False, use_tc_tiling_on_sc=False
    ),
)(_embed_body)


def kernel(x, weight):
    wtail = weight[NBLK * WBLK :].reshape(NTAIL * M)
    w_flat, x_flat = _format(weight.T, x.T.astype(jnp.int32), wtail)
    out5 = _embed(x_flat, w_flat.reshape(N, M))
    return out5.transpose(2, 4, 0, 1, 3).reshape(B, F, M)

# --- scband reference (transcript-rebuilt; emitter-appended) ---
"""Pipeline reference for scband-poincare-embedding-40853728920079 (READ-ONLY COPY).

The authoritative reference and input builder live on the scoring server;
editing this copy changes nothing except your own understanding.
"""

import jax, jax.numpy as jnp
import numpy as np

N = 1000000
M = 16
MAX_NORM = 1.0 - 1e-05


def setup_inputs(seed: int = 0) -> dict:
    key = jax.random.key(seed)
    k_idx, k_w = jax.random.split(key)
    x = jax.random.randint(k_idx, (16384, 26), 0, N, dtype=jnp.int64)
    # l_embed.weight initialized as randn(N, M) * 0.01
    weight = jax.random.normal(k_w, (N, M), dtype=jnp.float32) * 0.01
    return {"x": x, "weight": weight}


def reference(x, weight):
    # nn.Embedding with max_norm: rows that are looked up are renormalized
    # so that their L2 norm does not exceed max_norm, then gathered.
    gathered = jnp.take(weight, x, axis=0)  # [B, F, M]
    norms = jnp.linalg.norm(gathered, axis=-1, keepdims=True)
    scale = jnp.where(norms > MAX_NORM, MAX_NORM / (norms + 1e-12), 1.0)
    out = gathered * scale
    return out

if __name__ == "__main__":
    import jax
    _d = setup_inputs()
    print(jax.jit(kernel)(*tuple(_d.values())))

</pallas_src>

<mosaic_0001>
#map = affine_map<(d0, d1) -> (0)>
#map1 = affine_map<(d0, d1) -> (0, 0)>
#map2 = affine_map<(d0, d1) -> (0, 0, 0, 0, 0)>
module attributes {stable_mosaic.version = 14 : i64} {
  func.func @_embed_body(%arg0: i32, %arg1: i32, %arg2: memref<425984xi32, #tpu.memory_space<hbm>>, %arg3: memref<1000000x16xf32, #tpu.memory_space<hbm>>, %arg4: memref<26x2x128x8x128xf32, #tpu.memory_space<hbm>>, %arg5: memref<26x512xi32, #tpu.memory_space<vmem>>, %arg6: memref<512x16xf32, #tpu.memory_space<vmem>>, %arg7: memref<512x16xf32, #tpu.memory_space<vmem>>, %arg8: memref<2x4x8x128xf32, #tpu.memory_space<vmem>>, %arg9: memref<2x4x8x128xf32, #tpu.memory_space<vmem>>, %arg10: memref<!tpu.dma_semaphore, #tpu.memory_space<semaphore_mem>>, %arg11: memref<!tpu.dma_semaphore, #tpu.memory_space<semaphore_mem>>, %arg12: memref<!tpu.dma_semaphore, #tpu.memory_space<semaphore_mem>>, %arg13: memref<!tpu.dma_semaphore, #tpu.memory_space<semaphore_mem>>) attributes {dimension_semantics = [#tpu.dimension_semantics<core_parallel>, #tpu.dimension_semantics<subcore_parallel>], iteration_bounds = array<i64: 2, 16>, scalar_prefetch = 0 : i64, scratch_operands = 9 : i64, tpu.core_type = #tpu.core_type<sc_vector_subcore>, window_params = [{transform_indices = #map}, {transform_indices = #map1}, {transform_indices = #map2}]} {
    %mul3A = arith.constant 2 : i32
    %mul3A_0 = arith.muli %arg1, %mul3A : i32
    %add3A = arith.addi %mul3A_0, %arg0 : i32
    %mul3A_1 = arith.constant 512 : i32
    %mul3A_2 = arith.muli %add3A, %mul3A_1 : i32
    %scan3A = arith.constant 0 : i32
    %scan3A_3 = arith.constant 0 : i32
    %scan3A_4 = arith.constant 26 : i32
    %scan3A_5 = arith.addi %scan3A_3, %scan3A_4 : i32
    %scan3A_6 = arith.constant 1 : i32
    scf.for %scan3A_78 = %scan3A_3 to %scan3A_5 step %scan3A_6  : i32 {
      %mul3A_79 = arith.constant 16384 : i32
      %mul3A_80 = arith.muli %scan3A_78, %mul3A_79 : i32
      %add3A_81 = arith.addi %mul3A_80, %mul3A_2 : i32
      "tpu.region"() ({
        %run_scoped3A = tpu.sem_alloc : memref<!tpu.dma_semaphore, #tpu.memory_space<semaphore_mem>>
        %dma_start3A_82 = arith.constant 0 : i32
        %dma_start3A_83 = tpu.memref_slice %arg5[%scan3A_78, %dma_start3A_82] : memref<26x512xi32, #tpu.memory_space<vmem>> -> memref<1x512xi32, #tpu.memory_space<vmem>>
        %dma_start3A_84 = tpu.memref_squeeze %dma_start3A_83 : memref<1x512xi32, #tpu.memory_space<vmem>> -> memref<512xi32, #tpu.memory_space<vmem>>
        %dma_start3A_85 = tpu.memref_slice %arg2[%add3A_81] : memref<425984xi32, #tpu.memory_space<hbm>> -> memref<512xi32, #tpu.memory_space<hbm>>
        %dma_start3A_86 = arith.constant 0 : i32
        %dma_start3A_87 = tpu.memref_slice %arg5[%scan3A_78, %dma_start3A_86] : memref<26x512xi32, #tpu.memory_space<vmem>> -> memref<1x512xi32, #tpu.memory_space<vmem>>
        %dma_start3A_88 = tpu.memref_squeeze %dma_start3A_87 : memref<1x512xi32, #tpu.memory_space<vmem>> -> memref<512xi32, #tpu.memory_space<vmem>>
        %dma_start3A_89 = tpu.memref_slice %arg2[%add3A_81] : memref<425984xi32, #tpu.memory_space<hbm>> -> memref<512xi32, #tpu.memory_space<hbm>>
        tpu.enqueue_dma source(%dma_start3A_89 : memref<512xi32, #tpu.memory_space<hbm>>) target(%dma_start3A_88 : memref<512xi32, #tpu.memory_space<vmem>>) target_semaphore(%run_scoped3A : memref<!tpu.dma_semaphore, #tpu.memory_space<semaphore_mem>>)
        %dma_wait3A_90 = arith.constant 0 : i32
        %dma_wait3A_91 = tpu.memref_slice %arg5[%scan3A_78, %dma_wait3A_90] : memref<26x512xi32, #tpu.memory_space<vmem>> -> memref<1x512xi32, #tpu.memory_space<vmem>>
        %dma_wait3A_92 = tpu.memref_squeeze %dma_wait3A_91 : memref<1x512xi32, #tpu.memory_space<vmem>> -> memref<512xi32, #tpu.memory_space<vmem>>
        %dma_wait3A_93 = tpu.memref_slice %arg2[%add3A_81] : memref<425984xi32, #tpu.memory_space<hbm>> -> memref<512xi32, #tpu.memory_space<hbm>>
        %dma_wait3A_94 = arith.constant 0 : i32
        %dma_wait3A_95 = tpu.memref_slice %arg5[%scan3A_78, %dma_wait3A_94] : memref<26x512xi32, #tpu.memory_space<vmem>> -> memref<1x512xi32, #tpu.memory_space<vmem>>
        %dma_wait3A_96 = tpu.memref_squeeze %dma_wait3A_95 : memref<1x512xi32, #tpu.memory_space<vmem>> -> memref<512xi32, #tpu.memory_space<vmem>>
        %dma_wait3A_97 = tpu.memref_slice %arg2[%add3A_81] : memref<425984xi32, #tpu.memory_space<hbm>> -> memref<512xi32, #tpu.memory_space<hbm>>
        tpu.wait_dma2 semaphore(%run_scoped3A : memref<!tpu.dma_semaphore, #tpu.memory_space<semaphore_mem>>) src(%dma_wait3A_97 : memref<512xi32, #tpu.memory_space<hbm>>) dst(%dma_wait3A_96 : memref<512xi32, #tpu.memory_space<vmem>>)
        tpu.yield
      }) : () -> ()
    }
    %scan3A_7 = arith.constant 26 : i32
    %dma_start3A = arith.constant 0 : i32
    %dma_start3A_8 = arith.constant 0 : i32
    %dma_start3A_9 = arith.constant 0 : i32
    %dma_start3A_10 = tpu.memref_slice %arg6[%dma_start3A_8, %dma_start3A_9] : memref<512x16xf32, #tpu.memory_space<vmem>> -> memref<128x16xf32, #tpu.memory_space<vmem>>
    %dma_start3A_11 = arith.constant 0 : i32
    %dma_start3A_12 = tpu.memref_slice %arg5[%dma_start3A, %dma_start3A_11] : memref<26x512xi32, #tpu.memory_space<vmem>> -> memref<1x128xi32, #tpu.memory_space<vmem>>
    %dma_start3A_13 = tpu.memref_squeeze %dma_start3A_12 : memref<1x128xi32, #tpu.memory_space<vmem>> -> memref<128xi32, #tpu.memory_space<vmem>>
    %dma_start3A_14 = arith.constant 0 : i32
    %dma_start3A_15 = arith.constant 0 : i32
    %dma_start3A_16 = tpu.memref_slice %arg3[%dma_start3A_14, %dma_start3A_15] : memref<1000000x16xf32, #tpu.memory_space<hbm>> -> memref<1000000x16xf32, #tpu.memory_space<hbm>>
    tpu.enqueue_indirect_dma source(%dma_start3A_16 : memref<1000000x16xf32, #tpu.memory_space<hbm>>) target(%dma_start3A_10 : memref<128x16xf32, #tpu.memory_space<vmem>>) offsets(%dma_start3A_13 : memref<128xi32, #tpu.memory_space<vmem>>) semaphore(%arg10 : memref<!tpu.dma_semaphore, #tpu.memory_space<semaphore_mem>>)
    %dma_start3A_17 = arith.constant 0 : i32
    %dma_start3A_18 = arith.constant 128 : i32
    %dma_start3A_19 = arith.constant 0 : i32
    %dma_start3A_20 = tpu.memref_slice %arg6[%dma_start3A_18, %dma_start3A_19] : memref<512x16xf32, #tpu.memory_space<vmem>> -> memref<128x16xf32, #tpu.memory_space<vmem>>
    %dma_start3A_21 = arith.constant 128 : i32
    %dma_start3A_22 = tpu.memref_slice %arg5[%dma_start3A_17, %dma_start3A_21] : memref<26x512xi32, #tpu.memory_space<vmem>> -> memref<1x128xi32, #tpu.memory_space<vmem>>
    %dma_start3A_23 = tpu.memref_squeeze %dma_start3A_22 : memref<1x128xi32, #tpu.memory_space<vmem>> -> memref<128xi32, #tpu.memory_space<vmem>>
    %dma_start3A_24 = arith.constant 0 : i32
    %dma_start3A_25 = arith.constant 0 : i32
    %dma_start3A_26 = tpu.memref_slice %arg3[%dma_start3A_24, %dma_start3A_25] : memref<1000000x16xf32, #tpu.memory_space<hbm>> -> memref<1000000x16xf32, #tpu.memory_space<hbm>>
    tpu.enqueue_indirect_dma source(%dma_start3A_26 : memref<1000000x16xf32, #tpu.memory_space<hbm>>) target(%dma_start3A_20 : memref<128x16xf32, #tpu.memory_space<vmem>>) offsets(%dma_start3A_23 : memref<128xi32, #tpu.memory_space<vmem>>) semaphore(%arg10 : memref<!tpu.dma_semaphore, #tpu.memory_space<semaphore_mem>>)
    %dma_start3A_27 = arith.constant 0 : i32
    %dma_start3A_28 = arith.constant 256 : i32
    %dma_start3A_29 = arith.constant 0 : i32
    %dma_start3A_30 = tpu.memref_slice %arg6[%dma_start3A_28, %dma_start3A_29] : memref<512x16xf32, #tpu.memory_space<vmem>> -> memref<128x16xf32, #tpu.memory_space<vmem>>
    %dma_start3A_31 = arith.constant 256 : i32
    %dma_start3A_32 = tpu.memref_slice %arg5[%dma_start3A_27, %dma_start3A_31] : memref<26x512xi32, #tpu.memory_space<vmem>> -> memref<1x128xi32, #tpu.memory_space<vmem>>
    %dma_start3A_33 = tpu.memref_squeeze %dma_start3A_32 : memref<1x128xi32, #tpu.memory_space<vmem>> -> memref<128xi32, #tpu.memory_space<vmem>>
    %dma_start3A_34 = arith.constant 0 : i32
    %dma_start3A_35 = arith.constant 0 : i32
    %dma_start3A_36 = tpu.memref_slice %arg3[%dma_start3A_34, %dma_start3A_35] : memref<1000000x16xf32, #tpu.memory_space<hbm>> -> memref<1000000x16xf32, #tpu.memory_space<hbm>>
    tpu.enqueue_indirect_dma source(%dma_start3A_36 : memref<1000000x16xf32, #tpu.memory_space<hbm>>) target(%dma_start3A_30 : memref<128x16xf32, #tpu.memory_space<vmem>>) offsets(%dma_start3A_33 : memref<128xi32, #tpu.memory_space<vmem>>) semaphore(%arg10 : memref<!tpu.dma_semaphore, #tpu.memory_space<semaphore_mem>>)
    %dma_start3A_37 = arith.constant 0 : i32
    %dma_start3A_38 = arith.constant 384 : i32
    %dma_start3A_39 = arith.constant 0 : i32
    %dma_start3A_40 = tpu.memref_slice %arg6[%dma_start3A_38, %dma_start3A_39] : memref<512x16xf32, #tpu.memory_space<vmem>> -> memref<128x16xf32, #tpu.memory_space<vmem>>
    %dma_start3A_41 = arith.constant 384 : i32
    %dma_start3A_42 = tpu.memref_slice %arg5[%dma_start3A_37, %dma_start3A_41] : memref<26x512xi32, #tpu.memory_space<vmem>> -> memref<1x128xi32, #tpu.memory_space<vmem>>
    %dma_start3A_43 = tpu.memref_squeeze %dma_start3A_42 : memref<1x128xi32, #tpu.memory_space<vmem>> -> memref<128xi32, #tpu.memory_space<vmem>>
    %dma_start3A_44 = arith.constant 0 : i32
    %dma_start3A_45 = arith.constant 0 : i32
    %dma_start3A_46 = tpu.memref_slice %arg3[%dma_start3A_44, %dma_start3A_45] : memref<1000000x16xf32, #tpu.memory_space<hbm>> -> memref<1000000x16xf32, #tpu.memory_space<hbm>>
    tpu.enqueue_indirect_dma source(%dma_start3A_46 : memref<1000000x16xf32, #tpu.memory_space<hbm>>) target(%dma_start3A_40 : memref<128x16xf32, #tpu.memory_space<vmem>>) offsets(%dma_start3A_43 : memref<128xi32, #tpu.memory_space<vmem>>) semaphore(%arg10 : memref<!tpu.dma_semaphore, #tpu.memory_space<semaphore_mem>>)
    %scan3A_47 = arith.constant 0 : i32
    %scan3A_48 = arith.constant 0 : i32
    %scan3A_49 = arith.constant 13 : i32
    %scan3A_50 = arith.addi %scan3A_48, %scan3A_49 : i32
    %scan3A_51 = arith.constant 1 : i32
    scf.for %scan3A_78 = %scan3A_48 to %scan3A_50 step %scan3A_51  : i32 {
      %mul3A_79 = arith.constant 2 : i32
      %mul3A_80 = arith.muli %mul3A_79, %scan3A_78 : i32
      %add3A_81 = arith.constant 1 : i32
      %add3A_82 = arith.addi %mul3A_80, %add3A_81 : i32
      %lt3A = arith.constant 26 : i32
      %lt3A_83 = arith.cmpi slt, %add3A_82, %lt3A : i32
      %convert_element_type3A = arith.extui %lt3A_83 : i1 to i32
      %cond3A = arith.constant 0 : i32
      %cond3A_84 = arith.cmpi ne, %convert_element_type3A, %cond3A : i32
      scf.if %cond3A_84 {
        %add3A_215 = arith.constant 1 : i32
        %add3A_216 = arith.addi %mul3A_80, %add3A_215 : i32
        %dma_start3A_217 = arith.constant 0 : i32
        %dma_start3A_218 = arith.constant 0 : i32
        %dma_start3A_219 = tpu.memref_slice %arg7[%dma_start3A_217, %dma_start3A_218] : memref<512x16xf32, #tpu.memory_space<vmem>> -> memref<128x16xf32, #tpu.memory_space<vmem>>
        %dma_start3A_220 = arith.constant 0 : i32
        %dma_start3A_221 = tpu.memref_slice %arg5[%add3A_216, %dma_start3A_220] : memref<26x512xi32, #tpu.memory_space<vmem>> -> memref<1x128xi32, #tpu.memory_space<vmem>>
        %dma_start3A_222 = tpu.memref_squeeze %dma_start3A_221 : memref<1x128xi32, #tpu.memory_space<vmem>> -> memref<128xi32, #tpu.memory_space<vmem>>
        %dma_start3A_223 = arith.constant 0 : i32
        %dma_start3A_224 = arith.constant 0 : i32
        %dma_start3A_225 = tpu.memref_slice %arg3[%dma_start3A_223, %dma_start3A_224] : memref<1000000x16xf32, #tpu.memory_space<hbm>> -> memref<1000000x16xf32, #tpu.memory_space<hbm>>
        tpu.enqueue_indirect_dma source(%dma_start3A_225 : memref<1000000x16xf32, #tpu.memory_space<hbm>>) target(%dma_start3A_219 : memref<128x16xf32, #tpu.memory_space<vmem>>) offsets(%dma_start3A_222 : memref<128xi32, #tpu.memory_space<vmem>>) semaphore(%arg11 : memref<!tpu.dma_semaphore, #tpu.memory_space<semaphore_mem>>)
        %dma_start3A_226 = arith.constant 128 : i32
        %dma_start3A_227 = arith.constant 0 : i32
        %dma_start3A_228 = tpu.memref_slice %arg7[%dma_start3A_226, %dma_start3A_227] : memref<512x16xf32, #tpu.memory_space<vmem>> -> memref<128x16xf32, #tpu.memory_space<vmem>>
        %dma_start3A_229 = arith.constant 128 : i32
        %dma_start3A_230 = tpu.memref_slice %arg5[%add3A_216, %dma_start3A_229] : memref<26x512xi32, #tpu.memory_space<vmem>> -> memref<1x128xi32, #tpu.memory_space<vmem>>
        %dma_start3A_231 = tpu.memref_squeeze %dma_start3A_230 : memref<1x128xi32, #tpu.memory_space<vmem>> -> memref<128xi32, #tpu.memory_space<vmem>>
        %dma_start3A_232 = arith.constant 0 : i32
        %dma_start3A_233 = arith.constant 0 : i32
        %dma_start3A_234 = tpu.memref_slice %arg3[%dma_start3A_232, %dma_start3A_233] : memref<1000000x16xf32, #tpu.memory_space<hbm>> -> memref<1000000x16xf32, #tpu.memory_space<hbm>>
        tpu.enqueue_indirect_dma source(%dma_start3A_234 : memref<1000000x16xf32, #tpu.memory_space<hbm>>) target(%dma_start3A_228 : memref<128x16xf32, #tpu.memory_space<vmem>>) offsets(%dma_start3A_231 : memref<128xi32, #tpu.memory_space<vmem>>) semaphore(%arg11 : memref<!tpu.dma_semaphore, #tpu.memory_space<semaphore_mem>>)
        %dma_start3A_235 = arith.constant 256 : i32
        %dma_start3A_236 = arith.constant 0 : i32
        %dma_start3A_237 = tpu.memref_slice %arg7[%dma_start3A_235, %dma_start3A_236] : memref<512x16xf32, #tpu.memory_space<vmem>> -> memref<128x16xf32, #tpu.memory_space<vmem>>
        %dma_start3A_238 = arith.constant 256 : i32
        %dma_start3A_239 = tpu.memref_slice %arg5[%add3A_216, %dma_start3A_238] : memref<26x512xi32, #tpu.memory_space<vmem>> -> memref<1x128xi32, #tpu.memory_space<vmem>>
        %dma_start3A_240 = tpu.memref_squeeze %dma_start3A_239 : memref<1x128xi32, #tpu.memory_space<vmem>> -> memref<128xi32, #tpu.memory_space<vmem>>
        %dma_start3A_241 = arith.constant 0 : i32
        %dma_start3A_242 = arith.constant 0 : i32
        %dma_start3A_243 = tpu.memref_slice %arg3[%dma_start3A_241, %dma_start3A_242] : memref<1000000x16xf32, #tpu.memory_space<hbm>> -> memref<1000000x16xf32, #tpu.memory_space<hbm>>
        tpu.enqueue_indirect_dma source(%dma_start3A_243 : memref<1000000x16xf32, #tpu.memory_space<hbm>>) target(%dma_start3A_237 : memref<128x16xf32, #tpu.memory_space<vmem>>) offsets(%dma_start3A_240 : memref<128xi32, #tpu.memory_space<vmem>>) semaphore(%arg11 : memref<!tpu.dma_semaphore, #tpu.memory_space<semaphore_mem>>)
        %dma_start3A_244 = arith.constant 384 : i32
        %dma_start3A_245 = arith.constant 0 : i32
        %dma_start3A_246 = tpu.memref_slice %arg7[%dma_start3A_244, %dma_start3A_245] : memref<512x16xf32, #tpu.memory_space<vmem>> -> memref<128x16xf32, #tpu.memory_space<vmem>>
        %dma_start3A_247 = arith.constant 384 : i32
        %dma_start3A_248 = tpu.memref_slice %arg5[%add3A_216, %dma_start3A_247] : memref<26x512xi32, #tpu.memory_space<vmem>> -> memref<1x128xi32, #tpu.memory_space<vmem>>
        %dma_start3A_249 = tpu.memref_squeeze %dma_start3A_248 : memref<1x128xi32, #tpu.memory_space<vmem>> -> memref<128xi32, #tpu.memory_space<vmem>>
        %dma_start3A_250 = arith.constant 0 : i32
        %dma_start3A_251 = arith.constant 0 : i32
        %dma_start3A_252 = tpu.memref_slice %arg3[%dma_start3A_250, %dma_start3A_251] : memref<1000000x16xf32, #tpu.memory_space<hbm>> -> memref<1000000x16xf32, #tpu.memory_space<hbm>>
        tpu.enqueue_indirect_dma source(%dma_start3A_252 : memref<1000000x16xf32, #tpu.memory_space<hbm>>) target(%dma_start3A_246 : memref<128x16xf32, #tpu.memory_space<vmem>>) offsets(%dma_start3A_249 : memref<128xi32, #tpu.memory_space<vmem>>) semaphore(%arg11 : memref<!tpu.dma_semaphore, #tpu.memory_space<semaphore_mem>>)
      } else {
      }
      %dma_wait3A_85 = arith.constant 0 : i32
      %dma_wait3A_86 = arith.constant 0 : i32
      %dma_wait3A_87 = tpu.memref_slice %arg6[%dma_wait3A_85, %dma_wait3A_86] : memref<512x16xf32, #tpu.memory_space<vmem>> -> memref<128x16xf32, #tpu.memory_space<vmem>>
      %dma_wait3A_88 = arith.constant 0 : i32
      %dma_wait3A_89 = tpu.memref_slice %arg5[%mul3A_80, %dma_wait3A_88] : memref<26x512xi32, #tpu.memory_space<vmem>> -> memref<1x128xi32, #tpu.memory_space<vmem>>
      %dma_wait3A_90 = tpu.memref_squeeze %dma_wait3A_89 : memref<1x128xi32, #tpu.memory_space<vmem>> -> memref<128xi32, #tpu.memory_space<vmem>>
      %dma_wait3A_91 = arith.constant 0 : i32
      %dma_wait3A_92 = arith.constant 0 : i32
      %dma_wait3A_93 = tpu.memref_slice %arg3[%dma_wait3A_91, %dma_wait3A_92] : memref<1000000x16xf32, #tpu.memory_space<hbm>> -> memref<1000000x16xf32, #tpu.memory_space<hbm>>
      tpu.wait_indirect_dma semaphore(%arg10 : memref<!tpu.dma_semaphore, #tpu.memory_space<semaphore_mem>>) src(%dma_wait3A_93 : memref<1000000x16xf32, #tpu.memory_space<hbm>>) dst(%dma_wait3A_87 : memref<128x16xf32, #tpu.memory_space<vmem>>)
      %dma_wait3A_94 = arith.constant 128 : i32
      %dma_wait3A_95 = arith.constant 0 : i32
      %dma_wait3A_96 = tpu.memref_slice %arg6[%dma_wait3A_94, %dma_wait3A_95] : memref<512x16xf32, #tpu.memory_space<vmem>> -> memref<128x16xf32, #tpu.memory_space<vmem>>
      %dma_wait3A_97 = arith.constant 128 : i32
      %dma_wait3A_98 = tpu.memref_slice %arg5[%mul3A_80, %dma_wait3A_97] : memref<26x512xi32, #tpu.memory_space<vmem>> -> memref<1x128xi32, #tpu.memory_space<vmem>>
      %dma_wait3A_99 = tpu.memref_squeeze %dma_wait3A_98 : memref<1x128xi32, #tpu.memory_space<vmem>> -> memref<128xi32, #tpu.memory_space<vmem>>
      %dma_wait3A_100 = arith.constant 0 : i32
      %dma_wait3A_101 = arith.constant 0 : i32
      %dma_wait3A_102 = tpu.memref_slice %arg3[%dma_wait3A_100, %dma_wait3A_101] : memref<1000000x16xf32, #tpu.memory_space<hbm>> -> memref<1000000x16xf32, #tpu.memory_space<hbm>>
      tpu.wait_indirect_dma semaphore(%arg10 : memref<!tpu.dma_semaphore, #tpu.memory_space<semaphore_mem>>) src(%dma_wait3A_102 : memref<1000000x16xf32, #tpu.memory_space<hbm>>) dst(%dma_wait3A_96 : memref<128x16xf32, #tpu.memory_space<vmem>>)
      %dma_wait3A_103 = arith.constant 256 : i32
      %dma_wait3A_104 = arith.constant 0 : i32
      %dma_wait3A_105 = tpu.memref_slice %arg6[%dma_wait3A_103, %dma_wait3A_104] : memref<512x16xf32, #tpu.memory_space<vmem>> -> memref<128x16xf32, #tpu.memory_space<vmem>>
      %dma_wait3A_106 = arith.constant 256 : i32
      %dma_wait3A_107 = tpu.memref_slice %arg5[%mul3A_80, %dma_wait3A_106] : memref<26x512xi32, #tpu.memory_space<vmem>> -> memref<1x128xi32, #tpu.memory_space<vmem>>
      %dma_wait3A_108 = tpu.memref_squeeze %dma_wait3A_107 : memref<1x128xi32, #tpu.memory_space<vmem>> -> memref<128xi32, #tpu.memory_space<vmem>>
      %dma_wait3A_109 = arith.constant 0 : i32
      %dma_wait3A_110 = arith.constant 0 : i32
      %dma_wait3A_111 = tpu.memref_slice %arg3[%dma_wait3A_109, %dma_wait3A_110] : memref<1000000x16xf32, #tpu.memory_space<hbm>> -> memref<1000000x16xf32, #tpu.memory_space<hbm>>
      tpu.wait_indirect_dma semaphore(%arg10 : memref<!tpu.dma_semaphore, #tpu.memory_space<semaphore_mem>>) src(%dma_wait3A_111 : memref<1000000x16xf32, #tpu.memory_space<hbm>>) dst(%dma_wait3A_105 : memref<128x16xf32, #tpu.memory_space<vmem>>)
      %dma_wait3A_112 = arith.constant 384 : i32
      %dma_wait3A_113 = arith.constant 0 : i32
      %dma_wait3A_114 = tpu.memref_slice %arg6[%dma_wait3A_112, %dma_wait3A_113] : memref<512x16xf32, #tpu.memory_space<vmem>> -> memref<128x16xf32, #tpu.memory_space<vmem>>
      %dma_wait3A_115 = arith.constant 384 : i32
      %dma_wait3A_116 = tpu.memref_slice %arg5[%mul3A_80, %dma_wait3A_115] : memref<26x512xi32, #tpu.memory_space<vmem>> -> memref<1x128xi32, #tpu.memory_space<vmem>>
      %dma_wait3A_117 = tpu.memref_squeeze %dma_wait3A_116 : memref<1x128xi32, #tpu.memory_space<vmem>> -> memref<128xi32, #tpu.memory_space<vmem>>
      %dma_wait3A_118 = arith.constant 0 : i32
      %dma_wait3A_119 = arith.constant 0 : i32
      %dma_wait3A_120 = tpu.memref_slice %arg3[%dma_wait3A_118, %dma_wait3A_119] : memref<1000000x16xf32, #tpu.memory_space<hbm>> -> memref<1000000x16xf32, #tpu.memory_space<hbm>>
      tpu.wait_indirect_dma semaphore(%arg10 : memref<!tpu.dma_semaphore, #tpu.memory_space<semaphore_mem>>) src(%dma_wait3A_120 : memref<1000000x16xf32, #tpu.memory_space<hbm>>) dst(%dma_wait3A_114 : memref<128x16xf32, #tpu.memory_space<vmem>>)
      %ge3A = arith.constant 2 : i32
      %ge3A_121 = arith.cmpi sge, %mul3A_80, %ge3A : i32
      %convert_element_type3A_122 = arith.extui %ge3A_121 : i1 to i32
      %cond3A_123 = arith.constant 0 : i32
      %cond3A_124 = arith.cmpi ne, %convert_element_type3A_122, %cond3A_123 : i32
      scf.if %cond3A_124 {
        %sub3A = arith.constant 2 : i32
        %sub3A_215 = arith.subi %mul3A_80, %sub3A : i32
        %mul3A_216 = arith.constant 4 : i32
        %mul3A_217 = arith.muli %add3A, %mul3A_216 : i32
        %dma_wait3A_218 = arith.constant 0 : i32
        %dma_wait3A_219 = arith.constant 0 : i32
        %dma_wait3A_220 = arith.constant 0 : i32
        %dma_wait3A_221 = tpu.memref_slice %arg4[%sub3A_215, %dma_wait3A_218, %mul3A_217, %dma_wait3A_219, %dma_wait3A_220] : memref<26x2x128x8x128xf32, #tpu.memory_space<hbm>> -> memref<1x2x4x8x128xf32, #tpu.memory_space<hbm>>
        %dma_wait3A_222 = tpu.memref_squeeze %dma_wait3A_221 : memref<1x2x4x8x128xf32, #tpu.memory_space<hbm>> -> memref<2x4x8x128xf32, #tpu.memory_space<hbm>>
        %dma_wait3A_223 = arith.constant 0 : i32
        %dma_wait3A_224 = arith.constant 0 : i32
        %dma_wait3A_225 = arith.constant 0 : i32
        %dma_wait3A_226 = tpu.memref_slice %arg4[%sub3A_215, %dma_wait3A_223, %mul3A_217, %dma_wait3A_224, %dma_wait3A_225] : memref<26x2x128x8x128xf32, #tpu.memory_space<hbm>> -> memref<1x2x4x8x128xf32, #tpu.memory_space<hbm>>
        %dma_wait3A_227 = tpu.memref_squeeze %dma_wait3A_226 : memref<1x2x4x8x128xf32, #tpu.memory_space<hbm>> -> memref<2x4x8x128xf32, #tpu.memory_space<hbm>>
        tpu.wait_dma2 semaphore(%arg12 : memref<!tpu.dma_semaphore, #tpu.memory_space<semaphore_mem>>) src(%arg8 : memref<2x4x8x128xf32, #tpu.memory_space<vmem>>) dst(%dma_wait3A_227 : memref<2x4x8x128xf32, #tpu.memory_space<hbm>>)
      } else {
      }
      %scan3A_125 = arith.constant 0 : i32
      %scan3A_126 = arith.constant 0 : i32
      %scan3A_127 = arith.constant 32 : i32
      %scan3A_128 = arith.addi %scan3A_126, %scan3A_127 : i32
      %scan3A_129 = arith.constant 1 : i32
      %scan3A_130 = scf.for %scan3A_215 = %scan3A_126 to %scan3A_128 step %scan3A_129 iter_args(%scan3A_216 = %scan3A_125) -> (i32)  : i32 {
        %mul3A_217 = arith.constant 16 : i32
        %mul3A_218 = arith.muli %scan3A_215, %mul3A_217 : i32
        %iota3A = tpu.iota {dimensions = array<i32: 0>} : vector<16xi32>
        %add3A_219 = vector.broadcast %mul3A_218 : i32 to vector<16xi32>
        %add3A_220 = arith.addi %add3A_219, %iota3A : vector<16xi32>
        %broadcast_in_dim3A = arith.constant 0.000000e+00 : f32
        %broadcast_in_dim3A_221 = vector.broadcast %broadcast_in_dim3A : f32 to vector<16xf32>
        %add3A_222 = arith.constant 0 : i32
        %add3A_223 = vector.broadcast %add3A_222 : i32 to vector<16xi32>
        %add3A_224 = arith.addi %iota3A, %add3A_223 : vector<16xi32>
        %and3A = arith.constant 15 : i32
        %and3A_225 = vector.broadcast %and3A : i32 to vector<16xi32>
        %and3A_226 = arith.andi %add3A_224, %and3A_225 : vector<16xi32>
        %gather3A = tpu.vector_load_idx %arg6[%add3A_220, %and3A_226] : memref<512x16xf32, #tpu.memory_space<vmem>>[vector<16xi32>, vector<16xi32>], vector<16xf32>,
        %mul3A_227 = arith.mulf %gather3A, %gather3A : vector<16xf32>
        %add3A_228 = arith.addf %broadcast_in_dim3A_221, %mul3A_227 : vector<16xf32>
        %add3A_229 = arith.constant 1 : i32
        %add3A_230 = vector.broadcast %add3A_229 : i32 to vector<16xi32>
        %add3A_231 = arith.addi %iota3A, %add3A_230 : vector<16xi32>
        %and3A_232 = arith.constant 15 : i32
        %and3A_233 = vector.broadcast %and3A_232 : i32 to vector<16xi32>
        %and3A_234 = arith.andi %add3A_231, %and3A_233 : vector<16xi32>
        %gather3A_235 = tpu.vector_load_idx %arg6[%add3A_220, %and3A_234] : memref<512x16xf32, #tpu.memory_space<vmem>>[vector<16xi32>, vector<16xi32>], vector<16xf32>,
        %mul3A_236 = arith.mulf %gather3A_235, %gather3A_235 : vector<16xf32>
        %add3A_237 = arith.addf %add3A_228, %mul3A_236 : vector<16xf32>
        %add3A_238 = arith.constant 2 : i32
        %add3A_239 = vector.broadcast %add3A_238 : i32 to vector<16xi32>
        %add3A_240 = arith.addi %iota3A, %add3A_239 : vector<16xi32>
        %and3A_241 = arith.constant 15 : i32
        %and3A_242 = vector.broadcast %and3A_241 : i32 to vector<16xi32>
        %and3A_243 = arith.andi %add3A_240, %and3A_242 : vector<16xi32>
        %gather3A_244 = tpu.vector_load_idx %arg6[%add3A_220, %and3A_243] : memref<512x16xf32, #tpu.memory_space<vmem>>[vector<16xi32>, vector<16xi32>], vector<16xf32>,
        %mul3A_245 = arith.mulf %gather3A_244, %gather3A_244 : vector<16xf32>
        %add3A_246 = arith.addf %add3A_237, %mul3A_245 : vector<16xf32>
        %add3A_247 = arith.constant 3 : i32
        %add3A_248 = vector.broadcast %add3A_247 : i32 to vector<16xi32>
        %add3A_249 = arith.addi %iota3A, %add3A_248 : vector<16xi32>
        %and3A_250 = arith.constant 15 : i32
        %and3A_251 = vector.broadcast %and3A_250 : i32 to vector<16xi32>
        %and3A_252 = arith.andi %add3A_249, %and3A_251 : vector<16xi32>
        %gather3A_253 = tpu.vector_load_idx %arg6[%add3A_220, %and3A_252] : memref<512x16xf32, #tpu.memory_space<vmem>>[vector<16xi32>, vector<16xi32>], vector<16xf32>,
        %mul3A_254 = arith.mulf %gather3A_253, %gather3A_253 : vector<16xf32>
        %add3A_255 = arith.addf %add3A_246, %mul3A_254 : vector<16xf32>
        %add3A_256 = arith.constant 4 : i32
        %add3A_257 = vector.broadcast %add3A_256 : i32 to vector<16xi32>
        %add3A_258 = arith.addi %iota3A, %add3A_257 : vector<16xi32>
        %and3A_259 = arith.constant 15 : i32
        %and3A_260 = vector.broadcast %and3A_259 : i32 to vector<16xi32>
        %and3A_261 = arith.andi %add3A_258, %and3A_260 : vector<16xi32>
        %gather3A_262 = tpu.vector_load_idx %arg6[%add3A_220, %and3A_261] : memref<512x16xf32, #tpu.memory_space<vmem>>[vector<16xi32>, vector<16xi32>], vector<16xf32>,
        %mul3A_263 = arith.mulf %gather3A_262, %gather3A_262 : vector<16xf32>
        %add3A_264 = arith.addf %add3A_255, %mul3A_263 : vector<16xf32>
        %add3A_265 = arith.constant 5 : i32
        %add3A_266 = vector.broadcast %add3A_265 : i32 to vector<16xi32>
        %add3A_267 = arith.addi %iota3A, %add3A_266 : vector<16xi32>
        %and3A_268 = arith.constant 15 : i32
        %and3A_269 = vector.broadcast %and3A_268 : i32 to vector<16xi32>
        %and3A_270 = arith.andi %add3A_267, %and3A_269 : vector<16xi32>
        %gather3A_271 = tpu.vector_load_idx %arg6[%add3A_220, %and3A_270] : memref<512x16xf32, #tpu.memory_space<vmem>>[vector<16xi32>, vector<16xi32>], vector<16xf32>,
        %mul3A_272 = arith.mulf %gather3A_271, %gather3A_271 : vector<16xf32>
        %add3A_273 = arith.addf %add3A_264, %mul3A_272 : vector<16xf32>
        %add3A_274 = arith.constant 6 : i32
        %add3A_275 = vector.broadcast %add3A_274 : i32 to vector<16xi32>
        %add3A_276 = arith.addi %iota3A, %add3A_275 : vector<16xi32>
        %and3A_277 = arith.constant 15 : i32
        %and3A_278 = vector.broadcast %and3A_277 : i32 to vector<16xi32>
        %and3A_279 = arith.andi %add3A_276, %and3A_278 : vector<16xi32>
        %gather3A_280 = tpu.vector_load_idx %arg6[%add3A_220, %and3A_279] : memref<512x16xf32, #tpu.memory_space<vmem>>[vector<16xi32>, vector<16xi32>], vector<16xf32>,
        %mul3A_281 = arith.mulf %gather3A_280, %gather3A_280 : vector<16xf32>
        %add3A_282 = arith.addf %add3A_273, %mul3A_281 : vector<16xf32>
        %add3A_283 = arith.constant 7 : i32
        %add3A_284 = vector.broadcast %add3A_283 : i32 to vector<16xi32>
        %add3A_285 = arith.addi %iota3A, %add3A_284 : vector<16xi32>
        %and3A_286 = arith.constant 15 : i32
        %and3A_287 = vector.broadcast %and3A_286 : i32 to vector<16xi32>
        %and3A_288 = arith.andi %add3A_285, %and3A_287 : vector<16xi32>
        %gather3A_289 = tpu.vector_load_idx %arg6[%add3A_220, %and3A_288] : memref<512x16xf32, #tpu.memory_space<vmem>>[vector<16xi32>, vector<16xi32>], vector<16xf32>,
        %mul3A_290 = arith.mulf %gather3A_289, %gather3A_289 : vector<16xf32>
        %add3A_291 = arith.addf %add3A_282, %mul3A_290 : vector<16xf32>
        %add3A_292 = arith.constant 8 : i32
        %add3A_293 = vector.broadcast %add3A_292 : i32 to vector<16xi32>
        %add3A_294 = arith.addi %iota3A, %add3A_293 : vector<16xi32>
        %and3A_295 = arith.constant 15 : i32
        %and3A_296 = vector.broadcast %and3A_295 : i32 to vector<16xi32>
        %and3A_297 = arith.andi %add3A_294, %and3A_296 : vector<16xi32>
        %gather3A_298 = tpu.vector_load_idx %arg6[%add3A_220, %and3A_297] : memref<512x16xf32, #tpu.memory_space<vmem>>[vector<16xi32>, vector<16xi32>], vector<16xf32>,
        %mul3A_299 = arith.mulf %gather3A_298, %gather3A_298 : vector<16xf32>
        %add3A_300 = arith.addf %add3A_291, %mul3A_299 : vector<16xf32>
        %add3A_301 = arith.constant 9 : i32
        %add3A_302 = vector.broadcast %add3A_301 : i32 to vector<16xi32>
        %add3A_303 = arith.addi %iota3A, %add3A_302 : vector<16xi32>
        %and3A_304 = arith.constant 15 : i32
        %and3A_305 = vector.broadcast %and3A_304 : i32 to vector<16xi32>
        %and3A_306 = arith.andi %add3A_303, %and3A_305 : vector<16xi32>
        %gather3A_307 = tpu.vector_load_idx %arg6[%add3A_220, %and3A_306] : memref<512x16xf32, #tpu.memory_space<vmem>>[vector<16xi32>, vector<16xi32>], vector<16xf32>,
        %mul3A_308 = arith.mulf %gather3A_307, %gather3A_307 : vector<16xf32>
        %add3A_309 = arith.addf %add3A_300, %mul3A_308 : vector<16xf32>
        %add3A_310 = arith.constant 10 : i32
        %add3A_311 = vector.broadcast %add3A_310 : i32 to vector<16xi32>
        %add3A_312 = arith.addi %iota3A, %add3A_311 : vector<16xi32>
        %and3A_313 = arith.constant 15 : i32
        %and3A_314 = vector.broadcast %and3A_313 : i32 to vector<16xi32>
        %and3A_315 = arith.andi %add3A_312, %and3A_314 : vector<16xi32>
        %gather3A_316 = tpu.vector_load_idx %arg6[%add3A_220, %and3A_315] : memref<512x16xf32, #tpu.memory_space<vmem>>[vector<16xi32>, vector<16xi32>], vector<16xf32>,
        %mul3A_317 = arith.mulf %gather3A_316, %gather3A_316 : vector<16xf32>
        %add3A_318 = arith.addf %add3A_309, %mul3A_317 : vector<16xf32>
        %add3A_319 = arith.constant 11 : i32
        %add3A_320 = vector.broadcast %add3A_319 : i32 to vector<16xi32>
        %add3A_321 = arith.addi %iota3A, %add3A_320 : vector<16xi32>
        %and3A_322 = arith.constant 15 : i32
        %and3A_323 = vector.broadcast %and3A_322 : i32 to vector<16xi32>
        %and3A_324 = arith.andi %add3A_321, %and3A_323 : vector<16xi32>
        %gather3A_325 = tpu.vector_load_idx %arg6[%add3A_220, %and3A_324] : memref<512x16xf32, #tpu.memory_space<vmem>>[vector<16xi32>, vector<16xi32>], vector<16xf32>,
        %mul3A_326 = arith.mulf %gather3A_325, %gather3A_325 : vector<16xf32>
        %add3A_327 = arith.addf %add3A_318, %mul3A_326 : vector<16xf32>
        %add3A_328 = arith.constant 12 : i32
        %add3A_329 = vector.broadcast %add3A_328 : i32 to vector<16xi32>
        %add3A_330 = arith.addi %iota3A, %add3A_329 : vector<16xi32>
        %and3A_331 = arith.constant 15 : i32
        %and3A_332 = vector.broadcast %and3A_331 : i32 to vector<16xi32>
        %and3A_333 = arith.andi %add3A_330, %and3A_332 : vector<16xi32>
        %gather3A_334 = tpu.vector_load_idx %arg6[%add3A_220, %and3A_333] : memref<512x16xf32, #tpu.memory_space<vmem>>[vector<16xi32>, vector<16xi32>], vector<16xf32>,
        %mul3A_335 = arith.mulf %gather3A_334, %gather3A_334 : vector<16xf32>
        %add3A_336 = arith.addf %add3A_327, %mul3A_335 : vector<16xf32>
        %add3A_337 = arith.constant 13 : i32
        %add3A_338 = vector.broadcast %add3A_337 : i32 to vector<16xi32>
        %add3A_339 = arith.addi %iota3A, %add3A_338 : vector<16xi32>
        %and3A_340 = arith.constant 15 : i32
        %and3A_341 = vector.broadcast %and3A_340 : i32 to vector<16xi32>
        %and3A_342 = arith.andi %add3A_339, %and3A_341 : vector<16xi32>
        %gather3A_343 = tpu.vector_load_idx %arg6[%add3A_220, %and3A_342] : memref<512x16xf32, #tpu.memory_space<vmem>>[vector<16xi32>, vector<16xi32>], vector<16xf32>,
        %mul3A_344 = arith.mulf %gather3A_343, %gather3A_343 : vector<16xf32>
        %add3A_345 = arith.addf %add3A_336, %mul3A_344 : vector<16xf32>
        %add3A_346 = arith.constant 14 : i32
        %add3A_347 = vector.broadcast %add3A_346 : i32 to vector<16xi32>
        %add3A_348 = arith.addi %iota3A, %add3A_347 : vector<16xi32>
        %and3A_349 = arith.constant 15 : i32
        %and3A_350 = vector.broadcast %and3A_349 : i32 to vector<16xi32>
        %and3A_351 = arith.andi %add3A_348, %and3A_350 : vector<16xi32>
        %gather3A_352 = tpu.vector_load_idx %arg6[%add3A_220, %and3A_351] : memref<512x16xf32, #tpu.memory_space<vmem>>[vector<16xi32>, vector<16xi32>], vector<16xf32>,
        %mul3A_353 = arith.mulf %gather3A_352, %gather3A_352 : vector<16xf32>
        %add3A_354 = arith.addf %add3A_345, %mul3A_353 : vector<16xf32>
        %add3A_355 = arith.constant 15 : i32
        %add3A_356 = vector.broadcast %add3A_355 : i32 to vector<16xi32>
        %add3A_357 = arith.addi %iota3A, %add3A_356 : vector<16xi32>
        %and3A_358 = arith.constant 15 : i32
        %and3A_359 = vector.broadcast %and3A_358 : i32 to vector<16xi32>
        %and3A_360 = arith.andi %add3A_357, %and3A_359 : vector<16xi32>
        %gather3A_361 = tpu.vector_load_idx %arg6[%add3A_220, %and3A_360] : memref<512x16xf32, #tpu.memory_space<vmem>>[vector<16xi32>, vector<16xi32>], vector<16xf32>,
        %mul3A_362 = arith.mulf %gather3A_361, %gather3A_361 : vector<16xf32>
        %add3A_363 = arith.addf %add3A_354, %mul3A_362 : vector<16xf32>
        %bitcast3A = vector.bitcast %add3A_363 : vector<16xf32> to vector<16xi32>
        %shift_right_arithmetic3A = arith.constant 1 : i32
        %shift_right_arithmetic3A_364 = vector.broadcast %shift_right_arithmetic3A : i32 to vector<16xi32>
        %shift_right_arithmetic3A_365 = arith.shrsi %bitcast3A, %shift_right_arithmetic3A_364 : vector<16xi32>
        %sub3A = arith.constant 1597463007 : i32
        %sub3A_366 = vector.broadcast %sub3A : i32 to vector<16xi32>
        %sub3A_367 = arith.subi %sub3A_366, %shift_right_arithmetic3A_365 : vector<16xi32>
        %bitcast3A_368 = vector.bitcast %sub3A_367 : vector<16xi32> to vector<16xf32>
        %mul3A_369 = arith.constant 5.000000e-01 : f32
        %mul3A_370 = vector.broadcast %mul3A_369 : f32 to vector<16xf32>
        %mul3A_371 = arith.mulf %mul3A_370, %add3A_363 : vector<16xf32>
        %mul3A_372 = arith.mulf %mul3A_371, %bitcast3A_368 : vector<16xf32>
        %mul3A_373 = arith.mulf %mul3A_372, %bitcast3A_368 : vector<16xf32>
        %sub3A_374 = arith.constant 1.500000e+00 : f32
        %sub3A_375 = vector.broadcast %sub3A_374 : f32 to vector<16xf32>
        %sub3A_376 = arith.subf %sub3A_375, %mul3A_373 : vector<16xf32>
        %mul3A_377 = arith.mulf %bitcast3A_368, %sub3A_376 : vector<16xf32>
        %mul3A_378 = arith.constant 5.000000e-01 : f32
        %mul3A_379 = vector.broadcast %mul3A_378 : f32 to vector<16xf32>
        %mul3A_380 = arith.mulf %mul3A_379, %add3A_363 : vector<16xf32>
        %mul3A_381 = arith.mulf %mul3A_380, %mul3A_377 : vector<16xf32>
        %mul3A_382 = arith.mulf %mul3A_381, %mul3A_377 : vector<16xf32>
        %sub3A_383 = arith.constant 1.500000e+00 : f32
        %sub3A_384 = vector.broadcast %sub3A_383 : f32 to vector<16xf32>
        %sub3A_385 = arith.subf %sub3A_384, %mul3A_382 : vector<16xf32>
        %mul3A_386 = arith.mulf %mul3A_377, %sub3A_385 : vector<16xf32>
        %mul3A_387 = arith.constant 5.000000e-01 : f32
        %mul3A_388 = vector.broadcast %mul3A_387 : f32 to vector<16xf32>
        %mul3A_389 = arith.mulf %mul3A_388, %add3A_363 : vector<16xf32>
        %mul3A_390 = arith.mulf %mul3A_389, %mul3A_386 : vector<16xf32>
        %mul3A_391 = arith.mulf %mul3A_390, %mul3A_386 : vector<16xf32>
        %sub3A_392 = arith.constant 1.500000e+00 : f32
        %sub3A_393 = vector.broadcast %sub3A_392 : f32 to vector<16xf32>
        %sub3A_394 = arith.subf %sub3A_393, %mul3A_391 : vector<16xf32>
        %mul3A_395 = arith.mulf %mul3A_386, %sub3A_394 : vector<16xf32>
        %gt3A = arith.constant 0.999979972 : f32
        %gt3A_396 = vector.broadcast %gt3A : f32 to vector<16xf32>
        %gt3A_397 = arith.cmpf ogt, %add3A_363, %gt3A_396 : vector<16xf32>
        %mul3A_398 = arith.constant 0.999989986 : f32
        %mul3A_399 = vector.broadcast %mul3A_398 : f32 to vector<16xf32>
        %mul3A_400 = arith.mulf %mul3A_399, %mul3A_395 : vector<16xf32>
        %jit3A = arith.constant 1.000000e+00 : f32
        %broadcast_in_dim3A_401 = vector.broadcast %jit3A : f32 to vector<16xf32>
        %select_n3A = arith.select %gt3A_397, %mul3A_400, %broadcast_in_dim3A_401 : vector<16xi1>, vector<16xf32>
        %shift_right_arithmetic3A_402 = arith.constant 7 : i32
        %shift_right_arithmetic3A_403 = vector.broadcast %shift_right_arithmetic3A_402 : i32 to vector<16xi32>
        %shift_right_arithmetic3A_404 = arith.shrsi %add3A_220, %shift_right_arithmetic3A_403 : vector<16xi32>
        %and3A_405 = arith.constant 127 : i32
        %and3A_406 = vector.broadcast %and3A_405 : i32 to vector<16xi32>
        %and3A_407 = arith.andi %add3A_220, %and3A_406 : vector<16xi32>
        %shift_right_arithmetic3A_408 = arith.constant 3 : i32
        %shift_right_arithmetic3A_409 = vector.broadcast %shift_right_arithmetic3A_408 : i32 to vector<16xi32>
        %shift_right_arithmetic3A_410 = arith.shrsi %and3A_226, %shift_right_arithmetic3A_409 : vector<16xi32>
        %and3A_411 = arith.constant 7 : i32
        %and3A_412 = vector.broadcast %and3A_411 : i32 to vector<16xi32>
        %and3A_413 = arith.andi %and3A_226, %and3A_412 : vector<16xi32>
        %mul3A_414 = arith.mulf %gather3A, %select_n3A : vector<16xf32>
        tpu.vector_store_idx %arg8[%shift_right_arithmetic3A_410, %shift_right_arithmetic3A_404, %and3A_413, %and3A_407], %mul3A_414 : memref<2x4x8x128xf32, #tpu.memory_space<vmem>>[vector<16xi32>, vector<16xi32>, vector<16xi32>, vector<16xi32>], vector<16xf32>,
        %shift_right_arithmetic3A_415 = arith.constant 3 : i32
        %shift_right_arithmetic3A_416 = vector.broadcast %shift_right_arithmetic3A_415 : i32 to vector<16xi32>
        %shift_right_arithmetic3A_417 = arith.shrsi %and3A_234, %shift_right_arithmetic3A_416 : vector<16xi32>
        %and3A_418 = arith.constant 7 : i32
        %and3A_419 = vector.broadcast %and3A_418 : i32 to vector<16xi32>
        %and3A_420 = arith.andi %and3A_234, %and3A_419 : vector<16xi32>
        %mul3A_421 = arith.mulf %gather3A_235, %select_n3A : vector<16xf32>
        tpu.vector_store_idx %arg8[%shift_right_arithmetic3A_417, %shift_right_arithmetic3A_404, %and3A_420, %and3A_407], %mul3A_421 : memref<2x4x8x128xf32, #tpu.memory_space<vmem>>[vector<16xi32>, vector<16xi32>, vector<16xi32>, vector<16xi32>], vector<16xf32>,
        %shift_right_arithmetic3A_422 = arith.constant 3 : i32
        %shift_right_arithmetic3A_423 = vector.broadcast %shift_right_arithmetic3A_422 : i32 to vector<16xi32>
        %shift_right_arithmetic3A_424 = arith.shrsi %and3A_243, %shift_right_arithmetic3A_423 : vector<16xi32>
        %and3A_425 = arith.constant 7 : i32
        %and3A_426 = vector.broadcast %and3A_425 : i32 to vector<16xi32>
        %and3A_427 = arith.andi %and3A_243, %and3A_426 : vector<16xi32>
        %mul3A_428 = arith.mulf %gather3A_244, %select_n3A : vector<16xf32>
        tpu.vector_store_idx %arg8[%shift_right_arithmetic3A_424, %shift_right_arithmetic3A_404, %and3A_427, %and3A_407], %mul3A_428 : memref<2x4x8x128xf32, #tpu.memory_space<vmem>>[vector<16xi32>, vector<16xi32>, vector<16xi32>, vector<16xi32>], vector<16xf32>,
        %shift_right_arithmetic3A_429 = arith.constant 3 : i32
        %shift_right_arithmetic3A_430 = vector.broadcast %shift_right_arithmetic3A_429 : i32 to vector<16xi32>
        %shift_right_arithmetic3A_431 = arith.shrsi %and3A_252, %shift_right_arithmetic3A_430 : vector<16xi32>
        %and3A_432 = arith.constant 7 : i32
        %and3A_433 = vector.broadcast %and3A_432 : i32 to vector<16xi32>
        %and3A_434 = arith.andi %and3A_252, %and3A_433 : vector<16xi32>
        %mul3A_435 = arith.mulf %gather3A_253, %select_n3A : vector<16xf32>
        tpu.vector_store_idx %arg8[%shift_right_arithmetic3A_431, %shift_right_arithmetic3A_404, %and3A_434, %and3A_407], %mul3A_435 : memref<2x4x8x128xf32, #tpu.memory_space<vmem>>[vector<16xi32>, vector<16xi32>, vector<16xi32>, vector<16xi32>], vector<16xf32>,
        %shift_right_arithmetic3A_436 = arith.constant 3 : i32
        %shift_right_arithmetic3A_437 = vector.broadcast %shift_right_arithmetic3A_436 : i32 to vector<16xi32>
        %shift_right_arithmetic3A_438 = arith.shrsi %and3A_261, %shift_right_arithmetic3A_437 : vector<16xi32>
        %and3A_439 = arith.constant 7 : i32
        %and3A_440 = vector.broadcast %and3A_439 : i32 to vector<16xi32>
        %and3A_441 = arith.andi %and3A_261, %and3A_440 : vector<16xi32>
        %mul3A_442 = arith.mulf %gather3A_262, %select_n3A : vector<16xf32>
        tpu.vector_store_idx %arg8[%shift_right_arithmetic3A_438, %shift_right_arithmetic3A_404, %and3A_441, %and3A_407], %mul3A_442 : memref<2x4x8x128xf32, #tpu.memory_space<vmem>>[vector<16xi32>, vector<16xi32>, vector<16xi32>, vector<16xi32>], vector<16xf32>,
        %shift_right_arithmetic3A_443 = arith.constant 3 : i32
        %shift_right_arithmetic3A_444 = vector.broadcast %shift_right_arithmetic3A_443 : i32 to vector<16xi32>
        %shift_right_arithmetic3A_445 = arith.shrsi %and3A_270, %shift_right_arithmetic3A_444 : vector<16xi32>
        %and3A_446 = arith.constant 7 : i32
        %and3A_447 = vector.broadcast %and3A_446 : i32 to vector<16xi32>
        %and3A_448 = arith.andi %and3A_270, %and3A_447 : vector<16xi32>
        %mul3A_449 = arith.mulf %gather3A_271, %select_n3A : vector<16xf32>
        tpu.vector_store_idx %arg8[%shift_right_arithmetic3A_445, %shift_right_arithmetic3A_404, %and3A_448, %and3A_407], %mul3A_449 : memref<2x4x8x128xf32, #tpu.memory_space<vmem>>[vector<16xi32>, vector<16xi32>, vector<16xi32>, vector<16xi32>], vector<16xf32>,
        %shift_right_arithmetic3A_450 = arith.constant 3 : i32
        %shift_right_arithmetic3A_451 = vector.broadcast %shift_right_arithmetic3A_450 : i32 to vector<16xi32>
        %shift_right_arithmetic3A_452 = arith.shrsi %and3A_279, %shift_right_arithmetic3A_451 : vector<16xi32>
        %and3A_453 = arith.constant 7 : i32
        %and3A_454 = vector.broadcast %and3A_453 : i32 to vector<16xi32>
        %and3A_455 = arith.andi %and3A_279, %and3A_454 : vector<16xi32>
        %mul3A_456 = arith.mulf %gather3A_280, %select_n3A : vector<16xf32>
        tpu.vector_store_idx %arg8[%shift_right_arithmetic3A_452, %shift_right_arithmetic3A_404, %and3A_455, %and3A_407], %mul3A_456 : memref<2x4x8x128xf32, #tpu.memory_space<vmem>>[vector<16xi32>, vector<16xi32>, vector<16xi32>, vector<16xi32>], vector<16xf32>,
        %shift_right_arithmetic3A_457 = arith.constant 3 : i32
        %shift_right_arithmetic3A_458 = vector.broadcast %shift_right_arithmetic3A_457 : i32 to vector<16xi32>
        %shift_right_arithmetic3A_459 = arith.shrsi %and3A_288, %shift_right_arithmetic3A_458 : vector<16xi32>
        %and3A_460 = arith.constant 7 : i32
        %and3A_461 = vector.broadcast %and3A_460 : i32 to vector<16xi32>
        %and3A_462 = arith.andi %and3A_288, %and3A_461 : vector<16xi32>
        %mul3A_463 = arith.mulf %gather3A_289, %select_n3A : vector<16xf32>
        tpu.vector_store_idx %arg8[%shift_right_arithmetic3A_459, %shift_right_arithmetic3A_404, %and3A_462, %and3A_407], %mul3A_463 : memref<2x4x8x128xf32, #tpu.memory_space<vmem>>[vector<16xi32>, vector<16xi32>, vector<16xi32>, vector<16xi32>], vector<16xf32>,
        %shift_right_arithmetic3A_464 = arith.constant 3 : i32
        %shift_right_arithmetic3A_465 = vector.broadcast %shift_right_arithmetic3A_464 : i32 to vector<16xi32>
        %shift_right_arithmetic3A_466 = arith.shrsi %and3A_297, %shift_right_arithmetic3A_465 : vector<16xi32>
        %and3A_467 = arith.constant 7 : i32
        %and3A_468 = vector.broadcast %and3A_467 : i32 to vector<16xi32>
        %and3A_469 = arith.andi %and3A_297, %and3A_468 : vector<16xi32>
        %mul3A_470 = arith.mulf %gather3A_298, %select_n3A : vector<16xf32>
        tpu.vector_store_idx %arg8[%shift_right_arithmetic3A_466, %shift_right_arithmetic3A_404, %and3A_469, %and3A_407], %mul3A_470 : memref<2x4x8x128xf32, #tpu.memory_space<vmem>>[vector<16xi32>, vector<16xi32>, vector<16xi32>, vector<16xi32>], vector<16xf32>,
        %shift_right_arithmetic3A_471 = arith.constant 3 : i32
        %shift_right_arithmetic3A_472 = vector.broadcast %shift_right_arithmetic3A_471 : i32 to vector<16xi32>
        %shift_right_arithmetic3A_473 = arith.shrsi %and3A_306, %shift_right_arithmetic3A_472 : vector<16xi32>
        %and3A_474 = arith.constant 7 : i32
        %and3A_475 = vector.broadcast %and3A_474 : i32 to vector<16xi32>
        %and3A_476 = arith.andi %and3A_306, %and3A_475 : vector<16xi32>
        %mul3A_477 = arith.mulf %gather3A_307, %select_n3A : vector<16xf32>
        tpu.vector_store_idx %arg8[%shift_right_arithmetic3A_473, %shift_right_arithmetic3A_404, %and3A_476, %and3A_407], %mul3A_477 : memref<2x4x8x128xf32, #tpu.memory_space<vmem>>[vector<16xi32>, vector<16xi32>, vector<16xi32>, vector<16xi32>], vector<16xf32>,
        %shift_right_arithmetic3A_478 = arith.constant 3 : i32
        %shift_right_arithmetic3A_479 = vector.broadcast %shift_right_arithmetic3A_478 : i32 to vector<16xi32>
        %shift_right_arithmetic3A_480 = arith.shrsi %and3A_315, %shift_right_arithmetic3A_479 : vector<16xi32>
        %and3A_481 = arith.constant 7 : i32
        %and3A_482 = vector.broadcast %and3A_481 : i32 to vector<16xi32>
        %and3A_483 = arith.andi %and3A_315, %and3A_482 : vector<16xi32>
        %mul3A_484 = arith.mulf %gather3A_316, %select_n3A : vector<16xf32>
        tpu.vector_store_idx %arg8[%shift_right_arithmetic3A_480, %shift_right_arithmetic3A_404, %and3A_483, %and3A_407], %mul3A_484 : memref<2x4x8x128xf32, #tpu.memory_space<vmem>>[vector<16xi32>, vector<16xi32>, vector<16xi32>, vector<16xi32>], vector<16xf32>,
        %shift_right_arithmetic3A_485 = arith.constant 3 : i32
        %shift_right_arithmetic3A_486 = vector.broadcast %shift_right_arithmetic3A_485 : i32 to vector<16xi32>
        %shift_right_arithmetic3A_487 = arith.shrsi %and3A_324, %shift_right_arithmetic3A_486 : vector<16xi32>
        %and3A_488 = arith.constant 7 : i32
        %and3A_489 = vector.broadcast %and3A_488 : i32 to vector<16xi32>
        %and3A_490 = arith.andi %and3A_324, %and3A_489 : vector<16xi32>
        %mul3A_491 = arith.mulf %gather3A_325, %select_n3A : vector<16xf32>
        tpu.vector_store_idx %arg8[%shift_right_arithmetic3A_487, %shift_right_arithmetic3A_404, %and3A_490, %and3A_407], %mul3A_491 : memref<2x4x8x128xf32, #tpu.memory_space<vmem>>[vector<16xi32>, vector<16xi32>, vector<16xi32>, vector<16xi32>], vector<16xf32>,
        %shift_right_arithmetic3A_492 = arith.constant 3 : i32
        %shift_right_arithmetic3A_493 = vector.broadcast %shift_right_arithmetic3A_492 : i32 to vector<16xi32>
        %shift_right_arithmetic3A_494 = arith.shrsi %and3A_333, %shift_right_arithmetic3A_493 : vector<16xi32>
        %and3A_495 = arith.constant 7 : i32
        %and3A_496 = vector.broadcast %and3A_495 : i32 to vector<16xi32>
        %and3A_497 = arith.andi %and3A_333, %and3A_496 : vector<16xi32>
        %mul3A_498 = arith.mulf %gather3A_334, %select_n3A : vector<16xf32>
        tpu.vector_store_idx %arg8[%shift_right_arithmetic3A_494, %shift_right_arithmetic3A_404, %and3A_497, %and3A_407], %mul3A_498 : memref<2x4x8x128xf32, #tpu.memory_space<vmem>>[vector<16xi32>, vector<16xi32>, vector<16xi32>, vector<16xi32>], vector<16xf32>,
        %shift_right_arithmetic3A_499 = arith.constant 3 : i32
        %shift_right_arithmetic3A_500 = vector.broadcast %shift_right_arithmetic3A_499 : i32 to vector<16xi32>
        %shift_right_arithmetic3A_501 = arith.shrsi %and3A_342, %shift_right_arithmetic3A_500 : vector<16xi32>
        %and3A_502 = arith.constant 7 : i32
        %and3A_503 = vector.broadcast %and3A_502 : i32 to vector<16xi32>
        %and3A_504 = arith.andi %and3A_342, %and3A_503 : vector<16xi32>
        %mul3A_505 = arith.mulf %gather3A_343, %select_n3A : vector<16xf32>
        tpu.vector_store_idx %arg8[%shift_right_arithmetic3A_501, %shift_right_arithmetic3A_404, %and3A_504, %and3A_407], %mul3A_505 : memref<2x4x8x128xf32, #tpu.memory_space<vmem>>[vector<16xi32>, vector<16xi32>, vector<16xi32>, vector<16xi32>], vector<16xf32>,
        %shift_right_arithmetic3A_506 = arith.constant 3 : i32
        %shift_right_arithmetic3A_507 = vector.broadcast %shift_right_arithmetic3A_506 : i32 to vector<16xi32>
        %shift_right_arithmetic3A_508 = arith.shrsi %and3A_351, %shift_right_arithmetic3A_507 : vector<16xi32>
        %and3A_509 = arith.constant 7 : i32
        %and3A_510 = vector.broadcast %and3A_509 : i32 to vector<16xi32>
        %and3A_511 = arith.andi %and3A_351, %and3A_510 : vector<16xi32>
        %mul3A_512 = arith.mulf %gather3A_352, %select_n3A : vector<16xf32>
        tpu.vector_store_idx %arg8[%shift_right_arithmetic3A_508, %shift_right_arithmetic3A_404, %and3A_511, %and3A_407], %mul3A_512 : memref<2x4x8x128xf32, #tpu.memory_space<vmem>>[vector<16xi32>, vector<16xi32>, vector<16xi32>, vector<16xi32>], vector<16xf32>,
        %shift_right_arithmetic3A_513 = arith.constant 3 : i32
        %shift_right_arithmetic3A_514 = vector.broadcast %shift_right_arithmetic3A_513 : i32 to vector<16xi32>
        %shift_right_arithmetic3A_515 = arith.shrsi %and3A_360, %shift_right_arithmetic3A_514 : vector<16xi32>
        %and3A_516 = arith.constant 7 : i32
        %and3A_517 = vector.broadcast %and3A_516 : i32 to vector<16xi32>
        %and3A_518 = arith.andi %and3A_360, %and3A_517 : vector<16xi32>
        %mul3A_519 = arith.mulf %gather3A_361, %select_n3A : vector<16xf32>
        tpu.vector_store_idx %arg8[%shift_right_arithmetic3A_515, %shift_right_arithmetic3A_404, %and3A_518, %and3A_407], %mul3A_519 : memref<2x4x8x128xf32, #tpu.memory_space<vmem>>[vector<16xi32>, vector<16xi32>, vector<16xi32>, vector<16xi32>], vector<16xf32>,
        %scan3A_520 = arith.constant 0 : i32
        scf.yield %scan3A_520 : i32
      }
      %scan3A_131 = arith.constant 32 : i32
      %mul3A_132 = arith.constant 4 : i32
      %mul3A_133 = arith.muli %add3A, %mul3A_132 : i32
      %dma_start3A_134 = arith.constant 0 : i32
      %dma_start3A_135 = arith.constant 0 : i32
      %dma_start3A_136 = arith.constant 0 : i32
      %dma_start3A_137 = tpu.memref_slice %arg4[%mul3A_80, %dma_start3A_134, %mul3A_133, %dma_start3A_135, %dma_start3A_136] : memref<26x2x128x8x128xf32, #tpu.memory_space<hbm>> -> memref<1x2x4x8x128xf32, #tpu.memory_space<hbm>>
      %dma_start3A_138 = tpu.memref_squeeze %dma_start3A_137 : memref<1x2x4x8x128xf32, #tpu.memory_space<hbm>> -> memref<2x4x8x128xf32, #tpu.memory_space<hbm>>
      %dma_start3A_139 = arith.constant 0 : i32
      %dma_start3A_140 = arith.constant 0 : i32
      %dma_start3A_141 = arith.constant 0 : i32
      %dma_start3A_142 = tpu.memref_slice %arg4[%mul3A_80, %dma_start3A_139, %mul3A_133, %dma_start3A_140, %dma_start3A_141] : memref<26x2x128x8x128xf32, #tpu.memory_space<hbm>> -> memref<1x2x4x8x128xf32, #tpu.memory_space<hbm>>
      %dma_start3A_143 = tpu.memref_squeeze %dma_start3A_142 : memref<1x2x4x8x128xf32, #tpu.memory_space<hbm>> -> memref<2x4x8x128xf32, #tpu.memory_space<hbm>>
      tpu.enqueue_dma source(%arg8 : memref<2x4x8x128xf32, #tpu.memory_space<vmem>>) target(%dma_start3A_143 : memref<2x4x8x128xf32, #tpu.memory_space<hbm>>) target_semaphore(%arg12 : memref<!tpu.dma_semaphore, #tpu.memory_space<semaphore_mem>>)
      %mul3A_144 = arith.constant 2 : i32
      %mul3A_145 = arith.muli %mul3A_144, %scan3A_78 : i32
      %add3A_146 = arith.constant 1 : i32
      %add3A_147 = arith.addi %mul3A_145, %add3A_146 : i32
      %add3A_148 = arith.constant 1 : i32
      %add3A_149 = arith.addi %add3A_147, %add3A_148 : i32
      %lt3A_150 = arith.constant 26 : i32
      %lt3A_151 = arith.cmpi slt, %add3A_149, %lt3A_150 : i32
      %convert_element_type3A_152 = arith.extui %lt3A_151 : i1 to i32
      %cond3A_153 = arith.constant 0 : i32
      %cond3A_154 = arith.cmpi ne, %convert_element_type3A_152, %cond3A_153 : i32
      scf.if %cond3A_154 {
        %add3A_215 = arith.constant 1 : i32
        %add3A_216 = arith.addi %add3A_147, %add3A_215 : i32
        %dma_start3A_217 = arith.constant 0 : i32
        %dma_start3A_218 = arith.constant 0 : i32
        %dma_start3A_219 = tpu.memref_slice %arg6[%dma_start3A_217, %dma_start3A_218] : memref<512x16xf32, #tpu.memory_space<vmem>> -> memref<128x16xf32, #tpu.memory_space<vmem>>
        %dma_start3A_220 = arith.constant 0 : i32
        %dma_start3A_221 = tpu.memref_slice %arg5[%add3A_216, %dma_start3A_220] : memref<26x512xi32, #tpu.memory_space<vmem>> -> memref<1x128xi32, #tpu.memory_space<vmem>>
        %dma_start3A_222 = tpu.memref_squeeze %dma_start3A_221 : memref<1x128xi32, #tpu.memory_space<vmem>> -> memref<128xi32, #tpu.memory_space<vmem>>
        %dma_start3A_223 = arith.constant 0 : i32
        %dma_start3A_224 = arith.constant 0 : i32
        %dma_start3A_225 = tpu.memref_slice %arg3[%dma_start3A_223, %dma_start3A_224] : memref<1000000x16xf32, #tpu.memory_space<hbm>> -> memref<1000000x16xf32, #tpu.memory_space<hbm>>
        tpu.enqueue_indirect_dma source(%dma_start3A_225 : memref<1000000x16xf32, #tpu.memory_space<hbm>>) target(%dma_start3A_219 : memref<128x16xf32, #tpu.memory_space<vmem>>) offsets(%dma_start3A_222 : memref<128xi32, #tpu.memory_space<vmem>>) semaphore(%arg10 : memref<!tpu.dma_semaphore, #tpu.memory_space<semaphore_mem>>)
        %dma_start3A_226 = arith.constant 128 : i32
        %dma_start3A_227 = arith.constant 0 : i32
        %dma_start3A_228 = tpu.memref_slice %arg6[%dma_start3A_226, %dma_start3A_227] : memref<512x16xf32, #tpu.memory_space<vmem>> -> memref<128x16xf32, #tpu.memory_space<vmem>>
        %dma_start3A_229 = arith.constant 128 : i32
        %dma_start3A_230 = tpu.memref_slice %arg5[%add3A_216, %dma_start3A_229] : memref<26x512xi32, #tpu.memory_space<vmem>> -> memref<1x128xi32, #tpu.memory_space<vmem>>
        %dma_start3A_231 = tpu.memref_squeeze %dma_start3A_230 : memref<1x128xi32, #tpu.memory_space<vmem>> -> memref<128xi32, #tpu.memory_space<vmem>>
        %dma_start3A_232 = arith.constant 0 : i32
        %dma_start3A_233 = arith.constant 0 : i32
        %dma_start3A_234 = tpu.memref_slice %arg3[%dma_start3A_232, %dma_start3A_233] : memref<1000000x16xf32, #tpu.memory_space<hbm>> -> memref<1000000x16xf32, #tpu.memory_space<hbm>>
        tpu.enqueue_indirect_dma source(%dma_start3A_234 : memref<1000000x16xf32, #tpu.memory_space<hbm>>) target(%dma_start3A_228 : memref<128x16xf32, #tpu.memory_space<vmem>>) offsets(%dma_start3A_231 : memref<128xi32, #tpu.memory_space<vmem>>) semaphore(%arg10 : memref<!tpu.dma_semaphore, #tpu.memory_space<semaphore_mem>>)
        %dma_start3A_235 = arith.constant 256 : i32
        %dma_start3A_236 = arith.constant 0 : i32
        %dma_start3A_237 = tpu.memref_slice %arg6[%dma_start3A_235, %dma_start3A_236] : memref<512x16xf32, #tpu.memory_space<vmem>> -> memref<128x16xf32, #tpu.memory_space<vmem>>
        %dma_start3A_238 = arith.constant 256 : i32
        %dma_start3A_239 = tpu.memref_slice %arg5[%add3A_216, %dma_start3A_238] : memref<26x512xi32, #tpu.memory_space<vmem>> -> memref<1x128xi32, #tpu.memory_space<vmem>>
        %dma_start3A_240 = tpu.memref_squeeze %dma_start3A_239 : memref<1x128xi32, #tpu.memory_space<vmem>> -> memref<128xi32, #tpu.memory_space<vmem>>
        %dma_start3A_241 = arith.constant 0 : i32
        %dma_start3A_242 = arith.constant 0 : i32
        %dma_start3A_243 = tpu.memref_slice %arg3[%dma_start3A_241, %dma_start3A_242] : memref<1000000x16xf32, #tpu.memory_space<hbm>> -> memref<1000000x16xf32, #tpu.memory_space<hbm>>
        tpu.enqueue_indirect_dma source(%dma_start3A_243 : memref<1000000x16xf32, #tpu.memory_space<hbm>>) target(%dma_start3A_237 : memref<128x16xf32, #tpu.memory_space<vmem>>) offsets(%dma_start3A_240 : memref<128xi32, #tpu.memory_space<vmem>>) semaphore(%arg10 : memref<!tpu.dma_semaphore, #tpu.memory_space<semaphore_mem>>)
        %dma_start3A_244 = arith.constant 384 : i32
        %dma_start3A_245 = arith.constant 0 : i32
        %dma_start3A_246 = tpu.memref_slice %arg6[%dma_start3A_244, %dma_start3A_245] : memref<512x16xf32, #tpu.memory_space<vmem>> -> memref<128x16xf32, #tpu.memory_space<vmem>>
        %dma_start3A_247 = arith.constant 384 : i32
        %dma_start3A_248 = tpu.memref_slice %arg5[%add3A_216, %dma_start3A_247] : memref<26x512xi32, #tpu.memory_space<vmem>> -> memref<1x128xi32, #tpu.memory_space<vmem>>
        %dma_start3A_249 = tpu.memref_squeeze %dma_start3A_248 : memref<1x128xi32, #tpu.memory_space<vmem>> -> memref<128xi32, #tpu.memory_space<vmem>>
        %dma_start3A_250 = arith.constant 0 : i32
        %dma_start3A_251 = arith.constant 0 : i32
        %dma_start3A_252 = tpu.memref_slice %arg3[%dma_start3A_250, %dma_start3A_251] : memref<1000000x16xf32, #tpu.memory_space<hbm>> -> memref<1000000x16xf32, #tpu.memory_space<hbm>>
        tpu.enqueue_indirect_dma source(%dma_start3A_252 : memref<1000000x16xf32, #tpu.memory_space<hbm>>) target(%dma_start3A_246 : memref<128x16xf32, #tpu.memory_space<vmem>>) offsets(%dma_start3A_249 : memref<128xi32, #tpu.memory_space<vmem>>) semaphore(%arg10 : memref<!tpu.dma_semaphore, #tpu.memory_space<semaphore_mem>>)
      } else {
      }
      %dma_wait3A_155 = arith.constant 0 : i32
      %dma_wait3A_156 = arith.constant 0 : i32
      %dma_wait3A_157 = tpu.memref_slice %arg7[%dma_wait3A_155, %dma_wait3A_156] : memref<512x16xf32, #tpu.memory_space<vmem>> -> memref<128x16xf32, #tpu.memory_space<vmem>>
      %dma_wait3A_158 = arith.constant 0 : i32
      %dma_wait3A_159 = tpu.memref_slice %arg5[%add3A_147, %dma_wait3A_158] : memref<26x512xi32, #tpu.memory_space<vmem>> -> memref<1x128xi32, #tpu.memory_space<vmem>>
      %dma_wait3A_160 = tpu.memref_squeeze %dma_wait3A_159 : memref<1x128xi32, #tpu.memory_space<vmem>> -> memref<128xi32, #tpu.memory_space<vmem>>
      %dma_wait3A_161 = arith.constant 0 : i32
      %dma_wait3A_162 = arith.constant 0 : i32
      %dma_wait3A_163 = tpu.memref_slice %arg3[%dma_wait3A_161, %dma_wait3A_162] : memref<1000000x16xf32, #tpu.memory_space<hbm>> -> memref<1000000x16xf32, #tpu.memory_space<hbm>>
      tpu.wait_indirect_dma semaphore(%arg11 : memref<!tpu.dma_semaphore, #tpu.memory_space<semaphore_mem>>) src(%dma_wait3A_163 : memref<1000000x16xf32, #tpu.memory_space<hbm>>) dst(%dma_wait3A_157 : memref<128x16xf32, #tpu.memory_space<vmem>>)
      %dma_wait3A_164 = arith.constant 128 : i32
      %dma_wait3A_165 = arith.constant 0 : i32
      %dma_wait3A_166 = tpu.memref_slice %arg7[%dma_wait3A_164, %dma_wait3A_165] : memref<512x16xf32, #tpu.memory_space<vmem>> -> memref<128x16xf32, #tpu.memory_space<vmem>>
      %dma_wait3A_167 = arith.constant 128 : i32
      %dma_wait3A_168 = tpu.memref_slice %arg5[%add3A_147, %dma_wait3A_167] : memref<26x512xi32, #tpu.memory_space<vmem>> -> memref<1x128xi32, #tpu.memory_space<vmem>>
      %dma_wait3A_169 = tpu.memref_squeeze %dma_wait3A_168 : memref<1x128xi32, #tpu.memory_space<vmem>> -> memref<128xi32, #tpu.memory_space<vmem>>
      %dma_wait3A_170 = arith.constant 0 : i32
      %dma_wait3A_171 = arith.constant 0 : i32
      %dma_wait3A_172 = tpu.memref_slice %arg3[%dma_wait3A_170, %dma_wait3A_171] : memref<1000000x16xf32, #tpu.memory_space<hbm>> -> memref<1000000x16xf32, #tpu.memory_space<hbm>>
      tpu.wait_indirect_dma semaphore(%arg11 : memref<!tpu.dma_semaphore, #tpu.memory_space<semaphore_mem>>) src(%dma_wait3A_172 : memref<1000000x16xf32, #tpu.memory_space<hbm>>) dst(%dma_wait3A_166 : memref<128x16xf32, #tpu.memory_space<vmem>>)
      %dma_wait3A_173 = arith.constant 256 : i32
      %dma_wait3A_174 = arith.constant 0 : i32
      %dma_wait3A_175 = tpu.memref_slice %arg7[%dma_wait3A_173, %dma_wait3A_174] : memref<512x16xf32, #tpu.memory_space<vmem>> -> memref<128x16xf32, #tpu.memory_space<vmem>>
      %dma_wait3A_176 = arith.constant 256 : i32
      %dma_wait3A_177 = tpu.memref_slice %arg5[%add3A_147, %dma_wait3A_176] : memref<26x512xi32, #tpu.memory_space<vmem>> -> memref<1x128xi32, #tpu.memory_space<vmem>>
      %dma_wait3A_178 = tpu.memref_squeeze %dma_wait3A_177 : memref<1x128xi32, #tpu.memory_space<vmem>> -> memref<128xi32, #tpu.memory_space<vmem>>
      %dma_wait3A_179 = arith.constant 0 : i32
      %dma_wait3A_180 = arith.constant 0 : i32
      %dma_wait3A_181 = tpu.memref_slice %arg3[%dma_wait3A_179, %dma_wait3A_180] : memref<1000000x16xf32, #tpu.memory_space<hbm>> -> memref<1000000x16xf32, #tpu.memory_space<hbm>>
      tpu.wait_indirect_dma semaphore(%arg11 : memref<!tpu.dma_semaphore, #tpu.memory_space<semaphore_mem>>) src(%dma_wait3A_181 : memref<1000000x16xf32, #tpu.memory_space<hbm>>) dst(%dma_wait3A_175 : memref<128x16xf32, #tpu.memory_space<vmem>>)
      %dma_wait3A_182 = arith.constant 384 : i32
      %dma_wait3A_183 = arith.constant 0 : i32
      %dma_wait3A_184 = tpu.memref_slice %arg7[%dma_wait3A_182, %dma_wait3A_183] : memref<512x16xf32, #tpu.memory_space<vmem>> -> memref<128x16xf32, #tpu.memory_space<vmem>>
      %dma_wait3A_185 = arith.constant 384 : i32
      %dma_wait3A_186 = tpu.memref_slice %arg5[%add3A_147, %dma_wait3A_185] : memref<26x512xi32, #tpu.memory_space<vmem>> -> memref<1x128xi32, #tpu.memory_space<vmem>>
      %dma_wait3A_187 = tpu.memref_squeeze %dma_wait3A_186 : memref<1x128xi32, #tpu.memory_space<vmem>> -> memref<128xi32, #tpu.memory_space<vmem>>
      %dma_wait3A_188 = arith.constant 0 : i32
      %dma_wait3A_189 = arith.constant 0 : i32
      %dma_wait3A_190 = tpu.memref_slice %arg3[%dma_wait3A_188, %dma_wait3A_189] : memref<1000000x16xf32, #tpu.memory_space<hbm>> -> memref<1000000x16xf32, #tpu.memory_space<hbm>>
      tpu.wait_indirect_dma semaphore(%arg11 : memref<!tpu.dma_semaphore, #tpu.memory_space<semaphore_mem>>) src(%dma_wait3A_190 : memref<1000000x16xf32, #tpu.memory_space<hbm>>) dst(%dma_wait3A_184 : memref<128x16xf32, #tpu.memory_space<vmem>>)
      %ge3A_191 = arith.constant 2 : i32
      %ge3A_192 = arith.cmpi sge, %add3A_147, %ge3A_191 : i32
      %convert_element_type3A_193 = arith.extui %ge3A_192 : i1 to i32
      %cond3A_194 = arith.constant 0 : i32
      %cond3A_195 = arith.cmpi ne, %convert_element_type3A_193, %cond3A_194 : i32
      scf.if %cond3A_195 {
        %sub3A = arith.constant 2 : i32
        %sub3A_215 = arith.subi %add3A_147, %sub3A : i32
        %mul3A_216 = arith.constant 4 : i32
        %mul3A_217 = arith.muli %add3A, %mul3A_216 : i32
        %dma_wait3A_218 = arith.constant 0 : i32
        %dma_wait3A_219 = arith.constant 0 : i32
        %dma_wait3A_220 = arith.constant 0 : i32
        %dma_wait3A_221 = tpu.memref_slice %arg4[%sub3A_215, %dma_wait3A_218, %mul3A_217, %dma_wait3A_219, %dma_wait3A_220] : memref<26x2x128x8x128xf32, #tpu.memory_space<hbm>> -> memref<1x2x4x8x128xf32, #tpu.memory_space<hbm>>
        %dma_wait3A_222 = tpu.memref_squeeze %dma_wait3A_221 : memref<1x2x4x8x128xf32, #tpu.memory_space<hbm>> -> memref<2x4x8x128xf32, #tpu.memory_space<hbm>>
        %dma_wait3A_223 = arith.constant 0 : i32
        %dma_wait3A_224 = arith.constant 0 : i32
        %dma_wait3A_225 = arith.constant 0 : i32
        %dma_wait3A_226 = tpu.memref_slice %arg4[%sub3A_215, %dma_wait3A_223, %mul3A_217, %dma_wait3A_224, %dma_wait3A_225] : memref<26x2x128x8x128xf32, #tpu.memory_space<hbm>> -> memref<1x2x4x8x128xf32, #tpu.memory_space<hbm>>
        %dma_wait3A_227 = tpu.memref_squeeze %dma_wait3A_226 : memref<1x2x4x8x128xf32, #tpu.memory_space<hbm>> -> memref<2x4x8x128xf32, #tpu.memory_space<hbm>>
        tpu.wait_dma2 semaphore(%arg13 : memref<!tpu.dma_semaphore, #tpu.memory_space<semaphore_mem>>) src(%arg9 : memref<2x4x8x128xf32, #tpu.memory_space<vmem>>) dst(%dma_wait3A_227 : memref<2x4x8x128xf32, #tpu.memory_space<hbm>>)
      } else {
      }
      %scan3A_196 = arith.constant 0 : i32
      %scan3A_197 = arith.constant 0 : i32
      %scan3A_198 = arith.constant 32 : i32
      %scan3A_199 = arith.addi %scan3A_197, %scan3A_198 : i32
      %scan3A_200 = arith.constant 1 : i32
      %scan3A_201 = scf.for %scan3A_215 = %scan3A_197 to %scan3A_199 step %scan3A_200 iter_args(%scan3A_216 = %scan3A_196) -> (i32)  : i32 {
        %mul3A_217 = arith.constant 16 : i32
        %mul3A_218 = arith.muli %scan3A_215, %mul3A_217 : i32
        %iota3A = tpu.iota {dimensions = array<i32: 0>} : vector<16xi32>
        %add3A_219 = vector.broadcast %mul3A_218 : i32 to vector<16xi32>
        %add3A_220 = arith.addi %add3A_219, %iota3A : vector<16xi32>
        %broadcast_in_dim3A = arith.constant 0.000000e+00 : f32
        %broadcast_in_dim3A_221 = vector.broadcast %broadcast_in_dim3A : f32 to vector<16xf32>
        %add3A_222 = arith.constant 0 : i32
        %add3A_223 = vector.broadcast %add3A_222 : i32 to vector<16xi32>
        %add3A_224 = arith.addi %iota3A, %add3A_223 : vector<16xi32>
        %and3A = arith.constant 15 : i32
        %and3A_225 = vector.broadcast %and3A : i32 to vector<16xi32>
        %and3A_226 = arith.andi %add3A_224, %and3A_225 : vector<16xi32>
        %gather3A = tpu.vector_load_idx %arg7[%add3A_220, %and3A_226] : memref<512x16xf32, #tpu.memory_space<vmem>>[vector<16xi32>, vector<16xi32>], vector<16xf32>,
        %mul3A_227 = arith.mulf %gather3A, %gather3A : vector<16xf32>
        %add3A_228 = arith.addf %broadcast_in_dim3A_221, %mul3A_227 : vector<16xf32>
        %add3A_229 = arith.constant 1 : i32
        %add3A_230 = vector.broadcast %add3A_229 : i32 to vector<16xi32>
        %add3A_231 = arith.addi %iota3A, %add3A_230 : vector<16xi32>
        %and3A_232 = arith.constant 15 : i32
        %and3A_233 = vector.broadcast %and3A_232 : i32 to vector<16xi32>
        %and3A_234 = arith.andi %add3A_231, %and3A_233 : vector<16xi32>
        %gather3A_235 = tpu.vector_load_idx %arg7[%add3A_220, %and3A_234] : memref<512x16xf32, #tpu.memory_space<vmem>>[vector<16xi32>, vector<16xi32>], vector<16xf32>,
        %mul3A_236 = arith.mulf %gather3A_235, %gather3A_235 : vector<16xf32>
        %add3A_237 = arith.addf %add3A_228, %mul3A_236 : vector<16xf32>
        %add3A_238 = arith.constant 2 : i32
        %add3A_239 = vector.broadcast %add3A_238 : i32 to vector<16xi32>
        %add3A_240 = arith.addi %iota3A, %add3A_239 : vector<16xi32>
        %and3A_241 = arith.constant 15 : i32
        %and3A_242 = vector.broadcast %and3A_241 : i32 to vector<16xi32>
        %and3A_243 = arith.andi %add3A_240, %and3A_242 : vector<16xi32>
        %gather3A_244 = tpu.vector_load_idx %arg7[%add3A_220, %and3A_243] : memref<512x16xf32, #tpu.memory_space<vmem>>[vector<16xi32>, vector<16xi32>], vector<16xf32>,
        %mul3A_245 = arith.mulf %gather3A_244, %gather3A_244 : vector<16xf32>
        %add3A_246 = arith.addf %add3A_237, %mul3A_245 : vector<16xf32>
        %add3A_247 = arith.constant 3 : i32
        %add3A_248 = vector.broadcast %add3A_247 : i32 to vector<16xi32>
        %add3A_249 = arith.addi %iota3A, %add3A_248 : vector<16xi32>
        %and3A_250 = arith.constant 15 : i32
        %and3A_251 = vector.broadcast %and3A_250 : i32 to vector<16xi32>
        %and3A_252 = arith.andi %add3A_249, %and3A_251 : vector<16xi32>
        %gather3A_253 = tpu.vector_load_idx %arg7[%add3A_220, %and3A_252] : memref<512x16xf32, #tpu.memory_space<vmem>>[vector<16xi32>, vector<16xi32>], vector<16xf32>,
        %mul3A_254 = arith.mulf %gather3A_253, %gather3A_253 : vector<16xf32>
        %add3A_255 = arith.addf %add3A_246, %mul3A_254 : vector<16xf32>
        %add3A_256 = arith.constant 4 : i32
        %add3A_257 = vector.broadcast %add3A_256 : i32 to vector<16xi32>
        %add3A_258 = arith.addi %iota3A, %add3A_257 : vector<16xi32>
        %and3A_259 = arith.constant 15 : i32
        %and3A_260 = vector.broadcast %and3A_259 : i32 to vector<16xi32>
        %and3A_261 = arith.andi %add3A_258, %and3A_260 : vector<16xi32>
        %gather3A_262 = tpu.vector_load_idx %arg7[%add3A_220, %and3A_261] : memref<512x16xf32, #tpu.memory_space<vmem>>[vector<16xi32>, vector<16xi32>], vector<16xf32>,
        %mul3A_263 = arith.mulf %gather3A_262, %gather3A_262 : vector<16xf32>
        %add3A_264 = arith.addf %add3A_255, %mul3A_263 : vector<16xf32>
        %add3A_265 = arith.constant 5 : i32
        %add3A_266 = vector.broadcast %add3A_265 : i32 to vector<16xi32>
        %add3A_267 = arith.addi %iota3A, %add3A_266 : vector<16xi32>
        %and3A_268 = arith.constant 15 : i32
        %and3A_269 = vector.broadcast %and3A_268 : i32 to vector<16xi32>
        %and3A_270 = arith.andi %add3A_267, %and3A_269 : vector<16xi32>
        %gather3A_271 = tpu.vector_load_idx %arg7[%add3A_220, %and3A_270] : memref<512x16xf32, #tpu.memory_space<vmem>>[vector<16xi32>, vector<16xi32>], vector<16xf32>,
        %mul3A_272 = arith.mulf %gather3A_271, %gather3A_271 : vector<16xf32>
        %add3A_273 = arith.addf %add3A_264, %mul3A_272 : vector<16xf32>
        %add3A_274 = arith.constant 6 : i32
        %add3A_275 = vector.broadcast %add3A_274 : i32 to vector<16xi32>
        %add3A_276 = arith.addi %iota3A, %add3A_275 : vector<16xi32>
        %and3A_277 = arith.constant 15 : i32
        %and3A_278 = vector.broadcast %and3A_277 : i32 to vector<16xi32>
        %and3A_279 = arith.andi %add3A_276, %and3A_278 : vector<16xi32>
        %gather3A_280 = tpu.vector_load_idx %arg7[%add3A_220, %and3A_279] : memref<512x16xf32, #tpu.memory_space<vmem>>[vector<16xi32>, vector<16xi32>], vector<16xf32>,
        %mul3A_281 = arith.mulf %gather3A_280, %gather3A_280 : vector<16xf32>
        %add3A_282 = arith.addf %add3A_273, %mul3A_281 : vector<16xf32>
        %add3A_283 = arith.constant 7 : i32
        %add3A_284 = vector.broadcast %add3A_283 : i32 to vector<16xi32>
        %add3A_285 = arith.addi %iota3A, %add3A_284 : vector<16xi32>
        %and3A_286 = arith.constant 15 : i32
        %and3A_287 = vector.broadcast %and3A_286 : i32 to vector<16xi32>
        %and3A_288 = arith.andi %add3A_285, %and3A_287 : vector<16xi32>
        %gather3A_289 = tpu.vector_load_idx %arg7[%add3A_220, %and3A_288] : memref<512x16xf32, #tpu.memory_space<vmem>>[vector<16xi32>, vector<16xi32>], vector<16xf32>,
        %mul3A_290 = arith.mulf %gather3A_289, %gather3A_289 : vector<16xf32>
        %add3A_291 = arith.addf %add3A_282, %mul3A_290 : vector<16xf32>
        %add3A_292 = arith.constant 8 : i32
        %add3A_293 = vector.broadcast %add3A_292 : i32 to vector<16xi32>
        %add3A_294 = arith.addi %iota3A, %add3A_293 : vector<16xi32>
        %and3A_295 = arith.constant 15 : i32
        %and3A_296 = vector.broadcast %and3A_295 : i32 to vector<16xi32>
        %and3A_297 = arith.andi %add3A_294, %and3A_296 : vector<16xi32>
        %gather3A_298 = tpu.vector_load_idx %arg7[%add3A_220, %and3A_297] : memref<512x16xf32, #tpu.memory_space<vmem>>[vector<16xi32>, vector<16xi32>], vector<16xf32>,
        %mul3A_299 = arith.mulf %gather3A_298, %gather3A_298 : vector<16xf32>
        %add3A_300 = arith.addf %add3A_291, %mul3A_299 : vector<16xf32>
        %add3A_301 = arith.constant 9 : i32
        %add3A_302 = vector.broadcast %add3A_301 : i32 to vector<16xi32>
        %add3A_303 = arith.addi %iota3A, %add3A_302 : vector<16xi32>
        %and3A_304 = arith.constant 15 : i32
        %and3A_305 = vector.broadcast %and3A_304 : i32 to vector<16xi32>
        %and3A_306 = arith.andi %add3A_303, %and3A_305 : vector<16xi32>
        %gather3A_307 = tpu.vector_load_idx %arg7[%add3A_220, %and3A_306] : memref<512x16xf32, #tpu.memory_space<vmem>>[vector<16xi32>, vector<16xi32>], vector<16xf32>,
        %mul3A_308 = arith.mulf %gather3A_307, %gather3A_307 : vector<16xf32>
        %add3A_309 = arith.addf %add3A_300, %mul3A_308 : vector<16xf32>
        %add3A_310 = arith.constant 10 : i32
        %add3A_311 = vector.broadcast %add3A_310 : i32 to vector<16xi32>
        %add3A_312 = arith.addi %iota3A, %add3A_311 : vector<16xi32>
        %and3A_313 = arith.constant 15 : i32
        %and3A_314 = vector.broadcast %and3A_313 : i32 to vector<16xi32>
        %and3A_315 = arith.andi %add3A_312, %and3A_314 : vector<16xi32>
        %gather3A_316 = tpu.vector_load_idx %arg7[%add3A_220, %and3A_315] : memref<512x16xf32, #tpu.memory_space<vmem>>[vector<16xi32>, vector<16xi32>], vector<16xf32>,
        %mul3A_317 = arith.mulf %gather3A_316, %gather3A_316 : vector<16xf32>
        %add3A_318 = arith.addf %add3A_309, %mul3A_317 : vector<16xf32>
        %add3A_319 = arith.constant 11 : i32
        %add3A_320 = vector.broadcast %add3A_319 : i32 to vector<16xi32>
        %add3A_321 = arith.addi %iota3A, %add3A_320 : vector<16xi32>
        %and3A_322 = arith.constant 15 : i32
        %and3A_323 = vector.broadcast %and3A_322 : i32 to vector<16xi32>
        %and3A_324 = arith.andi %add3A_321, %and3A_323 : vector<16xi32>
        %gather3A_325 = tpu.vector_load_idx %arg7[%add3A_220, %and3A_324] : memref<512x16xf32, #tpu.memory_space<vmem>>[vector<16xi32>, vector<16xi32>], vector<16xf32>,
        %mul3A_326 = arith.mulf %gather3A_325, %gather3A_325 : vector<16xf32>
        %add3A_327 = arith.addf %add3A_318, %mul3A_326 : vector<16xf32>
        %add3A_328 = arith.constant 12 : i32
        %add3A_329 = vector.broadcast %add3A_328 : i32 to vector<16xi32>
        %add3A_330 = arith.addi %iota3A, %add3A_329 : vector<16xi32>
        %and3A_331 = arith.constant 15 : i32
        %and3A_332 = vector.broadcast %and3A_331 : i32 to vector<16xi32>
        %and3A_333 = arith.andi %add3A_330, %and3A_332 : vector<16xi32>
        %gather3A_334 = tpu.vector_load_idx %arg7[%add3A_220, %and3A_333] : memref<512x16xf32, #tpu.memory_space<vmem>>[vector<16xi32>, vector<16xi32>], vector<16xf32>,
        %mul3A_335 = arith.mulf %gather3A_334, %gather3A_334 : vector<16xf32>
        %add3A_336 = arith.addf %add3A_327, %mul3A_335 : vector<16xf32>
        %add3A_337 = arith.constant 13 : i32
        %add3A_338 = vector.broadcast %add3A_337 : i32 to vector<16xi32>
        %add3A_339 = arith.addi %iota3A, %add3A_338 : vector<16xi32>
        %and3A_340 = arith.constant 15 : i32
        %and3A_341 = vector.broadcast %and3A_340 : i32 to vector<16xi32>
        %and3A_342 = arith.andi %add3A_339, %and3A_341 : vector<16xi32>
        %gather3A_343 = tpu.vector_load_idx %arg7[%add3A_220, %and3A_342] : memref<512x16xf32, #tpu.memory_space<vmem>>[vector<16xi32>, vector<16xi32>], vector<16xf32>,
        %mul3A_344 = arith.mulf %gather3A_343, %gather3A_343 : vector<16xf32>
        %add3A_345 = arith.addf %add3A_336, %mul3A_344 : vector<16xf32>
        %add3A_346 = arith.constant 14 : i32
        %add3A_347 = vector.broadcast %add3A_346 : i32 to vector<16xi32>
        %add3A_348 = arith.addi %iota3A, %add3A_347 : vector<16xi32>
        %and3A_349 = arith.constant 15 : i32
        %and3A_350 = vector.broadcast %and3A_349 : i32 to vector<16xi32>
        %and3A_351 = arith.andi %add3A_348, %and3A_350 : vector<16xi32>
        %gather3A_352 = tpu.vector_load_idx %arg7[%add3A_220, %and3A_351] : memref<512x16xf32, #tpu.memory_space<vmem>>[vector<16xi32>, vector<16xi32>], vector<16xf32>,
        %mul3A_353 = arith.mulf %gather3A_352, %gather3A_352 : vector<16xf32>
        %add3A_354 = arith.addf %add3A_345, %mul3A_353 : vector<16xf32>
        %add3A_355 = arith.constant 15 : i32
        %add3A_356 = vector.broadcast %add3A_355 : i32 to vector<16xi32>
        %add3A_357 = arith.addi %iota3A, %add3A_356 : vector<16xi32>
        %and3A_358 = arith.constant 15 : i32
        %and3A_359 = vector.broadcast %and3A_358 : i32 to vector<16xi32>
        %and3A_360 = arith.andi %add3A_357, %and3A_359 : vector<16xi32>
        %gather3A_361 = tpu.vector_load_idx %arg7[%add3A_220, %and3A_360] : memref<512x16xf32, #tpu.memory_space<vmem>>[vector<16xi32>, vector<16xi32>], vector<16xf32>,
        %mul3A_362 = arith.mulf %gather3A_361, %gather3A_361 : vector<16xf32>
        %add3A_363 = arith.addf %add3A_354, %mul3A_362 : vector<16xf32>
        %bitcast3A = vector.bitcast %add3A_363 : vector<16xf32> to vector<16xi32>
        %shift_right_arithmetic3A = arith.constant 1 : i32
        %shift_right_arithmetic3A_364 = vector.broadcast %shift_right_arithmetic3A : i32 to vector<16xi32>
        %shift_right_arithmetic3A_365 = arith.shrsi %bitcast3A, %shift_right_arithmetic3A_364 : vector<16xi32>
        %sub3A = arith.constant 1597463007 : i32
        %sub3A_366 = vector.broadcast %sub3A : i32 to vector<16xi32>
        %sub3A_367 = arith.subi %sub3A_366, %shift_right_arithmetic3A_365 : vector<16xi32>
        %bitcast3A_368 = vector.bitcast %sub3A_367 : vector<16xi32> to vector<16xf32>
        %mul3A_369 = arith.constant 5.000000e-01 : f32
        %mul3A_370 = vector.broadcast %mul3A_369 : f32 to vector<16xf32>
        %mul3A_371 = arith.mulf %mul3A_370, %add3A_363 : vector<16xf32>
        %mul3A_372 = arith.mulf %mul3A_371, %bitcast3A_368 : vector<16xf32>
        %mul3A_373 = arith.mulf %mul3A_372, %bitcast3A_368 : vector<16xf32>
        %sub3A_374 = arith.constant 1.500000e+00 : f32
        %sub3A_375 = vector.broadcast %sub3A_374 : f32 to vector<16xf32>
        %sub3A_376 = arith.subf %sub3A_375, %mul3A_373 : vector<16xf32>
        %mul3A_377 = arith.mulf %bitcast3A_368, %sub3A_376 : vector<16xf32>
        %mul3A_378 = arith.constant 5.000000e-01 : f32
        %mul3A_379 = vector.broadcast %mul3A_378 : f32 to vector<16xf32>
        %mul3A_380 = arith.mulf %mul3A_379, %add3A_363 : vector<16xf32>
        %mul3A_381 = arith.mulf %mul3A_380, %mul3A_377 : vector<16xf32>
        %mul3A_382 = arith.mulf %mul3A_381, %mul3A_377 : vector<16xf32>
        %sub3A_383 = arith.constant 1.500000e+00 : f32
        %sub3A_384 = vector.broadcast %sub3A_383 : f32 to vector<16xf32>
        %sub3A_385 = arith.subf %sub3A_384, %mul3A_382 : vector<16xf32>
        %mul3A_386 = arith.mulf %mul3A_377, %sub3A_385 : vector<16xf32>
        %mul3A_387 = arith.constant 5.000000e-01 : f32
        %mul3A_388 = vector.broadcast %mul3A_387 : f32 to vector<16xf32>
        %mul3A_389 = arith.mulf %mul3A_388, %add3A_363 : vector<16xf32>
        %mul3A_390 = arith.mulf %mul3A_389, %mul3A_386 : vector<16xf32>
        %mul3A_391 = arith.mulf %mul3A_390, %mul3A_386 : vector<16xf32>
        %sub3A_392 = arith.constant 1.500000e+00 : f32
        %sub3A_393 = vector.broadcast %sub3A_392 : f32 to vector<16xf32>
        %sub3A_394 = arith.subf %sub3A_393, %mul3A_391 : vector<16xf32>
        %mul3A_395 = arith.mulf %mul3A_386, %sub3A_394 : vector<16xf32>
        %gt3A = arith.constant 0.999979972 : f32
        %gt3A_396 = vector.broadcast %gt3A : f32 to vector<16xf32>
        %gt3A_397 = arith.cmpf ogt, %add3A_363, %gt3A_396 : vector<16xf32>
        %mul3A_398 = arith.constant 0.999989986 : f32
        %mul3A_399 = vector.broadcast %mul3A_398 : f32 to vector<16xf32>
        %mul3A_400 = arith.mulf %mul3A_399, %mul3A_395 : vector<16xf32>
        %jit3A = arith.constant 1.000000e+00 : f32
        %broadcast_in_dim3A_401 = vector.broadcast %jit3A : f32 to vector<16xf32>
        %select_n3A = arith.select %gt3A_397, %mul3A_400, %broadcast_in_dim3A_401 : vector<16xi1>, vector<16xf32>
        %shift_right_arithmetic3A_402 = arith.constant 7 : i32
        %shift_right_arithmetic3A_403 = vector.broadcast %shift_right_arithmetic3A_402 : i32 to vector<16xi32>
        %shift_right_arithmetic3A_404 = arith.shrsi %add3A_220, %shift_right_arithmetic3A_403 : vector<16xi32>
        %and3A_405 = arith.constant 127 : i32
        %and3A_406 = vector.broadcast %and3A_405 : i32 to vector<16xi32>
        %and3A_407 = arith.andi %add3A_220, %and3A_406 : vector<16xi32>
        %shift_right_arithmetic3A_408 = arith.constant 3 : i32
        %shift_right_arithmetic3A_409 = vector.broadcast %shift_right_arithmetic3A_408 : i32 to vector<16xi32>
        %shift_right_arithmetic3A_410 = arith.shrsi %and3A_226, %shift_right_arithmetic3A_409 : vector<16xi32>
        %and3A_411 = arith.constant 7 : i32
        %and3A_412 = vector.broadcast %and3A_411 : i32 to vector<16xi32>
        %and3A_413 = arith.andi %and3A_226, %and3A_412 : vector<16xi32>
        %mul3A_414 = arith.mulf %gather3A, %select_n3A : vector<16xf32>
        tpu.vector_store_idx %arg9[%shift_right_arithmetic3A_410, %shift_right_arithmetic3A_404, %and3A_413, %and3A_407], %mul3A_414 : memref<2x4x8x128xf32, #tpu.memory_space<vmem>>[vector<16xi32>, vector<16xi32>, vector<16xi32>, vector<16xi32>], vector<16xf32>,
        %shift_right_arithmetic3A_415 = arith.constant 3 : i32
        %shift_right_arithmetic3A_416 = vector.broadcast %shift_right_arithmetic3A_415 : i32 to vector<16xi32>
        %shift_right_arithmetic3A_417 = arith.shrsi %and3A_234, %shift_right_arithmetic3A_416 : vector<16xi32>
        %and3A_418 = arith.constant 7 : i32
        %and3A_419 = vector.broadcast %and3A_418 : i32 to vector<16xi32>
        %and3A_420 = arith.andi %and3A_234, %and3A_419 : vector<16xi32>
        %mul3A_421 = arith.mulf %gather3A_235, %select_n3A : vector<16xf32>
        tpu.vector_store_idx %arg9[%shift_right_arithmetic3A_417, %shift_right_arithmetic3A_404, %and3A_420, %and3A_407], %mul3A_421 : memref<2x4x8x128xf32, #tpu.memory_space<vmem>>[vector<16xi32>, vector<16xi32>, vector<16xi32>, vector<16xi32>], vector<16xf32>,
        %shift_right_arithmetic3A_422 = arith.constant 3 : i32
        %shift_right_arithmetic3A_423 = vector.broadcast %shift_right_arithmetic3A_422 : i32 to vector<16xi32>
        %shift_right_arithmetic3A_424 = arith.shrsi %and3A_243, %shift_right_arithmetic3A_423 : vector<16xi32>
        %and3A_425 = arith.constant 7 : i32
        %and3A_426 = vector.broadcast %and3A_425 : i32 to vector<16xi32>
        %and3A_427 = arith.andi %and3A_243, %and3A_426 : vector<16xi32>
        %mul3A_428 = arith.mulf %gather3A_244, %select_n3A : vector<16xf32>
        tpu.vector_store_idx %arg9[%shift_right_arithmetic3A_424, %shift_right_arithmetic3A_404, %and3A_427, %and3A_407], %mul3A_428 : memref<2x4x8x128xf32, #tpu.memory_space<vmem>>[vector<16xi32>, vector<16xi32>, vector<16xi32>, vector<16xi32>], vector<16xf32>,
        %shift_right_arithmetic3A_429 = arith.constant 3 : i32
        %shift_right_arithmetic3A_430 = vector.broadcast %shift_right_arithmetic3A_429 : i32 to vector<16xi32>
        %shift_right_arithmetic3A_431 = arith.shrsi %and3A_252, %shift_right_arithmetic3A_430 : vector<16xi32>
        %and3A_432 = arith.constant 7 : i32
        %and3A_433 = vector.broadcast %and3A_432 : i32 to vector<16xi32>
        %and3A_434 = arith.andi %and3A_252, %and3A_433 : vector<16xi32>
        %mul3A_435 = arith.mulf %gather3A_253, %select_n3A : vector<16xf32>
        tpu.vector_store_idx %arg9[%shift_right_arithmetic3A_431, %shift_right_arithmetic3A_404, %and3A_434, %and3A_407], %mul3A_435 : memref<2x4x8x128xf32, #tpu.memory_space<vmem>>[vector<16xi32>, vector<16xi32>, vector<16xi32>, vector<16xi32>], vector<16xf32>,
        %shift_right_arithmetic3A_436 = arith.constant 3 : i32
        %shift_right_arithmetic3A_437 = vector.broadcast %shift_right_arithmetic3A_436 : i32 to vector<16xi32>
        %shift_right_arithmetic3A_438 = arith.shrsi %and3A_261, %shift_right_arithmetic3A_437 : vector<16xi32>
        %and3A_439 = arith.constant 7 : i32
        %and3A_440 = vector.broadcast %and3A_439 : i32 to vector<16xi32>
        %and3A_441 = arith.andi %and3A_261, %and3A_440 : vector<16xi32>
        %mul3A_442 = arith.mulf %gather3A_262, %select_n3A : vector<16xf32>
        tpu.vector_store_idx %arg9[%shift_right_arithmetic3A_438, %shift_right_arithmetic3A_404, %and3A_441, %and3A_407], %mul3A_442 : memref<2x4x8x128xf32, #tpu.memory_space<vmem>>[vector<16xi32>, vector<16xi32>, vector<16xi32>, vector<16xi32>], vector<16xf32>,
        %shift_right_arithmetic3A_443 = arith.constant 3 : i32
        %shift_right_arithmetic3A_444 = vector.broadcast %shift_right_arithmetic3A_443 : i32 to vector<16xi32>
        %shift_right_arithmetic3A_445 = arith.shrsi %and3A_270, %shift_right_arithmetic3A_444 : vector<16xi32>
        %and3A_446 = arith.constant 7 : i32
        %and3A_447 = vector.broadcast %and3A_446 : i32 to vector<16xi32>
        %and3A_448 = arith.andi %and3A_270, %and3A_447 : vector<16xi32>
        %mul3A_449 = arith.mulf %gather3A_271, %select_n3A : vector<16xf32>
        tpu.vector_store_idx %arg9[%shift_right_arithmetic3A_445, %shift_right_arithmetic3A_404, %and3A_448, %and3A_407], %mul3A_449 : memref<2x4x8x128xf32, #tpu.memory_space<vmem>>[vector<16xi32>, vector<16xi32>, vector<16xi32>, vector<16xi32>], vector<16xf32>,
        %shift_right_arithmetic3A_450 = arith.constant 3 : i32
        %shift_right_arithmetic3A_451 = vector.broadcast %shift_right_arithmetic3A_450 : i32 to vector<16xi32>
        %shift_right_arithmetic3A_452 = arith.shrsi %and3A_279, %shift_right_arithmetic3A_451 : vector<16xi32>
        %and3A_453 = arith.constant 7 : i32
        %and3A_454 = vector.broadcast %and3A_453 : i32 to vector<16xi32>
        %and3A_455 = arith.andi %and3A_279, %and3A_454 : vector<16xi32>
        %mul3A_456 = arith.mulf %gather3A_280, %select_n3A : vector<16xf32>
        tpu.vector_store_idx %arg9[%shift_right_arithmetic3A_452, %shift_right_arithmetic3A_404, %and3A_455, %and3A_407], %mul3A_456 : memref<2x4x8x128xf32, #tpu.memory_space<vmem>>[vector<16xi32>, vector<16xi32>, vector<16xi32>, vector<16xi32>], vector<16xf32>,
        %shift_right_arithmetic3A_457 = arith.constant 3 : i32
        %shift_right_arithmetic3A_458 = vector.broadcast %shift_right_arithmetic3A_457 : i32 to vector<16xi32>
        %shift_right_arithmetic3A_459 = arith.shrsi %and3A_288, %shift_right_arithmetic3A_458 : vector<16xi32>
        %and3A_460 = arith.constant 7 : i32
        %and3A_461 = vector.broadcast %and3A_460 : i32 to vector<16xi32>
        %and3A_462 = arith.andi %and3A_288, %and3A_461 : vector<16xi32>
        %mul3A_463 = arith.mulf %gather3A_289, %select_n3A : vector<16xf32>
        tpu.vector_store_idx %arg9[%shift_right_arithmetic3A_459, %shift_right_arithmetic3A_404, %and3A_462, %and3A_407], %mul3A_463 : memref<2x4x8x128xf32, #tpu.memory_space<vmem>>[vector<16xi32>, vector<16xi32>, vector<16xi32>, vector<16xi32>], vector<16xf32>,
        %shift_right_arithmetic3A_464 = arith.constant 3 : i32
        %shift_right_arithmetic3A_465 = vector.broadcast %shift_right_arithmetic3A_464 : i32 to vector<16xi32>
        %shift_right_arithmetic3A_466 = arith.shrsi %and3A_297, %shift_right_arithmetic3A_465 : vector<16xi32>
        %and3A_467 = arith.constant 7 : i32
        %and3A_468 = vector.broadcast %and3A_467 : i32 to vector<16xi32>
        %and3A_469 = arith.andi %and3A_297, %and3A_468 : vector<16xi32>
        %mul3A_470 = arith.mulf %gather3A_298, %select_n3A : vector<16xf32>
        tpu.vector_store_idx %arg9[%shift_right_arithmetic3A_466, %shift_right_arithmetic3A_404, %and3A_469, %and3A_407], %mul3A_470 : memref<2x4x8x128xf32, #tpu.memory_space<vmem>>[vector<16xi32>, vector<16xi32>, vector<16xi32>, vector<16xi32>], vector<16xf32>,
        %shift_right_arithmetic3A_471 = arith.constant 3 : i32
        %shift_right_arithmetic3A_472 = vector.broadcast %shift_right_arithmetic3A_471 : i32 to vector<16xi32>
        %shift_right_arithmetic3A_473 = arith.shrsi %and3A_306, %shift_right_arithmetic3A_472 : vector<16xi32>
        %and3A_474 = arith.constant 7 : i32
        %and3A_475 = vector.broadcast %and3A_474 : i32 to vector<16xi32>
        %and3A_476 = arith.andi %and3A_306, %and3A_475 : vector<16xi32>
        %mul3A_477 = arith.mulf %gather3A_307, %select_n3A : vector<16xf32>
        tpu.vector_store_idx %arg9[%shift_right_arithmetic3A_473, %shift_right_arithmetic3A_404, %and3A_476, %and3A_407], %mul3A_477 : memref<2x4x8x128xf32, #tpu.memory_space<vmem>>[vector<16xi32>, vector<16xi32>, vector<16xi32>, vector<16xi32>], vector<16xf32>,
        %shift_right_arithmetic3A_478 = arith.constant 3 : i32
        %shift_right_arithmetic3A_479 = vector.broadcast %shift_right_arithmetic3A_478 : i32 to vector<16xi32>
        %shift_right_arithmetic3A_480 = arith.shrsi %and3A_315, %shift_right_arithmetic3A_479 : vector<16xi32>
        %and3A_481 = arith.constant 7 : i32
        %and3A_482 = vector.broadcast %and3A_481 : i32 to vector<16xi32>
        %and3A_483 = arith.andi %and3A_315, %and3A_482 : vector<16xi32>
        %mul3A_484 = arith.mulf %gather3A_316, %select_n3A : vector<16xf32>
        tpu.vector_store_idx %arg9[%shift_right_arithmetic3A_480, %shift_right_arithmetic3A_404, %and3A_483, %and3A_407], %mul3A_484 : memref<2x4x8x128xf32, #tpu.memory_space<vmem>>[vector<16xi32>, vector<16xi32>, vector<16xi32>, vector<16xi32>], vector<16xf32>,
        %shift_right_arithmetic3A_485 = arith.constant 3 : i32
        %shift_right_arithmetic3A_486 = vector.broadcast %shift_right_arithmetic3A_485 : i32 to vector<16xi32>
        %shift_right_arithmetic3A_487 = arith.shrsi %and3A_324, %shift_right_arithmetic3A_486 : vector<16xi32>
        %and3A_488 = arith.constant 7 : i32
        %and3A_489 = vector.broadcast %and3A_488 : i32 to vector<16xi32>
        %and3A_490 = arith.andi %and3A_324, %and3A_489 : vector<16xi32>
        %mul3A_491 = arith.mulf %gather3A_325, %select_n3A : vector<16xf32>
        tpu.vector_store_idx %arg9[%shift_right_arithmetic3A_487, %shift_right_arithmetic3A_404, %and3A_490, %and3A_407], %mul3A_491 : memref<2x4x8x128xf32, #tpu.memory_space<vmem>>[vector<16xi32>, vector<16xi32>, vector<16xi32>, vector<16xi32>], vector<16xf32>,
        %shift_right_arithmetic3A_492 = arith.constant 3 : i32
        %shift_right_arithmetic3A_493 = vector.broadcast %shift_right_arithmetic3A_492 : i32 to vector<16xi32>
        %shift_right_arithmetic3A_494 = arith.shrsi %and3A_333, %shift_right_arithmetic3A_493 : vector<16xi32>
        %and3A_495 = arith.constant 7 : i32
        %and3A_496 = vector.broadcast %and3A_495 : i32 to vector<16xi32>
        %and3A_497 = arith.andi %and3A_333, %and3A_496 : vector<16xi32>
        %mul3A_498 = arith.mulf %gather3A_334, %select_n3A : vector<16xf32>
        tpu.vector_store_idx %arg9[%shift_right_arithmetic3A_494, %shift_right_arithmetic3A_404, %and3A_497, %and3A_407], %mul3A_498 : memref<2x4x8x128xf32, #tpu.memory_space<vmem>>[vector<16xi32>, vector<16xi32>, vector<16xi32>, vector<16xi32>], vector<16xf32>,
        %shift_right_arithmetic3A_499 = arith.constant 3 : i32
        %shift_right_arithmetic3A_500 = vector.broadcast %shift_right_arithmetic3A_499 : i32 to vector<16xi32>
        %shift_right_arithmetic3A_501 = arith.shrsi %and3A_342, %shift_right_arithmetic3A_500 : vector<16xi32>
        %and3A_502 = arith.constant 7 : i32
        %and3A_503 = vector.broadcast %and3A_502 : i32 to vector<16xi32>
        %and3A_504 = arith.andi %and3A_342, %and3A_503 : vector<16xi32>
        %mul3A_505 = arith.mulf %gather3A_343, %select_n3A : vector<16xf32>
        tpu.vector_store_idx %arg9[%shift_right_arithmetic3A_501, %shift_right_arithmetic3A_404, %and3A_504, %and3A_407], %mul3A_505 : memref<2x4x8x128xf32, #tpu.memory_space<vmem>>[vector<16xi32>, vector<16xi32>, vector<16xi32>, vector<16xi32>], vector<16xf32>,
        %shift_right_arithmetic3A_506 = arith.constant 3 : i32
        %shift_right_arithmetic3A_507 = vector.broadcast %shift_right_arithmetic3A_506 : i32 to vector<16xi32>
        %shift_right_arithmetic3A_508 = arith.shrsi %and3A_351, %shift_right_arithmetic3A_507 : vector<16xi32>
        %and3A_509 = arith.constant 7 : i32
        %and3A_510 = vector.broadcast %and3A_509 : i32 to vector<16xi32>
        %and3A_511 = arith.andi %and3A_351, %and3A_510 : vector<16xi32>
        %mul3A_512 = arith.mulf %gather3A_352, %select_n3A : vector<16xf32>
        tpu.vector_store_idx %arg9[%shift_right_arithmetic3A_508, %shift_right_arithmetic3A_404, %and3A_511, %and3A_407], %mul3A_512 : memref<2x4x8x128xf32, #tpu.memory_space<vmem>>[vector<16xi32>, vector<16xi32>, vector<16xi32>, vector<16xi32>], vector<16xf32>,
        %shift_right_arithmetic3A_513 = arith.constant 3 : i32
        %shift_right_arithmetic3A_514 = vector.broadcast %shift_right_arithmetic3A_513 : i32 to vector<16xi32>
        %shift_right_arithmetic3A_515 = arith.shrsi %and3A_360, %shift_right_arithmetic3A_514 : vector<16xi32>
        %and3A_516 = arith.constant 7 : i32
        %and3A_517 = vector.broadcast %and3A_516 : i32 to vector<16xi32>
        %and3A_518 = arith.andi %and3A_360, %and3A_517 : vector<16xi32>
        %mul3A_519 = arith.mulf %gather3A_361, %select_n3A : vector<16xf32>
        tpu.vector_store_idx %arg9[%shift_right_arithmetic3A_515, %shift_right_arithmetic3A_404, %and3A_518, %and3A_407], %mul3A_519 : memref<2x4x8x128xf32, #tpu.memory_space<vmem>>[vector<16xi32>, vector<16xi32>, vector<16xi32>, vector<16xi32>], vector<16xf32>,
        %scan3A_520 = arith.constant 0 : i32
        scf.yield %scan3A_520 : i32
      }
      %scan3A_202 = arith.constant 32 : i32
      %mul3A_203 = arith.constant 4 : i32
      %mul3A_204 = arith.muli %add3A, %mul3A_203 : i32
      %dma_start3A_205 = arith.constant 0 : i32
      %dma_start3A_206 = arith.constant 0 : i32
      %dma_start3A_207 = arith.constant 0 : i32
      %dma_start3A_208 = tpu.memref_slice %arg4[%add3A_147, %dma_start3A_205, %mul3A_204, %dma_start3A_206, %dma_start3A_207] : memref<26x2x128x8x128xf32, #tpu.memory_space<hbm>> -> memref<1x2x4x8x128xf32, #tpu.memory_space<hbm>>
      %dma_start3A_209 = tpu.memref_squeeze %dma_start3A_208 : memref<1x2x4x8x128xf32, #tpu.memory_space<hbm>> -> memref<2x4x8x128xf32, #tpu.memory_space<hbm>>
      %dma_start3A_210 = arith.constant 0 : i32
      %dma_start3A_211 = arith.constant 0 : i32
      %dma_start3A_212 = arith.constant 0 : i32
      %dma_start3A_213 = tpu.memref_slice %arg4[%add3A_147, %dma_start3A_210, %mul3A_204, %dma_start3A_211, %dma_start3A_212] : memref<26x2x128x8x128xf32, #tpu.memory_space<hbm>> -> memref<1x2x4x8x128xf32, #tpu.memory_space<hbm>>
      %dma_start3A_214 = tpu.memref_squeeze %dma_start3A_213 : memref<1x2x4x8x128xf32, #tpu.memory_space<hbm>> -> memref<2x4x8x128xf32, #tpu.memory_space<hbm>>
      tpu.enqueue_dma source(%arg9 : memref<2x4x8x128xf32, #tpu.memory_space<vmem>>) target(%dma_start3A_214 : memref<2x4x8x128xf32, #tpu.memory_space<hbm>>) target_semaphore(%arg13 : memref<!tpu.dma_semaphore, #tpu.memory_space<semaphore_mem>>)
    }
    %scan3A_52 = arith.constant 13 : i32
    %mul3A_53 = arith.constant 4 : i32
    %mul3A_54 = arith.muli %add3A, %mul3A_53 : i32
    %dma_wait3A = arith.constant 24 : i32
    %dma_wait3A_55 = arith.constant 0 : i32
    %dma_wait3A_56 = arith.constant 0 : i32
    %dma_wait3A_57 = arith.constant 0 : i32
    %dma_wait3A_58 = tpu.memref_slice %arg4[%dma_wait3A, %dma_wait3A_55, %mul3A_54, %dma_wait3A_56, %dma_wait3A_57] : memref<26x2x128x8x128xf32, #tpu.memory_space<hbm>> -> memref<1x2x4x8x128xf32, #tpu.memory_space<hbm>>
    %dma_wait3A_59 = tpu.memref_squeeze %dma_wait3A_58 : memref<1x2x4x8x128xf32, #tpu.memory_space<hbm>> -> memref<2x4x8x128xf32, #tpu.memory_space<hbm>>
    %dma_wait3A_60 = arith.constant 0 : i32
    %dma_wait3A_61 = arith.constant 0 : i32
    %dma_wait3A_62 = arith.constant 0 : i32
    %dma_wait3A_63 = tpu.memref_slice %arg4[%dma_wait3A, %dma_wait3A_60, %mul3A_54, %dma_wait3A_61, %dma_wait3A_62] : memref<26x2x128x8x128xf32, #tpu.memory_space<hbm>> -> memref<1x2x4x8x128xf32, #tpu.memory_space<hbm>>
    %dma_wait3A_64 = tpu.memref_squeeze %dma_wait3A_63 : memref<1x2x4x8x128xf32, #tpu.memory_space<hbm>> -> memref<2x4x8x128xf32, #tpu.memory_space<hbm>>
    tpu.wait_dma2 semaphore(%arg12 : memref<!tpu.dma_semaphore, #tpu.memory_space<semaphore_mem>>) src(%arg8 : memref<2x4x8x128xf32, #tpu.memory_space<vmem>>) dst(%dma_wait3A_64 : memref<2x4x8x128xf32, #tpu.memory_space<hbm>>)
    %mul3A_65 = arith.constant 4 : i32
    %mul3A_66 = arith.muli %add3A, %mul3A_65 : i32
    %dma_wait3A_67 = arith.constant 25 : i32
    %dma_wait3A_68 = arith.constant 0 : i32
    %dma_wait3A_69 = arith.constant 0 : i32
    %dma_wait3A_70 = arith.constant 0 : i32
    %dma_wait3A_71 = tpu.memref_slice %arg4[%dma_wait3A_67, %dma_wait3A_68, %mul3A_66, %dma_wait3A_69, %dma_wait3A_70] : memref<26x2x128x8x128xf32, #tpu.memory_space<hbm>> -> memref<1x2x4x8x128xf32, #tpu.memory_space<hbm>>
    %dma_wait3A_72 = tpu.memref_squeeze %dma_wait3A_71 : memref<1x2x4x8x128xf32, #tpu.memory_space<hbm>> -> memref<2x4x8x128xf32, #tpu.memory_space<hbm>>
    %dma_wait3A_73 = arith.constant 0 : i32
    %dma_wait3A_74 = arith.constant 0 : i32
    %dma_wait3A_75 = arith.constant 0 : i32
    %dma_wait3A_76 = tpu.memref_slice %arg4[%dma_wait3A_67, %dma_wait3A_73, %mul3A_66, %dma_wait3A_74, %dma_wait3A_75] : memref<26x2x128x8x128xf32, #tpu.memory_space<hbm>> -> memref<1x2x4x8x128xf32, #tpu.memory_space<hbm>>
    %dma_wait3A_77 = tpu.memref_squeeze %dma_wait3A_76 : memref<1x2x4x8x128xf32, #tpu.memory_space<hbm>> -> memref<2x4x8x128xf32, #tpu.memory_space<hbm>>
    tpu.wait_dma2 semaphore(%arg13 : memref<!tpu.dma_semaphore, #tpu.memory_space<semaphore_mem>>) src(%arg9 : memref<2x4x8x128xf32, #tpu.memory_space<vmem>>) dst(%dma_wait3A_77 : memref<2x4x8x128xf32, #tpu.memory_space<hbm>>)
    return
  }
}

#map = affine_map<(d0, d1) -> (0, 0)>
#map1 = affine_map<(d0, d1) -> (0)>
module attributes {stable_mosaic.version = 14 : i64} {
  func.func @_format_body(%arg0: i32, %arg1: i32, %arg2: memref<16x1000000xf32, #tpu.memory_space<hbm>>, %arg3: memref<26x16384xi32, #tpu.memory_space<hbm>>, %arg4: memref<1024xf32, #tpu.memory_space<hbm>>, %arg5: memref<16000000xf32, #tpu.memory_space<hbm>>, %arg6: memref<425984xi32, #tpu.memory_space<hbm>>, %arg7: memref<1024xi32, #tpu.memory_space<vmem>>, %arg8: memref<16x512xf32, #tpu.memory_space<vmem>>, %arg9: memref<16x512xf32, #tpu.memory_space<vmem>>, %arg10: memref<8192xf32, #tpu.memory_space<vmem>>, %arg11: memref<8192xf32, #tpu.memory_space<vmem>>, %arg12: memref<1024xf32, #tpu.memory_space<vmem>>, %arg13: memref<!tpu.dma_semaphore, #tpu.memory_space<semaphore_mem>>, %arg14: memref<!tpu.dma_semaphore, #tpu.memory_space<semaphore_mem>>, %arg15: memref<!tpu.dma_semaphore, #tpu.memory_space<semaphore_mem>>, %arg16: memref<!tpu.dma_semaphore, #tpu.memory_space<semaphore_mem>>) attributes {dimension_semantics = [#tpu.dimension_semantics<core_parallel>, #tpu.dimension_semantics<subcore_parallel>], iteration_bounds = array<i64: 2, 16>, scalar_prefetch = 0 : i64, scratch_operands = 10 : i64, tpu.core_type = #tpu.core_type<sc_vector_subcore>, window_params = [{transform_indices = #map}, {transform_indices = #map}, {transform_indices = #map1}, {transform_indices = #map1}, {transform_indices = #map1}]} {
    %mul3A = arith.constant 2 : i32
    %mul3A_0 = arith.muli %arg1, %mul3A : i32
    %add3A = arith.addi %mul3A_0, %arg0 : i32
    %add3A_1 = arith.constant 0 : i32
    %add3A_2 = arith.addi %add3A_1, %add3A : i32
    %mul3A_3 = arith.constant 512 : i32
    %mul3A_4 = arith.muli %add3A_2, %mul3A_3 : i32
    %dma_start3A = arith.constant 0 : i32
    %dma_start3A_5 = tpu.memref_slice %arg2[%dma_start3A, %mul3A_4] : memref<16x1000000xf32, #tpu.memory_space<hbm>> -> memref<16x512xf32, #tpu.memory_space<hbm>>
    %dma_start3A_6 = arith.constant 0 : i32
    %dma_start3A_7 = tpu.memref_slice %arg2[%dma_start3A_6, %mul3A_4] : memref<16x1000000xf32, #tpu.memory_space<hbm>> -> memref<16x512xf32, #tpu.memory_space<hbm>>
    tpu.enqueue_dma source(%dma_start3A_7 : memref<16x512xf32, #tpu.memory_space<hbm>>) target(%arg8 : memref<16x512xf32, #tpu.memory_space<vmem>>) target_semaphore(%arg13 : memref<!tpu.dma_semaphore, #tpu.memory_space<semaphore_mem>>)
    %scan3A = arith.constant 0 : i32
    %scan3A_8 = arith.constant 0 : i32
    %scan3A_9 = arith.constant 13 : i32
    %scan3A_10 = arith.addi %scan3A_8, %scan3A_9 : i32
    %scan3A_11 = arith.constant 1 : i32
    scf.for %scan3A_36 = %scan3A_8 to %scan3A_10 step %scan3A_11  : i32 {
      %mul3A_37 = arith.constant 13312 : i32
      %mul3A_38 = arith.muli %add3A, %mul3A_37 : i32
      %mul3A_39 = arith.constant 1024 : i32
      %mul3A_40 = arith.muli %scan3A_36, %mul3A_39 : i32
      %add3A_41 = arith.addi %mul3A_38, %mul3A_40 : i32
      %multiple_of3A = tpu.assume_multiple %add3A_41, 1024 : i32
      %jit3A = arith.constant 16384 : i32
      %eq3A_42 = arith.constant 0 : i32
      %eq3A_43 = arith.cmpi eq, %jit3A, %eq3A_42 : i32
      %jit3A_44 = arith.constant 1 : i32
      %select_n3A = arith.select %eq3A_43, %jit3A_44, %jit3A : i32
      %rem3A = arith.remsi %multiple_of3A, %select_n3A : i32
      %ne3A = arith.constant 0 : i32
      %ne3A_45 = arith.cmpi ne, %rem3A, %ne3A : i32
      %lt3A = arith.constant 0 : i32
      %lt3A_46 = arith.cmpi slt, %rem3A, %lt3A : i32
      %lt3A_47 = arith.constant 0 : i32
      %lt3A_48 = arith.cmpi slt, %select_n3A, %lt3A_47 : i32
      %ne3A_49 = arith.xori %lt3A_46, %lt3A_48 : i1
      %and3A = arith.andi %ne3A_49, %ne3A_45 : i1
      %add3A_50 = arith.addi %rem3A, %select_n3A : i32
      %select_n3A_51 = arith.select %and3A, %add3A_50, %rem3A : i32
      %multiple_of3A_52 = tpu.assume_multiple %select_n3A_51, 1024 : i32
      %jit3A_53 = arith.constant 16384 : i32
      %div3A = arith.divsi %multiple_of3A, %jit3A_53 : i32
      %sign3A = arith.constant 0 : i32
      %sign3A_54 = arith.cmpi sgt, %multiple_of3A, %sign3A : i32
      %sign3A_55 = arith.extui %sign3A_54 : i1 to i32
      %sign3A_56 = arith.constant 0 : i32
      %sign3A_57 = arith.cmpi slt, %multiple_of3A, %sign3A_56 : i32
      %sign3A_58 = arith.extui %sign3A_57 : i1 to i32
      %sign3A_59 = arith.subi %sign3A_55, %sign3A_58 : i32
      %sign3A_60 = arith.constant 0 : i32
      %sign3A_61 = arith.cmpi sgt, %jit3A_53, %sign3A_60 : i32
      %sign3A_62 = arith.extui %sign3A_61 : i1 to i32
      %sign3A_63 = arith.constant 0 : i32
      %sign3A_64 = arith.cmpi slt, %jit3A_53, %sign3A_63 : i32
      %sign3A_65 = arith.extui %sign3A_64 : i1 to i32
      %sign3A_66 = arith.subi %sign3A_62, %sign3A_65 : i32
      %ne3A_67 = arith.cmpi ne, %sign3A_59, %sign3A_66 : i32
      %rem3A_68 = arith.remsi %multiple_of3A, %jit3A_53 : i32
      %ne3A_69 = arith.constant 0 : i32
      %ne3A_70 = arith.cmpi ne, %rem3A_68, %ne3A_69 : i32
      %and3A_71 = arith.andi %ne3A_67, %ne3A_70 : i1
      %sub3A = arith.constant 1 : i32
      %sub3A_72 = arith.subi %div3A, %sub3A : i32
      %select_n3A_73 = arith.select %and3A_71, %sub3A_72, %div3A : i32
      "tpu.region"() ({
        %run_scoped3A = tpu.sem_alloc : memref<!tpu.dma_semaphore, #tpu.memory_space<semaphore_mem>>
        %dma_start3A_74 = tpu.memref_slice %arg3[%select_n3A_73, %multiple_of3A_52] : memref<26x16384xi32, #tpu.memory_space<hbm>> -> memref<1x1024xi32, #tpu.memory_space<hbm>>
        %dma_start3A_75 = tpu.memref_squeeze %dma_start3A_74 : memref<1x1024xi32, #tpu.memory_space<hbm>> -> memref<1024xi32, #tpu.memory_space<hbm>>
        %dma_start3A_76 = tpu.memref_slice %arg3[%select_n3A_73, %multiple_of3A_52] : memref<26x16384xi32, #tpu.memory_space<hbm>> -> memref<1x1024xi32, #tpu.memory_space<hbm>>
        %dma_start3A_77 = tpu.memref_squeeze %dma_start3A_76 : memref<1x1024xi32, #tpu.memory_space<hbm>> -> memref<1024xi32, #tpu.memory_space<hbm>>
        tpu.enqueue_dma source(%dma_start3A_77 : memref<1024xi32, #tpu.memory_space<hbm>>) target(%arg7 : memref<1024xi32, #tpu.memory_space<vmem>>) target_semaphore(%run_scoped3A : memref<!tpu.dma_semaphore, #tpu.memory_space<semaphore_mem>>)
        %dma_wait3A_78 = tpu.memref_slice %arg3[%select_n3A_73, %multiple_of3A_52] : memref<26x16384xi32, #tpu.memory_space<hbm>> -> memref<1x1024xi32, #tpu.memory_space<hbm>>
        %dma_wait3A_79 = tpu.memref_squeeze %dma_wait3A_78 : memref<1x1024xi32, #tpu.memory_space<hbm>> -> memref<1024xi32, #tpu.memory_space<hbm>>
        %dma_wait3A_80 = tpu.memref_slice %arg3[%select_n3A_73, %multiple_of3A_52] : memref<26x16384xi32, #tpu.memory_space<hbm>> -> memref<1x1024xi32, #tpu.memory_space<hbm>>
        %dma_wait3A_81 = tpu.memref_squeeze %dma_wait3A_80 : memref<1x1024xi32, #tpu.memory_space<hbm>> -> memref<1024xi32, #tpu.memory_space<hbm>>
        tpu.wait_dma2 semaphore(%run_scoped3A : memref<!tpu.dma_semaphore, #tpu.memory_space<semaphore_mem>>) src(%dma_wait3A_81 : memref<1024xi32, #tpu.memory_space<hbm>>) dst(%arg7 : memref<1024xi32, #tpu.memory_space<vmem>>)
        tpu.yield
      }) : () -> ()
      "tpu.region"() ({
        %run_scoped3A = tpu.sem_alloc : memref<!tpu.dma_semaphore, #tpu.memory_space<semaphore_mem>>
        %dma_start3A_74 = tpu.memref_slice %arg6[%multiple_of3A] : memref<425984xi32, #tpu.memory_space<hbm>> -> memref<1024xi32, #tpu.memory_space<hbm>>
        %dma_start3A_75 = tpu.memref_slice %arg6[%multiple_of3A] : memref<425984xi32, #tpu.memory_space<hbm>> -> memref<1024xi32, #tpu.memory_space<hbm>>
        tpu.enqueue_dma source(%arg7 : memref<1024xi32, #tpu.memory_space<vmem>>) target(%dma_start3A_75 : memref<1024xi32, #tpu.memory_space<hbm>>) target_semaphore(%run_scoped3A : memref<!tpu.dma_semaphore, #tpu.memory_space<semaphore_mem>>)
        %dma_wait3A_76 = tpu.memref_slice %arg6[%multiple_of3A] : memref<425984xi32, #tpu.memory_space<hbm>> -> memref<1024xi32, #tpu.memory_space<hbm>>
        %dma_wait3A_77 = tpu.memref_slice %arg6[%multiple_of3A] : memref<425984xi32, #tpu.memory_space<hbm>> -> memref<1024xi32, #tpu.memory_space<hbm>>
        tpu.wait_dma2 semaphore(%run_scoped3A : memref<!tpu.dma_semaphore, #tpu.memory_space<semaphore_mem>>) src(%arg7 : memref<1024xi32, #tpu.memory_space<vmem>>) dst(%dma_wait3A_77 : memref<1024xi32, #tpu.memory_space<hbm>>)
        tpu.yield
      }) : () -> ()
    }
    %scan3A_12 = arith.constant 13 : i32
    %eq3A = arith.constant 31 : i32
    %eq3A_13 = arith.cmpi eq, %add3A, %eq3A : i32
    %convert_element_type3A = arith.extui %eq3A_13 : i1 to i32
    %cond3A = arith.constant 0 : i32
    %cond3A_14 = arith.cmpi ne, %convert_element_type3A, %cond3A : i32
    scf.if %cond3A_14 {
      "tpu.region"() ({
        %run_scoped3A = tpu.sem_alloc : memref<!tpu.dma_semaphore, #tpu.memory_space<semaphore_mem>>
        tpu.enqueue_dma source(%arg4 : memref<1024xf32, #tpu.memory_space<hbm>>) target(%arg12 : memref<1024xf32, #tpu.memory_space<vmem>>) target_semaphore(%run_scoped3A : memref<!tpu.dma_semaphore, #tpu.memory_space<semaphore_mem>>)
        tpu.wait_dma2 semaphore(%run_scoped3A : memref<!tpu.dma_semaphore, #tpu.memory_space<semaphore_mem>>) src(%arg4 : memref<1024xf32, #tpu.memory_space<hbm>>) dst(%arg12 : memref<1024xf32, #tpu.memory_space<vmem>>)
        tpu.yield
      }) : () -> ()
      "tpu.region"() ({
        %run_scoped3A = tpu.sem_alloc : memref<!tpu.dma_semaphore, #tpu.memory_space<semaphore_mem>>
        %dma_start3A_36 = arith.constant 15998976 : i32
        %dma_start3A_37 = tpu.memref_slice %arg5[%dma_start3A_36] : memref<16000000xf32, #tpu.memory_space<hbm>> -> memref<1024xf32, #tpu.memory_space<hbm>>
        %dma_start3A_38 = arith.constant 15998976 : i32
        %dma_start3A_39 = tpu.memref_slice %arg5[%dma_start3A_38] : memref<16000000xf32, #tpu.memory_space<hbm>> -> memref<1024xf32, #tpu.memory_space<hbm>>
        tpu.enqueue_dma source(%arg12 : memref<1024xf32, #tpu.memory_space<vmem>>) target(%dma_start3A_39 : memref<1024xf32, #tpu.memory_space<hbm>>) target_semaphore(%run_scoped3A : memref<!tpu.dma_semaphore, #tpu.memory_space<semaphore_mem>>)
        %dma_wait3A_40 = arith.constant 15998976 : i32
        %dma_wait3A_41 = tpu.memref_slice %arg5[%dma_wait3A_40] : memref<16000000xf32, #tpu.memory_space<hbm>> -> memref<1024xf32, #tpu.memory_space<hbm>>
        %dma_wait3A_42 = arith.constant 15998976 : i32
        %dma_wait3A_43 = tpu.memref_slice %arg5[%dma_wait3A_42] : memref<16000000xf32, #tpu.memory_space<hbm>> -> memref<1024xf32, #tpu.memory_space<hbm>>
        tpu.wait_dma2 semaphore(%run_scoped3A : memref<!tpu.dma_semaphore, #tpu.memory_space<semaphore_mem>>) src(%arg12 : memref<1024xf32, #tpu.memory_space<vmem>>) dst(%dma_wait3A_43 : memref<1024xf32, #tpu.memory_space<hbm>>)
        tpu.yield
      }) : () -> ()
    } else {
    }
    %scan3A_15 = arith.constant 0 : i32
    %scan3A_16 = arith.constant 0 : i32
    %scan3A_17 = arith.constant 32 : i32
    %scan3A_18 = arith.addi %scan3A_16, %scan3A_17 : i32
    %scan3A_19 = arith.constant 1 : i32
    scf.for %scan3A_36 = %scan3A_16 to %scan3A_18 step %scan3A_19  : i32 {
      %mul3A_37 = arith.constant 2 : i32
      %mul3A_38 = arith.muli %mul3A_37, %scan3A_36 : i32
      %add3A_39 = arith.constant 1 : i32
      %add3A_40 = arith.addi %mul3A_38, %add3A_39 : i32
      %mul3A_41 = arith.constant 32 : i32
      %mul3A_42 = arith.muli %add3A_40, %mul3A_41 : i32
      %add3A_43 = arith.addi %mul3A_42, %add3A : i32
      %lt3A = arith.constant 1953 : i32
      %lt3A_44 = arith.cmpi slt, %add3A_43, %lt3A : i32
      %convert_element_type3A_45 = arith.extui %lt3A_44 : i1 to i32
      %cond3A_46 = arith.constant 0 : i32
      %cond3A_47 = arith.cmpi ne, %convert_element_type3A_45, %cond3A_46 : i32
      scf.if %cond3A_47 {
        %add3A_78 = arith.constant 1 : i32
        %add3A_79 = arith.addi %mul3A_38, %add3A_78 : i32
        %mul3A_80 = arith.constant 32 : i32
        %mul3A_81 = arith.muli %add3A_79, %mul3A_80 : i32
        %add3A_82 = arith.addi %mul3A_81, %add3A : i32
        %mul3A_83 = arith.constant 512 : i32
        %mul3A_84 = arith.muli %add3A_82, %mul3A_83 : i32
        %dma_start3A_85 = arith.constant 0 : i32
        %dma_start3A_86 = tpu.memref_slice %arg2[%dma_start3A_85, %mul3A_84] : memref<16x1000000xf32, #tpu.memory_space<hbm>> -> memref<16x512xf32, #tpu.memory_space<hbm>>
        %dma_start3A_87 = arith.constant 0 : i32
        %dma_start3A_88 = tpu.memref_slice %arg2[%dma_start3A_87, %mul3A_84] : memref<16x1000000xf32, #tpu.memory_space<hbm>> -> memref<16x512xf32, #tpu.memory_space<hbm>>
        tpu.enqueue_dma source(%dma_start3A_88 : memref<16x512xf32, #tpu.memory_space<hbm>>) target(%arg9 : memref<16x512xf32, #tpu.memory_space<vmem>>) target_semaphore(%arg14 : memref<!tpu.dma_semaphore, #tpu.memory_space<semaphore_mem>>)
      } else {
      }
      %mul3A_48 = arith.constant 32 : i32
      %mul3A_49 = arith.muli %mul3A_38, %mul3A_48 : i32
      %add3A_50 = arith.addi %mul3A_49, %add3A : i32
      %lt3A_51 = arith.constant 1953 : i32
      %lt3A_52 = arith.cmpi slt, %add3A_50, %lt3A_51 : i32
      %convert_element_type3A_53 = arith.extui %lt3A_52 : i1 to i32
      %cond3A_54 = arith.constant 0 : i32
      %cond3A_55 = arith.cmpi ne, %convert_element_type3A_53, %cond3A_54 : i32
      scf.if %cond3A_55 {
        %mul3A_78 = arith.constant 32 : i32
        %mul3A_79 = arith.muli %mul3A_38, %mul3A_78 : i32
        %add3A_80 = arith.addi %mul3A_79, %add3A : i32
        %mul3A_81 = arith.constant 512 : i32
        %mul3A_82 = arith.muli %add3A_80, %mul3A_81 : i32
        %dma_wait3A_83 = arith.constant 0 : i32
        %dma_wait3A_84 = tpu.memref_slice %arg2[%dma_wait3A_83, %mul3A_82] : memref<16x1000000xf32, #tpu.memory_space<hbm>> -> memref<16x512xf32, #tpu.memory_space<hbm>>
        %dma_wait3A_85 = arith.constant 0 : i32
        %dma_wait3A_86 = tpu.memref_slice %arg2[%dma_wait3A_85, %mul3A_82] : memref<16x1000000xf32, #tpu.memory_space<hbm>> -> memref<16x512xf32, #tpu.memory_space<hbm>>
        tpu.wait_dma2 semaphore(%arg13 : memref<!tpu.dma_semaphore, #tpu.memory_space<semaphore_mem>>) src(%dma_wait3A_86 : memref<16x512xf32, #tpu.memory_space<hbm>>) dst(%arg8 : memref<16x512xf32, #tpu.memory_space<vmem>>)
        %ge3A = arith.constant 2 : i32
        %ge3A_87 = arith.cmpi sge, %mul3A_38, %ge3A : i32
        %convert_element_type3A_88 = arith.extui %ge3A_87 : i1 to i32
        %cond3A_89 = arith.constant 0 : i32
        %cond3A_90 = arith.cmpi ne, %convert_element_type3A_88, %cond3A_89 : i32
        scf.if %cond3A_90 {
          %sub3A = arith.constant 2 : i32
          %sub3A_106 = arith.subi %mul3A_38, %sub3A : i32
          %mul3A_107 = arith.constant 32 : i32
          %mul3A_108 = arith.muli %sub3A_106, %mul3A_107 : i32
          %add3A_109 = arith.addi %mul3A_108, %add3A : i32
          %mul3A_110 = arith.constant 512 : i32
          %mul3A_111 = arith.muli %add3A_109, %mul3A_110 : i32
          %mul3A_112 = arith.constant 16 : i32
          %mul3A_113 = arith.muli %mul3A_111, %mul3A_112 : i32
          %dma_wait3A_114 = tpu.memref_slice %arg5[%mul3A_113] : memref<16000000xf32, #tpu.memory_space<hbm>> -> memref<8192xf32, #tpu.memory_space<hbm>>
          %dma_wait3A_115 = tpu.memref_slice %arg5[%mul3A_113] : memref<16000000xf32, #tpu.memory_space<hbm>> -> memref<8192xf32, #tpu.memory_space<hbm>>
          tpu.wait_dma2 semaphore(%arg15 : memref<!tpu.dma_semaphore, #tpu.memory_space<semaphore_mem>>) src(%arg10 : memref<8192xf32, #tpu.memory_space<vmem>>) dst(%dma_wait3A_115 : memref<8192xf32, #tpu.memory_space<hbm>>)
        } else {
        }
        %iota3A = tpu.iota {dimensions = array<i32: 0>} : vector<16xi32>
        %scan3A_91 = arith.constant 0 : i32
        %scan3A_92 = arith.constant 0 : i32
        %scan3A_93 = arith.constant 32 : i32
        %scan3A_94 = arith.addi %scan3A_92, %scan3A_93 : i32
        %scan3A_95 = arith.constant 1 : i32
        scf.for %scan3A_106 = %scan3A_92 to %scan3A_94 step %scan3A_95  : i32 {
          %mul3A_107 = arith.constant 16 : i32
          %mul3A_108 = arith.muli %scan3A_106, %mul3A_107 : i32
          %add3A_109 = vector.broadcast %mul3A_108 : i32 to vector<16xi32>
          %add3A_110 = arith.addi %add3A_109, %iota3A : vector<16xi32>
          %add3A_111 = arith.constant 0 : i32
          %add3A_112 = vector.broadcast %add3A_111 : i32 to vector<16xi32>
          %add3A_113 = arith.addi %iota3A, %add3A_112 : vector<16xi32>
          %and3A = arith.constant 15 : i32
          %and3A_114 = vector.broadcast %and3A : i32 to vector<16xi32>
          %and3A_115 = arith.andi %add3A_113, %and3A_114 : vector<16xi32>
          %gather3A = tpu.vector_load_idx %arg8[%and3A_115, %add3A_110] : memref<16x512xf32, #tpu.memory_space<vmem>>[vector<16xi32>, vector<16xi32>], vector<16xf32>,
          %mul3A_116 = arith.constant 16 : i32
          %mul3A_117 = vector.broadcast %mul3A_116 : i32 to vector<16xi32>
          %mul3A_118 = arith.muli %add3A_110, %mul3A_117 : vector<16xi32>
          %add3A_119 = arith.addi %mul3A_118, %and3A_115 : vector<16xi32>
          tpu.vector_store_idx %arg10[%add3A_119], %gather3A : memref<8192xf32, #tpu.memory_space<vmem>>[vector<16xi32>], vector<16xf32>,
          %add3A_120 = arith.constant 1 : i32
          %add3A_121 = vector.broadcast %add3A_120 : i32 to vector<16xi32>
          %add3A_122 = arith.addi %iota3A, %add3A_121 : vector<16xi32>
          %and3A_123 = arith.constant 15 : i32
          %and3A_124 = vector.broadcast %and3A_123 : i32 to vector<16xi32>
          %and3A_125 = arith.andi %add3A_122, %and3A_124 : vector<16xi32>
          %gather3A_126 = tpu.vector_load_idx %arg8[%and3A_125, %add3A_110] : memref<16x512xf32, #tpu.memory_space<vmem>>[vector<16xi32>, vector<16xi32>], vector<16xf32>,
          %mul3A_127 = arith.constant 16 : i32
          %mul3A_128 = vector.broadcast %mul3A_127 : i32 to vector<16xi32>
          %mul3A_129 = arith.muli %add3A_110, %mul3A_128 : vector<16xi32>
          %add3A_130 = arith.addi %mul3A_129, %and3A_125 : vector<16xi32>
          tpu.vector_store_idx %arg10[%add3A_130], %gather3A_126 : memref<8192xf32, #tpu.memory_space<vmem>>[vector<16xi32>], vector<16xf32>,
          %add3A_131 = arith.constant 2 : i32
          %add3A_132 = vector.broadcast %add3A_131 : i32 to vector<16xi32>
          %add3A_133 = arith.addi %iota3A, %add3A_132 : vector<16xi32>
          %and3A_134 = arith.constant 15 : i32
          %and3A_135 = vector.broadcast %and3A_134 : i32 to vector<16xi32>
          %and3A_136 = arith.andi %add3A_133, %and3A_135 : vector<16xi32>
          %gather3A_137 = tpu.vector_load_idx %arg8[%and3A_136, %add3A_110] : memref<16x512xf32, #tpu.memory_space<vmem>>[vector<16xi32>, vector<16xi32>], vector<16xf32>,
          %mul3A_138 = arith.constant 16 : i32
          %mul3A_139 = vector.broadcast %mul3A_138 : i32 to vector<16xi32>
          %mul3A_140 = arith.muli %add3A_110, %mul3A_139 : vector<16xi32>
          %add3A_141 = arith.addi %mul3A_140, %and3A_136 : vector<16xi32>
          tpu.vector_store_idx %arg10[%add3A_141], %gather3A_137 : memref<8192xf32, #tpu.memory_space<vmem>>[vector<16xi32>], vector<16xf32>,
          %add3A_142 = arith.constant 3 : i32
          %add3A_143 = vector.broadcast %add3A_142 : i32 to vector<16xi32>
          %add3A_144 = arith.addi %iota3A, %add3A_143 : vector<16xi32>
          %and3A_145 = arith.constant 15 : i32
          %and3A_146 = vector.broadcast %and3A_145 : i32 to vector<16xi32>
          %and3A_147 = arith.andi %add3A_144, %and3A_146 : vector<16xi32>
          %gather3A_148 = tpu.vector_load_idx %arg8[%and3A_147, %add3A_110] : memref<16x512xf32, #tpu.memory_space<vmem>>[vector<16xi32>, vector<16xi32>], vector<16xf32>,
          %mul3A_149 = arith.constant 16 : i32
          %mul3A_150 = vector.broadcast %mul3A_149 : i32 to vector<16xi32>
          %mul3A_151 = arith.muli %add3A_110, %mul3A_150 : vector<16xi32>
          %add3A_152 = arith.addi %mul3A_151, %and3A_147 : vector<16xi32>
          tpu.vector_store_idx %arg10[%add3A_152], %gather3A_148 : memref<8192xf32, #tpu.memory_space<vmem>>[vector<16xi32>], vector<16xf32>,
          %add3A_153 = arith.constant 4 : i32
          %add3A_154 = vector.broadcast %add3A_153 : i32 to vector<16xi32>
          %add3A_155 = arith.addi %iota3A, %add3A_154 : vector<16xi32>
          %and3A_156 = arith.constant 15 : i32
          %and3A_157 = vector.broadcast %and3A_156 : i32 to vector<16xi32>
          %and3A_158 = arith.andi %add3A_155, %and3A_157 : vector<16xi32>
          %gather3A_159 = tpu.vector_load_idx %arg8[%and3A_158, %add3A_110] : memref<16x512xf32, #tpu.memory_space<vmem>>[vector<16xi32>, vector<16xi32>], vector<16xf32>,
          %mul3A_160 = arith.constant 16 : i32
          %mul3A_161 = vector.broadcast %mul3A_160 : i32 to vector<16xi32>
          %mul3A_162 = arith.muli %add3A_110, %mul3A_161 : vector<16xi32>
          %add3A_163 = arith.addi %mul3A_162, %and3A_158 : vector<16xi32>
          tpu.vector_store_idx %arg10[%add3A_163], %gather3A_159 : memref<8192xf32, #tpu.memory_space<vmem>>[vector<16xi32>], vector<16xf32>,
          %add3A_164 = arith.constant 5 : i32
          %add3A_165 = vector.broadcast %add3A_164 : i32 to vector<16xi32>
          %add3A_166 = arith.addi %iota3A, %add3A_165 : vector<16xi32>
          %and3A_167 = arith.constant 15 : i32
          %and3A_168 = vector.broadcast %and3A_167 : i32 to vector<16xi32>
          %and3A_169 = arith.andi %add3A_166, %and3A_168 : vector<16xi32>
          %gather3A_170 = tpu.vector_load_idx %arg8[%and3A_169, %add3A_110] : memref<16x512xf32, #tpu.memory_space<vmem>>[vector<16xi32>, vector<16xi32>], vector<16xf32>,
          %mul3A_171 = arith.constant 16 : i32
          %mul3A_172 = vector.broadcast %mul3A_171 : i32 to vector<16xi32>
          %mul3A_173 = arith.muli %add3A_110, %mul3A_172 : vector<16xi32>
          %add3A_174 = arith.addi %mul3A_173, %and3A_169 : vector<16xi32>
          tpu.vector_store_idx %arg10[%add3A_174], %gather3A_170 : memref<8192xf32, #tpu.memory_space<vmem>>[vector<16xi32>], vector<16xf32>,
          %add3A_175 = arith.constant 6 : i32
          %add3A_176 = vector.broadcast %add3A_175 : i32 to vector<16xi32>
          %add3A_177 = arith.addi %iota3A, %add3A_176 : vector<16xi32>
          %and3A_178 = arith.constant 15 : i32
          %and3A_179 = vector.broadcast %and3A_178 : i32 to vector<16xi32>
          %and3A_180 = arith.andi %add3A_177, %and3A_179 : vector<16xi32>
          %gather3A_181 = tpu.vector_load_idx %arg8[%and3A_180, %add3A_110] : memref<16x512xf32, #tpu.memory_space<vmem>>[vector<16xi32>, vector<16xi32>], vector<16xf32>,
          %mul3A_182 = arith.constant 16 : i32
          %mul3A_183 = vector.broadcast %mul3A_182 : i32 to vector<16xi32>
          %mul3A_184 = arith.muli %add3A_110, %mul3A_183 : vector<16xi32>
          %add3A_185 = arith.addi %mul3A_184, %and3A_180 : vector<16xi32>
          tpu.vector_store_idx %arg10[%add3A_185], %gather3A_181 : memref<8192xf32, #tpu.memory_space<vmem>>[vector<16xi32>], vector<16xf32>,
          %add3A_186 = arith.constant 7 : i32
          %add3A_187 = vector.broadcast %add3A_186 : i32 to vector<16xi32>
          %add3A_188 = arith.addi %iota3A, %add3A_187 : vector<16xi32>
          %and3A_189 = arith.constant 15 : i32
          %and3A_190 = vector.broadcast %and3A_189 : i32 to vector<16xi32>
          %and3A_191 = arith.andi %add3A_188, %and3A_190 : vector<16xi32>
          %gather3A_192 = tpu.vector_load_idx %arg8[%and3A_191, %add3A_110] : memref<16x512xf32, #tpu.memory_space<vmem>>[vector<16xi32>, vector<16xi32>], vector<16xf32>,
          %mul3A_193 = arith.constant 16 : i32
          %mul3A_194 = vector.broadcast %mul3A_193 : i32 to vector<16xi32>
          %mul3A_195 = arith.muli %add3A_110, %mul3A_194 : vector<16xi32>
          %add3A_196 = arith.addi %mul3A_195, %and3A_191 : vector<16xi32>
          tpu.vector_store_idx %arg10[%add3A_196], %gather3A_192 : memref<8192xf32, #tpu.memory_space<vmem>>[vector<16xi32>], vector<16xf32>,
          %add3A_197 = arith.constant 8 : i32
          %add3A_198 = vector.broadcast %add3A_197 : i32 to vector<16xi32>
          %add3A_199 = arith.addi %iota3A, %add3A_198 : vector<16xi32>
          %and3A_200 = arith.constant 15 : i32
          %and3A_201 = vector.broadcast %and3A_200 : i32 to vector<16xi32>
          %and3A_202 = arith.andi %add3A_199, %and3A_201 : vector<16xi32>
          %gather3A_203 = tpu.vector_load_idx %arg8[%and3A_202, %add3A_110] : memref<16x512xf32, #tpu.memory_space<vmem>>[vector<16xi32>, vector<16xi32>], vector<16xf32>,
          %mul3A_204 = arith.constant 16 : i32
          %mul3A_205 = vector.broadcast %mul3A_204 : i32 to vector<16xi32>
          %mul3A_206 = arith.muli %add3A_110, %mul3A_205 : vector<16xi32>
          %add3A_207 = arith.addi %mul3A_206, %and3A_202 : vector<16xi32>
          tpu.vector_store_idx %arg10[%add3A_207], %gather3A_203 : memref<8192xf32, #tpu.memory_space<vmem>>[vector<16xi32>], vector<16xf32>,
          %add3A_208 = arith.constant 9 : i32
          %add3A_209 = vector.broadcast %add3A_208 : i32 to vector<16xi32>
          %add3A_210 = arith.addi %iota3A, %add3A_209 : vector<16xi32>
          %and3A_211 = arith.constant 15 : i32
          %and3A_212 = vector.broadcast %and3A_211 : i32 to vector<16xi32>
          %and3A_213 = arith.andi %add3A_210, %and3A_212 : vector<16xi32>
          %gather3A_214 = tpu.vector_load_idx %arg8[%and3A_213, %add3A_110] : memref<16x512xf32, #tpu.memory_space<vmem>>[vector<16xi32>, vector<16xi32>], vector<16xf32>,
          %mul3A_215 = arith.constant 16 : i32
          %mul3A_216 = vector.broadcast %mul3A_215 : i32 to vector<16xi32>
          %mul3A_217 = arith.muli %add3A_110, %mul3A_216 : vector<16xi32>
          %add3A_218 = arith.addi %mul3A_217, %and3A_213 : vector<16xi32>
          tpu.vector_store_idx %arg10[%add3A_218], %gather3A_214 : memref<8192xf32, #tpu.memory_space<vmem>>[vector<16xi32>], vector<16xf32>,
          %add3A_219 = arith.constant 10 : i32
          %add3A_220 = vector.broadcast %add3A_219 : i32 to vector<16xi32>
          %add3A_221 = arith.addi %iota3A, %add3A_220 : vector<16xi32>
          %and3A_222 = arith.constant 15 : i32
          %and3A_223 = vector.broadcast %and3A_222 : i32 to vector<16xi32>
          %and3A_224 = arith.andi %add3A_221, %and3A_223 : vector<16xi32>
          %gather3A_225 = tpu.vector_load_idx %arg8[%and3A_224, %add3A_110] : memref<16x512xf32, #tpu.memory_space<vmem>>[vector<16xi32>, vector<16xi32>], vector<16xf32>,
          %mul3A_226 = arith.constant 16 : i32
          %mul3A_227 = vector.broadcast %mul3A_226 : i32 to vector<16xi32>
          %mul3A_228 = arith.muli %add3A_110, %mul3A_227 : vector<16xi32>
          %add3A_229 = arith.addi %mul3A_228, %and3A_224 : vector<16xi32>
          tpu.vector_store_idx %arg10[%add3A_229], %gather3A_225 : memref<8192xf32, #tpu.memory_space<vmem>>[vector<16xi32>], vector<16xf32>,
          %add3A_230 = arith.constant 11 : i32
          %add3A_231 = vector.broadcast %add3A_230 : i32 to vector<16xi32>
          %add3A_232 = arith.addi %iota3A, %add3A_231 : vector<16xi32>
          %and3A_233 = arith.constant 15 : i32
          %and3A_234 = vector.broadcast %and3A_233 : i32 to vector<16xi32>
          %and3A_235 = arith.andi %add3A_232, %and3A_234 : vector<16xi32>
          %gather3A_236 = tpu.vector_load_idx %arg8[%and3A_235, %add3A_110] : memref<16x512xf32, #tpu.memory_space<vmem>>[vector<16xi32>, vector<16xi32>], vector<16xf32>,
          %mul3A_237 = arith.constant 16 : i32
          %mul3A_238 = vector.broadcast %mul3A_237 : i32 to vector<16xi32>
          %mul3A_239 = arith.muli %add3A_110, %mul3A_238 : vector<16xi32>
          %add3A_240 = arith.addi %mul3A_239, %and3A_235 : vector<16xi32>
          tpu.vector_store_idx %arg10[%add3A_240], %gather3A_236 : memref<8192xf32, #tpu.memory_space<vmem>>[vector<16xi32>], vector<16xf32>,
          %add3A_241 = arith.constant 12 : i32
          %add3A_242 = vector.broadcast %add3A_241 : i32 to vector<16xi32>
          %add3A_243 = arith.addi %iota3A, %add3A_242 : vector<16xi32>
          %and3A_244 = arith.constant 15 : i32
          %and3A_245 = vector.broadcast %and3A_244 : i32 to vector<16xi32>
          %and3A_246 = arith.andi %add3A_243, %and3A_245 : vector<16xi32>
          %gather3A_247 = tpu.vector_load_idx %arg8[%and3A_246, %add3A_110] : memref<16x512xf32, #tpu.memory_space<vmem>>[vector<16xi32>, vector<16xi32>], vector<16xf32>,
          %mul3A_248 = arith.constant 16 : i32
          %mul3A_249 = vector.broadcast %mul3A_248 : i32 to vector<16xi32>
          %mul3A_250 = arith.muli %add3A_110, %mul3A_249 : vector<16xi32>
          %add3A_251 = arith.addi %mul3A_250, %and3A_246 : vector<16xi32>
          tpu.vector_store_idx %arg10[%add3A_251], %gather3A_247 : memref<8192xf32, #tpu.memory_space<vmem>>[vector<16xi32>], vector<16xf32>,
          %add3A_252 = arith.constant 13 : i32
          %add3A_253 = vector.broadcast %add3A_252 : i32 to vector<16xi32>
          %add3A_254 = arith.addi %iota3A, %add3A_253 : vector<16xi32>
          %and3A_255 = arith.constant 15 : i32
          %and3A_256 = vector.broadcast %and3A_255 : i32 to vector<16xi32>
          %and3A_257 = arith.andi %add3A_254, %and3A_256 : vector<16xi32>
          %gather3A_258 = tpu.vector_load_idx %arg8[%and3A_257, %add3A_110] : memref<16x512xf32, #tpu.memory_space<vmem>>[vector<16xi32>, vector<16xi32>], vector<16xf32>,
          %mul3A_259 = arith.constant 16 : i32
          %mul3A_260 = vector.broadcast %mul3A_259 : i32 to vector<16xi32>
          %mul3A_261 = arith.muli %add3A_110, %mul3A_260 : vector<16xi32>
          %add3A_262 = arith.addi %mul3A_261, %and3A_257 : vector<16xi32>
          tpu.vector_store_idx %arg10[%add3A_262], %gather3A_258 : memref<8192xf32, #tpu.memory_space<vmem>>[vector<16xi32>], vector<16xf32>,
          %add3A_263 = arith.constant 14 : i32
          %add3A_264 = vector.broadcast %add3A_263 : i32 to vector<16xi32>
          %add3A_265 = arith.addi %iota3A, %add3A_264 : vector<16xi32>
          %and3A_266 = arith.constant 15 : i32
          %and3A_267 = vector.broadcast %and3A_266 : i32 to vector<16xi32>
          %and3A_268 = arith.andi %add3A_265, %and3A_267 : vector<16xi32>
          %gather3A_269 = tpu.vector_load_idx %arg8[%and3A_268, %add3A_110] : memref<16x512xf32, #tpu.memory_space<vmem>>[vector<16xi32>, vector<16xi32>], vector<16xf32>,
          %mul3A_270 = arith.constant 16 : i32
          %mul3A_271 = vector.broadcast %mul3A_270 : i32 to vector<16xi32>
          %mul3A_272 = arith.muli %add3A_110, %mul3A_271 : vector<16xi32>
          %add3A_273 = arith.addi %mul3A_272, %and3A_268 : vector<16xi32>
          tpu.vector_store_idx %arg10[%add3A_273], %gather3A_269 : memref<8192xf32, #tpu.memory_space<vmem>>[vector<16xi32>], vector<16xf32>,
          %add3A_274 = arith.constant 15 : i32
          %add3A_275 = vector.broadcast %add3A_274 : i32 to vector<16xi32>
          %add3A_276 = arith.addi %iota3A, %add3A_275 : vector<16xi32>
          %and3A_277 = arith.constant 15 : i32
          %and3A_278 = vector.broadcast %and3A_277 : i32 to vector<16xi32>
          %and3A_279 = arith.andi %add3A_276, %and3A_278 : vector<16xi32>
          %gather3A_280 = tpu.vector_load_idx %arg8[%and3A_279, %add3A_110] : memref<16x512xf32, #tpu.memory_space<vmem>>[vector<16xi32>, vector<16xi32>], vector<16xf32>,
          %mul3A_281 = arith.constant 16 : i32
          %mul3A_282 = vector.broadcast %mul3A_281 : i32 to vector<16xi32>
          %mul3A_283 = arith.muli %add3A_110, %mul3A_282 : vector<16xi32>
          %add3A_284 = arith.addi %mul3A_283, %and3A_279 : vector<16xi32>
          tpu.vector_store_idx %arg10[%add3A_284], %gather3A_280 : memref<8192xf32, #tpu.memory_space<vmem>>[vector<16xi32>], vector<16xf32>,
        }
        %scan3A_96 = arith.constant 32 : i32
        %mul3A_97 = arith.constant 32 : i32
        %mul3A_98 = arith.muli %mul3A_38, %mul3A_97 : i32
        %add3A_99 = arith.addi %mul3A_98, %add3A : i32
        %mul3A_100 = arith.constant 512 : i32
        %mul3A_101 = arith.muli %add3A_99, %mul3A_100 : i32
        %mul3A_102 = arith.constant 16 : i32
        %mul3A_103 = arith.muli %mul3A_101, %mul3A_102 : i32
        %dma_start3A_104 = tpu.memref_slice %arg5[%mul3A_103] : memref<16000000xf32, #tpu.memory_space<hbm>> -> memref<8192xf32, #tpu.memory_space<hbm>>
        %dma_start3A_105 = tpu.memref_slice %arg5[%mul3A_103] : memref<16000000xf32, #tpu.memory_space<hbm>> -> memref<8192xf32, #tpu.memory_space<hbm>>
        tpu.enqueue_dma source(%arg10 : memref<8192xf32, #tpu.memory_space<vmem>>) target(%dma_start3A_105 : memref<8192xf32, #tpu.memory_space<hbm>>) target_semaphore(%arg15 : memref<!tpu.dma_semaphore, #tpu.memory_space<semaphore_mem>>)
      } else {
      }
      %mul3A_56 = arith.constant 2 : i32
      %mul3A_57 = arith.muli %mul3A_56, %scan3A_36 : i32
      %add3A_58 = arith.constant 1 : i32
      %add3A_59 = arith.addi %mul3A_57, %add3A_58 : i32
      %add3A_60 = arith.constant 1 : i32
      %add3A_61 = arith.addi %add3A_59, %add3A_60 : i32
      %mul3A_62 = arith.constant 32 : i32
      %mul3A_63 = arith.muli %add3A_61, %mul3A_62 : i32
      %add3A_64 = arith.addi %mul3A_63, %add3A : i32
      %lt3A_65 = arith.constant 1953 : i32
      %lt3A_66 = arith.cmpi slt, %add3A_64, %lt3A_65 : i32
      %convert_element_type3A_67 = arith.extui %lt3A_66 : i1 to i32
      %cond3A_68 = arith.constant 0 : i32
      %cond3A_69 = arith.cmpi ne, %convert_element_type3A_67, %cond3A_68 : i32
      scf.if %cond3A_69 {
        %add3A_78 = arith.constant 1 : i32
        %add3A_79 = arith.addi %add3A_59, %add3A_78 : i32
        %mul3A_80 = arith.constant 32 : i32
        %mul3A_81 = arith.muli %add3A_79, %mul3A_80 : i32
        %add3A_82 = arith.addi %mul3A_81, %add3A : i32
        %mul3A_83 = arith.constant 512 : i32
        %mul3A_84 = arith.muli %add3A_82, %mul3A_83 : i32
        %dma_start3A_85 = arith.constant 0 : i32
        %dma_start3A_86 = tpu.memref_slice %arg2[%dma_start3A_85, %mul3A_84] : memref<16x1000000xf32, #tpu.memory_space<hbm>> -> memref<16x512xf32, #tpu.memory_space<hbm>>
        %dma_start3A_87 = arith.constant 0 : i32
        %dma_start3A_88 = tpu.memref_slice %arg2[%dma_start3A_87, %mul3A_84] : memref<16x1000000xf32, #tpu.memory_space<hbm>> -> memref<16x512xf32, #tpu.memory_space<hbm>>
        tpu.enqueue_dma source(%dma_start3A_88 : memref<16x512xf32, #tpu.memory_space<hbm>>) target(%arg8 : memref<16x512xf32, #tpu.memory_space<vmem>>) target_semaphore(%arg13 : memref<!tpu.dma_semaphore, #tpu.memory_space<semaphore_mem>>)
      } else {
      }
      %mul3A_70 = arith.constant 32 : i32
      %mul3A_71 = arith.muli %add3A_59, %mul3A_70 : i32
      %add3A_72 = arith.addi %mul3A_71, %add3A : i32
      %lt3A_73 = arith.constant 1953 : i32
      %lt3A_74 = arith.cmpi slt, %add3A_72, %lt3A_73 : i32
      %convert_element_type3A_75 = arith.extui %lt3A_74 : i1 to i32
      %cond3A_76 = arith.constant 0 : i32
      %cond3A_77 = arith.cmpi ne, %convert_element_type3A_75, %cond3A_76 : i32
      scf.if %cond3A_77 {
        %mul3A_78 = arith.constant 32 : i32
        %mul3A_79 = arith.muli %add3A_59, %mul3A_78 : i32
        %add3A_80 = arith.addi %mul3A_79, %add3A : i32
        %mul3A_81 = arith.constant 512 : i32
        %mul3A_82 = arith.muli %add3A_80, %mul3A_81 : i32
        %dma_wait3A_83 = arith.constant 0 : i32
        %dma_wait3A_84 = tpu.memref_slice %arg2[%dma_wait3A_83, %mul3A_82] : memref<16x1000000xf32, #tpu.memory_space<hbm>> -> memref<16x512xf32, #tpu.memory_space<hbm>>
        %dma_wait3A_85 = arith.constant 0 : i32
        %dma_wait3A_86 = tpu.memref_slice %arg2[%dma_wait3A_85, %mul3A_82] : memref<16x1000000xf32, #tpu.memory_space<hbm>> -> memref<16x512xf32, #tpu.memory_space<hbm>>
        tpu.wait_dma2 semaphore(%arg14 : memref<!tpu.dma_semaphore, #tpu.memory_space<semaphore_mem>>) src(%dma_wait3A_86 : memref<16x512xf32, #tpu.memory_space<hbm>>) dst(%arg9 : memref<16x512xf32, #tpu.memory_space<vmem>>)
        %ge3A = arith.constant 2 : i32
        %ge3A_87 = arith.cmpi sge, %add3A_59, %ge3A : i32
        %convert_element_type3A_88 = arith.extui %ge3A_87 : i1 to i32
        %cond3A_89 = arith.constant 0 : i32
        %cond3A_90 = arith.cmpi ne, %convert_element_type3A_88, %cond3A_89 : i32
        scf.if %cond3A_90 {
          %sub3A = arith.constant 2 : i32
          %sub3A_106 = arith.subi %add3A_59, %sub3A : i32
          %mul3A_107 = arith.constant 32 : i32
          %mul3A_108 = arith.muli %sub3A_106, %mul3A_107 : i32
          %add3A_109 = arith.addi %mul3A_108, %add3A : i32
          %mul3A_110 = arith.constant 512 : i32
          %mul3A_111 = arith.muli %add3A_109, %mul3A_110 : i32
          %mul3A_112 = arith.constant 16 : i32
          %mul3A_113 = arith.muli %mul3A_111, %mul3A_112 : i32
          %dma_wait3A_114 = tpu.memref_slice %arg5[%mul3A_113] : memref<16000000xf32, #tpu.memory_space<hbm>> -> memref<8192xf32, #tpu.memory_space<hbm>>
          %dma_wait3A_115 = tpu.memref_slice %arg5[%mul3A_113] : memref<16000000xf32, #tpu.memory_space<hbm>> -> memref<8192xf32, #tpu.memory_space<hbm>>
          tpu.wait_dma2 semaphore(%arg16 : memref<!tpu.dma_semaphore, #tpu.memory_space<semaphore_mem>>) src(%arg11 : memref<8192xf32, #tpu.memory_space<vmem>>) dst(%dma_wait3A_115 : memref<8192xf32, #tpu.memory_space<hbm>>)
        } else {
        }
        %iota3A = tpu.iota {dimensions = array<i32: 0>} : vector<16xi32>
        %scan3A_91 = arith.constant 0 : i32
        %scan3A_92 = arith.constant 0 : i32
        %scan3A_93 = arith.constant 32 : i32
        %scan3A_94 = arith.addi %scan3A_92, %scan3A_93 : i32
        %scan3A_95 = arith.constant 1 : i32
        scf.for %scan3A_106 = %scan3A_92 to %scan3A_94 step %scan3A_95  : i32 {
          %mul3A_107 = arith.constant 16 : i32
          %mul3A_108 = arith.muli %scan3A_106, %mul3A_107 : i32
          %add3A_109 = vector.broadcast %mul3A_108 : i32 to vector<16xi32>
          %add3A_110 = arith.addi %add3A_109, %iota3A : vector<16xi32>
          %add3A_111 = arith.constant 0 : i32
          %add3A_112 = vector.broadcast %add3A_111 : i32 to vector<16xi32>
          %add3A_113 = arith.addi %iota3A, %add3A_112 : vector<16xi32>
          %and3A = arith.constant 15 : i32
          %and3A_114 = vector.broadcast %and3A : i32 to vector<16xi32>
          %and3A_115 = arith.andi %add3A_113, %and3A_114 : vector<16xi32>
          %gather3A = tpu.vector_load_idx %arg9[%and3A_115, %add3A_110] : memref<16x512xf32, #tpu.memory_space<vmem>>[vector<16xi32>, vector<16xi32>], vector<16xf32>,
          %mul3A_116 = arith.constant 16 : i32
          %mul3A_117 = vector.broadcast %mul3A_116 : i32 to vector<16xi32>
          %mul3A_118 = arith.muli %add3A_110, %mul3A_117 : vector<16xi32>
          %add3A_119 = arith.addi %mul3A_118, %and3A_115 : vector<16xi32>
          tpu.vector_store_idx %arg11[%add3A_119], %gather3A : memref<8192xf32, #tpu.memory_space<vmem>>[vector<16xi32>], vector<16xf32>,
          %add3A_120 = arith.constant 1 : i32
          %add3A_121 = vector.broadcast %add3A_120 : i32 to vector<16xi32>
          %add3A_122 = arith.addi %iota3A, %add3A_121 : vector<16xi32>
          %and3A_123 = arith.constant 15 : i32
          %and3A_124 = vector.broadcast %and3A_123 : i32 to vector<16xi32>
          %and3A_125 = arith.andi %add3A_122, %and3A_124 : vector<16xi32>
          %gather3A_126 = tpu.vector_load_idx %arg9[%and3A_125, %add3A_110] : memref<16x512xf32, #tpu.memory_space<vmem>>[vector<16xi32>, vector<16xi32>], vector<16xf32>,
          %mul3A_127 = arith.constant 16 : i32
          %mul3A_128 = vector.broadcast %mul3A_127 : i32 to vector<16xi32>
          %mul3A_129 = arith.muli %add3A_110, %mul3A_128 : vector<16xi32>
          %add3A_130 = arith.addi %mul3A_129, %and3A_125 : vector<16xi32>
          tpu.vector_store_idx %arg11[%add3A_130], %gather3A_126 : memref<8192xf32, #tpu.memory_space<vmem>>[vector<16xi32>], vector<16xf32>,
          %add3A_131 = arith.constant 2 : i32
          %add3A_132 = vector.broadcast %add3A_131 : i32 to vector<16xi32>
          %add3A_133 = arith.addi %iota3A, %add3A_132 : vector<16xi32>
          %and3A_134 = arith.constant 15 : i32
          %and3A_135 = vector.broadcast %and3A_134 : i32 to vector<16xi32>
          %and3A_136 = arith.andi %add3A_133, %and3A_135 : vector<16xi32>
          %gather3A_137 = tpu.vector_load_idx %arg9[%and3A_136, %add3A_110] : memref<16x512xf32, #tpu.memory_space<vmem>>[vector<16xi32>, vector<16xi32>], vector<16xf32>,
          %mul3A_138 = arith.constant 16 : i32
          %mul3A_139 = vector.broadcast %mul3A_138 : i32 to vector<16xi32>
          %mul3A_140 = arith.muli %add3A_110, %mul3A_139 : vector<16xi32>
          %add3A_141 = arith.addi %mul3A_140, %and3A_136 : vector<16xi32>
          tpu.vector_store_idx %arg11[%add3A_141], %gather3A_137 : memref<8192xf32, #tpu.memory_space<vmem>>[vector<16xi32>], vector<16xf32>,
          %add3A_142 = arith.constant 3 : i32
          %add3A_143 = vector.broadcast %add3A_142 : i32 to vector<16xi32>
          %add3A_144 = arith.addi %iota3A, %add3A_143 : vector<16xi32>
          %and3A_145 = arith.constant 15 : i32
          %and3A_146 = vector.broadcast %and3A_145 : i32 to vector<16xi32>
          %and3A_147 = arith.andi %add3A_144, %and3A_146 : vector<16xi32>
          %gather3A_148 = tpu.vector_load_idx %arg9[%and3A_147, %add3A_110] : memref<16x512xf32, #tpu.memory_space<vmem>>[vector<16xi32>, vector<16xi32>], vector<16xf32>,
          %mul3A_149 = arith.constant 16 : i32
          %mul3A_150 = vector.broadcast %mul3A_149 : i32 to vector<16xi32>
          %mul3A_151 = arith.muli %add3A_110, %mul3A_150 : vector<16xi32>
          %add3A_152 = arith.addi %mul3A_151, %and3A_147 : vector<16xi32>
          tpu.vector_store_idx %arg11[%add3A_152], %gather3A_148 : memref<8192xf32, #tpu.memory_space<vmem>>[vector<16xi32>], vector<16xf32>,
          %add3A_153 = arith.constant 4 : i32
          %add3A_154 = vector.broadcast %add3A_153 : i32 to vector<16xi32>
          %add3A_155 = arith.addi %iota3A, %add3A_154 : vector<16xi32>
          %and3A_156 = arith.constant 15 : i32
          %and3A_157 = vector.broadcast %and3A_156 : i32 to vector<16xi32>
          %and3A_158 = arith.andi %add3A_155, %and3A_157 : vector<16xi32>
          %gather3A_159 = tpu.vector_load_idx %arg9[%and3A_158, %add3A_110] : memref<16x512xf32, #tpu.memory_space<vmem>>[vector<16xi32>, vector<16xi32>], vector<16xf32>,
          %mul3A_160 = arith.constant 16 : i32
          %mul3A_161 = vector.broadcast %mul3A_160 : i32 to vector<16xi32>
          %mul3A_162 = arith.muli %add3A_110, %mul3A_161 : vector<16xi32>
          %add3A_163 = arith.addi %mul3A_162, %and3A_158 : vector<16xi32>
          tpu.vector_store_idx %arg11[%add3A_163], %gather3A_159 : memref<8192xf32, #tpu.memory_space<vmem>>[vector<16xi32>], vector<16xf32>,
          %add3A_164 = arith.constant 5 : i32
          %add3A_165 = vector.broadcast %add3A_164 : i32 to vector<16xi32>
          %add3A_166 = arith.addi %iota3A, %add3A_165 : vector<16xi32>
          %and3A_167 = arith.constant 15 : i32
          %and3A_168 = vector.broadcast %and3A_167 : i32 to vector<16xi32>
          %and3A_169 = arith.andi %add3A_166, %and3A_168 : vector<16xi32>
          %gather3A_170 = tpu.vector_load_idx %arg9[%and3A_169, %add3A_110] : memref<16x512xf32, #tpu.memory_space<vmem>>[vector<16xi32>, vector<16xi32>], vector<16xf32>,
          %mul3A_171 = arith.constant 16 : i32
          %mul3A_172 = vector.broadcast %mul3A_171 : i32 to vector<16xi32>
          %mul3A_173 = arith.muli %add3A_110, %mul3A_172 : vector<16xi32>
          %add3A_174 = arith.addi %mul3A_173, %and3A_169 : vector<16xi32>
          tpu.vector_store_idx %arg11[%add3A_174], %gather3A_170 : memref<8192xf32, #tpu.memory_space<vmem>>[vector<16xi32>], vector<16xf32>,
          %add3A_175 = arith.constant 6 : i32
          %add3A_176 = vector.broadcast %add3A_175 : i32 to vector<16xi32>
          %add3A_177 = arith.addi %iota3A, %add3A_176 : vector<16xi32>
          %and3A_178 = arith.constant 15 : i32
          %and3A_179 = vector.broadcast %and3A_178 : i32 to vector<16xi32>
          %and3A_180 = arith.andi %add3A_177, %and3A_179 : vector<16xi32>
          %gather3A_181 = tpu.vector_load_idx %arg9[%and3A_180, %add3A_110] : memref<16x512xf32, #tpu.memory_space<vmem>>[vector<16xi32>, vector<16xi32>], vector<16xf32>,
          %mul3A_182 = arith.constant 16 : i32
          %mul3A_183 = vector.broadcast %mul3A_182 : i32 to vector<16xi32>
          %mul3A_184 = arith.muli %add3A_110, %mul3A_183 : vector<16xi32>
          %add3A_185 = arith.addi %mul3A_184, %and3A_180 : vector<16xi32>
          tpu.vector_store_idx %arg11[%add3A_185], %gather3A_181 : memref<8192xf32, #tpu.memory_space<vmem>>[vector<16xi32>], vector<16xf32>,
          %add3A_186 = arith.constant 7 : i32
          %add3A_187 = vector.broadcast %add3A_186 : i32 to vector<16xi32>
          %add3A_188 = arith.addi %iota3A, %add3A_187 : vector<16xi32>
          %and3A_189 = arith.constant 15 : i32
          %and3A_190 = vector.broadcast %and3A_189 : i32 to vector<16xi32>
          %and3A_191 = arith.andi %add3A_188, %and3A_190 : vector<16xi32>
          %gather3A_192 = tpu.vector_load_idx %arg9[%and3A_191, %add3A_110] : memref<16x512xf32, #tpu.memory_space<vmem>>[vector<16xi32>, vector<16xi32>], vector<16xf32>,
          %mul3A_193 = arith.constant 16 : i32
          %mul3A_194 = vector.broadcast %mul3A_193 : i32 to vector<16xi32>
          %mul3A_195 = arith.muli %add3A_110, %mul3A_194 : vector<16xi32>
          %add3A_196 = arith.addi %mul3A_195, %and3A_191 : vector<16xi32>
          tpu.vector_store_idx %arg11[%add3A_196], %gather3A_192 : memref<8192xf32, #tpu.memory_space<vmem>>[vector<16xi32>], vector<16xf32>,
          %add3A_197 = arith.constant 8 : i32
          %add3A_198 = vector.broadcast %add3A_197 : i32 to vector<16xi32>
          %add3A_199 = arith.addi %iota3A, %add3A_198 : vector<16xi32>
          %and3A_200 = arith.constant 15 : i32
          %and3A_201 = vector.broadcast %and3A_200 : i32 to vector<16xi32>
          %and3A_202 = arith.andi %add3A_199, %and3A_201 : vector<16xi32>
          %gather3A_203 = tpu.vector_load_idx %arg9[%and3A_202, %add3A_110] : memref<16x512xf32, #tpu.memory_space<vmem>>[vector<16xi32>, vector<16xi32>], vector<16xf32>,
          %mul3A_204 = arith.constant 16 : i32
          %mul3A_205 = vector.broadcast %mul3A_204 : i32 to vector<16xi32>
          %mul3A_206 = arith.muli %add3A_110, %mul3A_205 : vector<16xi32>
          %add3A_207 = arith.addi %mul3A_206, %and3A_202 : vector<16xi32>
          tpu.vector_store_idx %arg11[%add3A_207], %gather3A_203 : memref<8192xf32, #tpu.memory_space<vmem>>[vector<16xi32>], vector<16xf32>,
          %add3A_208 = arith.constant 9 : i32
          %add3A_209 = vector.broadcast %add3A_208 : i32 to vector<16xi32>
          %add3A_210 = arith.addi %iota3A, %add3A_209 : vector<16xi32>
          %and3A_211 = arith.constant 15 : i32
          %and3A_212 = vector.broadcast %and3A_211 : i32 to vector<16xi32>
          %and3A_213 = arith.andi %add3A_210, %and3A_212 : vector<16xi32>
          %gather3A_214 = tpu.vector_load_idx %arg9[%and3A_213, %add3A_110] : memref<16x512xf32, #tpu.memory_space<vmem>>[vector<16xi32>, vector<16xi32>], vector<16xf32>,
          %mul3A_215 = arith.constant 16 : i32
          %mul3A_216 = vector.broadcast %mul3A_215 : i32 to vector<16xi32>
          %mul3A_217 = arith.muli %add3A_110, %mul3A_216 : vector<16xi32>
          %add3A_218 = arith.addi %mul3A_217, %and3A_213 : vector<16xi32>
          tpu.vector_store_idx %arg11[%add3A_218], %gather3A_214 : memref<8192xf32, #tpu.memory_space<vmem>>[vector<16xi32>], vector<16xf32>,
          %add3A_219 = arith.constant 10 : i32
          %add3A_220 = vector.broadcast %add3A_219 : i32 to vector<16xi32>
          %add3A_221 = arith.addi %iota3A, %add3A_220 : vector<16xi32>
          %and3A_222 = arith.constant 15 : i32
          %and3A_223 = vector.broadcast %and3A_222 : i32 to vector<16xi32>
          %and3A_224 = arith.andi %add3A_221, %and3A_223 : vector<16xi32>
          %gather3A_225 = tpu.vector_load_idx %arg9[%and3A_224, %add3A_110] : memref<16x512xf32, #tpu.memory_space<vmem>>[vector<16xi32>, vector<16xi32>], vector<16xf32>,
          %mul3A_226 = arith.constant 16 : i32
          %mul3A_227 = vector.broadcast %mul3A_226 : i32 to vector<16xi32>
          %mul3A_228 = arith.muli %add3A_110, %mul3A_227 : vector<16xi32>
          %add3A_229 = arith.addi %mul3A_228, %and3A_224 : vector<16xi32>
          tpu.vector_store_idx %arg11[%add3A_229], %gather3A_225 : memref<8192xf32, #tpu.memory_space<vmem>>[vector<16xi32>], vector<16xf32>,
          %add3A_230 = arith.constant 11 : i32
          %add3A_231 = vector.broadcast %add3A_230 : i32 to vector<16xi32>
          %add3A_232 = arith.addi %iota3A, %add3A_231 : vector<16xi32>
          %and3A_233 = arith.constant 15 : i32
          %and3A_234 = vector.broadcast %and3A_233 : i32 to vector<16xi32>
          %and3A_235 = arith.andi %add3A_232, %and3A_234 : vector<16xi32>
          %gather3A_236 = tpu.vector_load_idx %arg9[%and3A_235, %add3A_110] : memref<16x512xf32, #tpu.memory_space<vmem>>[vector<16xi32>, vector<16xi32>], vector<16xf32>,
          %mul3A_237 = arith.constant 16 : i32
          %mul3A_238 = vector.broadcast %mul3A_237 : i32 to vector<16xi32>
          %mul3A_239 = arith.muli %add3A_110, %mul3A_238 : vector<16xi32>
          %add3A_240 = arith.addi %mul3A_239, %and3A_235 : vector<16xi32>
          tpu.vector_store_idx %arg11[%add3A_240], %gather3A_236 : memref<8192xf32, #tpu.memory_space<vmem>>[vector<16xi32>], vector<16xf32>,
          %add3A_241 = arith.constant 12 : i32
          %add3A_242 = vector.broadcast %add3A_241 : i32 to vector<16xi32>
          %add3A_243 = arith.addi %iota3A, %add3A_242 : vector<16xi32>
          %and3A_244 = arith.constant 15 : i32
          %and3A_245 = vector.broadcast %and3A_244 : i32 to vector<16xi32>
          %and3A_246 = arith.andi %add3A_243, %and3A_245 : vector<16xi32>
          %gather3A_247 = tpu.vector_load_idx %arg9[%and3A_246, %add3A_110] : memref<16x512xf32, #tpu.memory_space<vmem>>[vector<16xi32>, vector<16xi32>], vector<16xf32>,
          %mul3A_248 = arith.constant 16 : i32
          %mul3A_249 = vector.broadcast %mul3A_248 : i32 to vector<16xi32>
          %mul3A_250 = arith.muli %add3A_110, %mul3A_249 : vector<16xi32>
          %add3A_251 = arith.addi %mul3A_250, %and3A_246 : vector<16xi32>
          tpu.vector_store_idx %arg11[%add3A_251], %gather3A_247 : memref<8192xf32, #tpu.memory_space<vmem>>[vector<16xi32>], vector<16xf32>,
          %add3A_252 = arith.constant 13 : i32
          %add3A_253 = vector.broadcast %add3A_252 : i32 to vector<16xi32>
          %add3A_254 = arith.addi %iota3A, %add3A_253 : vector<16xi32>
          %and3A_255 = arith.constant 15 : i32
          %and3A_256 = vector.broadcast %and3A_255 : i32 to vector<16xi32>
          %and3A_257 = arith.andi %add3A_254, %and3A_256 : vector<16xi32>
          %gather3A_258 = tpu.vector_load_idx %arg9[%and3A_257, %add3A_110] : memref<16x512xf32, #tpu.memory_space<vmem>>[vector<16xi32>, vector<16xi32>], vector<16xf32>,
          %mul3A_259 = arith.constant 16 : i32
          %mul3A_260 = vector.broadcast %mul3A_259 : i32 to vector<16xi32>
          %mul3A_261 = arith.muli %add3A_110, %mul3A_260 : vector<16xi32>
          %add3A_262 = arith.addi %mul3A_261, %and3A_257 : vector<16xi32>
          tpu.vector_store_idx %arg11[%add3A_262], %gather3A_258 : memref<8192xf32, #tpu.memory_space<vmem>>[vector<16xi32>], vector<16xf32>,
          %add3A_263 = arith.constant 14 : i32
          %add3A_264 = vector.broadcast %add3A_263 : i32 to vector<16xi32>
          %add3A_265 = arith.addi %iota3A, %add3A_264 : vector<16xi32>
          %and3A_266 = arith.constant 15 : i32
          %and3A_267 = vector.broadcast %and3A_266 : i32 to vector<16xi32>
          %and3A_268 = arith.andi %add3A_265, %and3A_267 : vector<16xi32>
          %gather3A_269 = tpu.vector_load_idx %arg9[%and3A_268, %add3A_110] : memref<16x512xf32, #tpu.memory_space<vmem>>[vector<16xi32>, vector<16xi32>], vector<16xf32>,
          %mul3A_270 = arith.constant 16 : i32
          %mul3A_271 = vector.broadcast %mul3A_270 : i32 to vector<16xi32>
          %mul3A_272 = arith.muli %add3A_110, %mul3A_271 : vector<16xi32>
          %add3A_273 = arith.addi %mul3A_272, %and3A_268 : vector<16xi32>
          tpu.vector_store_idx %arg11[%add3A_273], %gather3A_269 : memref<8192xf32, #tpu.memory_space<vmem>>[vector<16xi32>], vector<16xf32>,
          %add3A_274 = arith.constant 15 : i32
          %add3A_275 = vector.broadcast %add3A_274 : i32 to vector<16xi32>
          %add3A_276 = arith.addi %iota3A, %add3A_275 : vector<16xi32>
          %and3A_277 = arith.constant 15 : i32
          %and3A_278 = vector.broadcast %and3A_277 : i32 to vector<16xi32>
          %and3A_279 = arith.andi %add3A_276, %and3A_278 : vector<16xi32>
          %gather3A_280 = tpu.vector_load_idx %arg9[%and3A_279, %add3A_110] : memref<16x512xf32, #tpu.memory_space<vmem>>[vector<16xi32>, vector<16xi32>], vector<16xf32>,
          %mul3A_281 = arith.constant 16 : i32
          %mul3A_282 = vector.broadcast %mul3A_281 : i32 to vector<16xi32>
          %mul3A_283 = arith.muli %add3A_110, %mul3A_282 : vector<16xi32>
          %add3A_284 = arith.addi %mul3A_283, %and3A_279 : vector<16xi32>
          tpu.vector_store_idx %arg11[%add3A_284], %gather3A_280 : memref<8192xf32, #tpu.memory_space<vmem>>[vector<16xi32>], vector<16xf32>,
        }
        %scan3A_96 = arith.constant 32 : i32
        %mul3A_97 = arith.constant 32 : i32
        %mul3A_98 = arith.muli %add3A_59, %mul3A_97 : i32
        %add3A_99 = arith.addi %mul3A_98, %add3A : i32
        %mul3A_100 = arith.constant 512 : i32
        %mul3A_101 = arith.muli %add3A_99, %mul3A_100 : i32
        %mul3A_102 = arith.constant 16 : i32
        %mul3A_103 = arith.muli %mul3A_101, %mul3A_102 : i32
        %dma_start3A_104 = tpu.memref_slice %arg5[%mul3A_103] : memref<16000000xf32, #tpu.memory_space<hbm>> -> memref<8192xf32, #tpu.memory_space<hbm>>
        %dma_start3A_105 = tpu.memref_slice %arg5[%mul3A_103] : memref<16000000xf32, #tpu.memory_space<hbm>> -> memref<8192xf32, #tpu.memory_space<hbm>>
        tpu.enqueue_dma source(%arg11 : memref<8192xf32, #tpu.memory_space<vmem>>) target(%dma_start3A_105 : memref<8192xf32, #tpu.memory_space<hbm>>) target_semaphore(%arg16 : memref<!tpu.dma_semaphore, #tpu.memory_space<semaphore_mem>>)
      } else {
      }
    }
    %scan3A_20 = arith.constant 32 : i32
    %add3A_21 = arith.constant 0 : i32
    %add3A_22 = arith.addi %add3A_21, %add3A : i32
    %mul3A_23 = arith.constant 512 : i32
    %mul3A_24 = arith.muli %add3A_22, %mul3A_23 : i32
    %mul3A_25 = arith.constant 16 : i32
    %mul3A_26 = arith.muli %mul3A_24, %mul3A_25 : i32
    %dma_wait3A = tpu.memref_slice %arg5[%mul3A_26] : memref<16000000xf32, #tpu.memory_space<hbm>> -> memref<8192xf32, #tpu.memory_space<hbm>>
    %dma_wait3A_27 = tpu.memref_slice %arg5[%mul3A_26] : memref<16000000xf32, #tpu.memory_space<hbm>> -> memref<8192xf32, #tpu.memory_space<hbm>>
    tpu.wait_dma2 semaphore(%arg15 : memref<!tpu.dma_semaphore, #tpu.memory_space<semaphore_mem>>) src(%arg10 : memref<8192xf32, #tpu.memory_space<vmem>>) dst(%dma_wait3A_27 : memref<8192xf32, #tpu.memory_space<hbm>>)
    %add3A_28 = arith.constant 32 : i32
    %add3A_29 = arith.addi %add3A_28, %add3A : i32
    %mul3A_30 = arith.constant 512 : i32
    %mul3A_31 = arith.muli %add3A_29, %mul3A_30 : i32
    %mul3A_32 = arith.constant 16 : i32
    %mul3A_33 = arith.muli %mul3A_31, %mul3A_32 : i32
    %dma_wait3A_34 = tpu.memref_slice %arg5[%mul3A_33] : memref<16000000xf32, #tpu.memory_space<hbm>> -> memref<8192xf32, #tpu.memory_space<hbm>>
    %dma_wait3A_35 = tpu.memref_slice %arg5[%mul3A_33] : memref<16000000xf32, #tpu.memory_space<hbm>> -> memref<8192xf32, #tpu.memory_space<hbm>>
    tpu.wait_dma2 semaphore(%arg16 : memref<!tpu.dma_semaphore, #tpu.memory_space<semaphore_mem>>) src(%arg11 : memref<8192xf32, #tpu.memory_space<vmem>>) dst(%dma_wait3A_35 : memref<8192xf32, #tpu.memory_space<hbm>>)
    return
  }
}

</mosaic_0001>

<sc_bundles>
// kernel: kernel.4.cloned.1.call-start
scs
__scs_entry_jumppad:
0x0: {  	(pc) =	sbr.rel $0x88, $3  }
0x1: {  	(tag) =	ssettag $0x0;
	lr =	simm.s32 $0x1  }
0x2: {  	[smem:$0x3F9F] =	sst lr;
	_ =	strace $0xD0000000  }
0x3: {  	_ = 	snop  }
0x4: {  	_ = 	snop  }
0x5: {  	_ = 	snop  }
0x6: {  	_ = 	snop  }
0x7: {  	_ = 	snop  }
__scs_overlays_trampoline_lowered:
0x8: {  	[smem:$0x3FAE] =	sst s0  }
0x9: {  	[smem:$0x3FAF] =	sst s1  }
0xa: {  	[smem:$0x3FB0] =	sst s2  }
0xb: {  	[smem:$0x3FB1] =	sst s3  }
0xc: {  	[smem:$0x3FB2] =	sst s4  }
0xd: {  	[smem:$0x3FB3] =	sst s5  }
0xe: {  	[smem:$0x3FB4] =	sst s6  }
0xf: {  	[smem:$0x3FB5] =	sst s7  }
0x10: {  	[smem:$0x3FB6] =	sst s8  }
0x11: {  	[smem:$0x3FB7] =	sst s9;
	s0 =	simm.s32 @!p0 $0x0  }
0x12: {  	s1 =	sld [smem:$0x3F9D];
	s0 =	simm.s32 @p0 $0x1  }
0x13: {  	[smem:$0x3FB8] =	sst s0;
	s0 =	simm.s32 @!p1 $0x0  }
0x14: {  	s2 =	sld [smem:$0x3F9C];
	s0 =	simm.s32 @p1 $0x1  }
0x15: {  	[smem:$0x3FB9] =	sst s0;
	s0 =	simm.s32 @!p2 $0x0  }
0x16: {  	s3 =	sld [smem:$0x3FDB];
	s0 =	simm.s32 @p2 $0x1  }
0x17: {  	s4 =	simm.s32 $0x1BF5;
	[smem:$0x3FBB] =	sst s0  }
0x18: {  	s0 =	sld [smem:$0x3F9E];
	_ =	swait.ge [sflag:s4], $0x0  }
0x19: {  	s7 =	sld [smem:$0x3F9F]  }
0x1a: {  	s8 =	sadd.s32 $0xFFFFE003, lr  }
0x1b: {  	s9 =	sadd.s32 $0xFFFFFEF7, lr;
	s5 =	simm.s32 $0xFFFFFFFF;
	p2 =	slt.u32 s8, $0xFFFFF086  }
0x1c: {  	p1 =	slt.u32 s9, $0xF7A;
	s5 =	simm.s32 @!p2 $0x0  }
0x1d: {  	s5 =	simm.s32 @p1 $0x1;
	p0 =	seq.s32 s7, s2  }
0x1e: {  	s7 =	smul.u32 @!p0 $0xF7A, s2;
	p2 =	seq.s32 @!p0 s5, $0x0  }
0x1f: {  	s9 =	smul.u32 $0xF7A, s1;
	s8 =	simm.s32 @!p0 $0x1BF5;
	p2 =	por !p2, p0  }
0x20: {  	[sflag:s8] =	ssyncset.s32 @!p0 $0xFFFFF086;
	s6 =	sadd.s32 @!p0 s3, s7;
	s7 =	simm.s32 @!p0 $0x108  }
0x21: {  	s3 =	sadd.s32 s3, s9;
	s6 =	sadd.s32 @!p0 $0x88, s6;
	s7 =	simm.s32 @p2 $0x1082  }
0x22: {  	[simem:s7], [sflag:s8] =	dma.local @!p0 [hbm:s6], $0xF7A  }
0x23: {  	s9 =	sor.u32 $0xD0000000, s2;
	s6 =	simm.s32 $0x108;
	_ =	swait.ge @!p0 [sflag:s8], $0x0  }
0x24: {  	s3 =	sadd.s32 $0x88, s3;
	s6 =	simm.s32 @!p1 $0x1082;
	[sflag:s4] =	ssyncset.s32 $0xFFFFF086  }
0x25: {  	[simem:s6], [sflag:s4] =	dma.local [hbm:s3], $0xF7A  }
0x26: {  	[smem:$0x3F9F] =	sst s1;
	(tag) =	ssettag s2;
	_ =	strace s9  }
0x27: {  	s1 =	sld [smem:$0x3FAF]  }
0x28: {  	s2 =	sld [smem:$0x3FB0]  }
0x29: {  	s4 =	sld [smem:$0x3FB2]  }
0x2a: {  	p0 =	seq.s32 s5, $0x0;
	s5 =	sld [smem:$0x3FB3]  }
0x2b: {  	s6 =	sld [smem:$0x3FB4]  }
0x2c: {  	s7 =	sld [smem:$0x3FB5]  }
0x2d: {  	s3 =	simm.s32 $0x108;
	s8 =	sld [smem:$0x3FB6]  }
0x2e: {  	s3 =	simm.s32 @!p0 $0x1082;
	s9 =	sld [smem:$0x3FB7]  }
0x2f: {  	lr =	sadd.s32 s0, s3;
	s0 =	sld [smem:$0x3FAE]  }
0x30: {  	s3 =	sld [smem:$0x3FB1]  }
0x31: {  	[smem:$0x3FBA] =	sst s10  }
0x32: {  	s10 =	sld [smem:$0x3FB8];
	_ =	sdelay $0x3  }
0x33: {  	p0 =	seq.s32 s10, $0x1;
	s10 =	sld [smem:$0x3FBA];
	_ =	sdelay $0x3  }
0x34: {  	[smem:$0x3FBA] =	sst s10  }
0x35: {  	s10 =	sld [smem:$0x3FB9];
	_ =	sdelay $0x3  }
0x36: {  	p1 =	seq.s32 s10, $0x1;
	s10 =	sld [smem:$0x3FBA];
	_ =	sdelay $0x3  }
0x37: {  	[smem:$0x3FBA] =	sst s10  }
0x38: {  	s10 =	sld [smem:$0x3FBB]  }
0x39: {  	_ = 	snop;
	(pc) =	sbr.ind lr, $3  }
0x3a: {  	_ = 	snop  }
0x3b: {  	_ = 	snop  }
0x3c: {  	p2 =	seq.s32 s10, $0x1;
	s10 =	sld [smem:$0x3FBA]  }
0x3d: {  	_ =	shalt  }
0x3e: {  	_ =	shalt  }
0x3f: {  	_ =	shalt  }
0x40: {  	_ =	shalt  }
0x41: {  	_ =	shalt  }
0x42: {  	_ =	shalt  }
0x43: {  	_ =	shalt  }
0x44: {  	_ =	shalt  }
0x45: {  	_ =	shalt  }
0x46: {  	_ =	shalt  }
0x47: {  	_ =	shalt  }
0x48: {  	_ =	shalt  }
0x49: {  	_ =	shalt  }
0x4a: {  	_ =	shalt  }
0x4b: {  	_ =	shalt  }
0x4c: {  	_ =	shalt  }
0x4d: {  	_ =	shalt  }
0x4e: {  	_ =	shalt  }
0x4f: {  	_ =	shalt  }
0x50: {  	_ =	shalt  }
0x51: {  	_ =	shalt  }
0x52: {  	_ =	shalt  }
0x53: {  	_ =	shalt  }
0x54: {  	_ =	shalt  }
0x55: {  	_ =	shalt  }
0x56: {  	_ =	shalt  }
0x57: {  	_ =	shalt  }
0x58: {  	_ =	shalt  }
0x59: {  	_ =	shalt  }
0x5a: {  	_ =	shalt  }
0x5b: {  	_ =	shalt  }
0x5c: {  	_ =	shalt  }
0x5d: {  	_ =	shalt  }
0x5e: {  	_ =	shalt  }
0x5f: {  	_ =	shalt  }
0x60: {  	_ =	shalt  }
0x61: {  	_ =	shalt  }
0x62: {  	_ =	shalt  }
0x63: {  	_ =	shalt  }
0x64: {  	_ =	shalt  }
0x65: {  	_ =	shalt  }
0x66: {  	_ =	shalt  }
0x67: {  	_ =	shalt  }
0x68: {  	_ =	shalt  }
0x69: {  	_ =	shalt  }
0x6a: {  	_ =	shalt  }
0x6b: {  	_ =	shalt  }
0x6c: {  	_ =	shalt  }
0x6d: {  	_ =	shalt  }
0x6e: {  	_ =	shalt  }
0x6f: {  	_ =	shalt  }
0x70: {  	_ =	shalt  }
0x71: {  	_ =	shalt  }
0x72: {  	_ =	shalt  }
0x73: {  	_ =	shalt  }
0x74: {  	_ =	shalt  }
0x75: {  	_ =	shalt  }
0x76: {  	_ =	shalt  }
0x77: {  	_ =	shalt  }
0x78: {  	_ =	shalt  }
0x79: {  	_ =	shalt  }
0x7a: {  	_ =	shalt  }
0x7b: {  	_ =	shalt  }
0x7c: {  	_ =	shalt  }
0x7d: {  	_ =	shalt  }
0x7e: {  	_ =	shalt  }
0x7f: {  	_ =	shalt  }
0x80: {  	_ =	shalt  }
0x81: {  	_ =	shalt  }
0x82: {  	_ =	shalt  }
0x83: {  	_ =	shalt  }
0x84: {  	_ =	shalt  }
0x85: {  	_ =	shalt  }
0x86: {  	_ =	shalt  }
0x87: {  	_ =	shalt  }
.Lfunc_end0:
.L_simem_size_0:
called_computation_lowered:
.L_overlay_start_0:
0x88: {  	s2 =	sld [smem:$0x3FD9]  }
0x89: {  	s3 =	sld [smem:$0x3FFE];
	_ =	sdelay $0x1  }
0x8a: {  	s1 =	srdreg.scid  }
0x8b: {  	s0 =	sand.u32 $0x1, s1  }
0x8c: {  	s17 =	sshll.u32 s0, $0xA;
	s2 =	sadd.s32 s3, s2  }
0x8d: {  	s2 =	sadd.s32 s2, s17  }
0x8e: {  	[smem:$0x3FC6] =	sst s2  }
0x8f: {  	_ = 	snop  }
0x90: {  	s2 =	sld [smem:$0x3FC9]  }
0x91: {  	s18 =	sld [smem:$0x3FC8]  }
0x92: {  	s4 =	sld [smem:$0x3FD0];
	(tm) =	ssettm $0x1  }
0x93: {  	s5 =	sld [smem:$0x3FFB];
	_ =	sdelay $0x3  }
0x94: {  	_ =	strace s5  }
0x95: {  	s5 =	sld [smem:$0x3FFC];
	_ =	sdelay $0x3  }
0x96: {  	_ =	strace s5  }
0x97: {  	s5 =	sld [smem:$0x3FFD];
	_ =	sdelay $0x3  }
0x98: {  	_ =	strace s5  }
0x99: {  	_ =	strace $0x8FFFFFFF  }
0x9a: {  	s19 =	sld [smem:$0x3FDB];
	_ =	sdelay $0x1  }
0x9b: {  	s6 =	simm.s32 $_scs_section_size  }
0x9c: {  	s7 =	simm.s32 $_size__tile_overlayer_lowered;
	s8 =	simm.s32 $_tile_overlayer_lowered  }
0x9d: {  	s22 =	simm.s32 $0x1BFF;
	s21 =	sshll.u32 s8, $0x1;
	s5 =	sadd.s32 s6, s19  }
0x9e: {  	s9 =	simm.s32 $0x0;
	s20 =	sshll.u32 s7, $0x1;
	s7 =	sadd.s32 s21, s5  }
0x9f: {  	[timem:s9], [sflag:s22] =	dma.local [hbm:s7], s20  }
0xa0: {  	_ =	swait.ge [sflag:s22], s20  }
0xa1: {  	s6 =	ssub.s32 $0x0, s20;
	[sflag:s22] =	ssyncset.done $0x0  }
0xa2: {  	[sflag:s22] =	ssyncadd.s32 s6;
	_ =	sdelay $0x1  }
0xa3: {  	s23 =	simm.s32 $0x1B8B  }
0xa4: {  	_ =	swait.ge [sflag:s23], $0x1  }
0xa5: {  	[sflag:s23] =	ssyncset.done $0x0  }
0xa6: {  	s25 =	simm.s32 $0x1B8E;
	s24 =	sld [smem:$0x3FFE];
	[sflag:s23] =	ssyncadd.s32 $0xFFFFFFFF  }
0xa7: {  	s26 =	simm.s32 $execute0_lowered;
	[smem:$0x3FD2] =	sst s25  }
0xa8: {  	s7 =	sshll.u32 s26, $0x1;
	_ =	strace $0x80000046;
	[dreg:$0x1] =	wrdreg $0xFFFFFFFF  }
0xa9: {  	s28 =	simm.s32 $_size_execute0_lowered;
	s5 =	sadd.s32 s5, s7;
	[dreg:$0x0] =	wrdreg $0x0  }
0xaa: {  	s7 =	sshll.u32 s28, $0x1;
	[dreg:$0x2] =	wrdreg s5  }
0xab: {  	[dreg:$0x3] =	wrdreg s7  }
0xac: {  	[dreg:$0x4] =	wrdreg $0xC0  }
0xad: {  	_ =	task [dreg:s9], $0x5FFFF  }
0xae: {  	[dreg:$0x1] =	wrdreg $0xFFFFFFFF  }
0xaf: {  	[dreg:$0x0] =	wrdreg $0x60  }
0xb0: {  	[dreg:$0x2] =	wrdreg s18  }
0xb1: {  	[dreg:$0x3] =	wrdreg s2  }
0xb2: {  	[dreg:$0x4] =	wrdreg s4  }
0xb3: {  	[dreg:$0x5] =	wrdreg s24  }
0xb4: {  	[dreg:$0x6] =	wrdreg $0x9  }
0xb5: {  	_ =	task.clear_ibuf [dreg:s9], $0x7FFFF;
	_ =	strace $0x90000046  }
0xb6: {  	s29 =	simm.s32 $0x9;
	_ =	strace $0x80000048  }
0xb7: {  	_ =	swait.ge [sflag:s29], $0x1  }
0xb8: {  	[sflag:s29] =	ssyncadd.s32 $0xFFFFFFFF  }
0xb9: {  	_ =	strace $0x90000048  }
0xba: {  	_ =	sfence  }
0xbb: {  	s30 =	sld [smem:$0x0];
	_ =	sdelay $0x2  }
0xbc: {  	s31 =	sshll.u32 s1, $0xD;
	s1 =	sshrl.u32 s1, $0x2  }
0xbd: {  	s3 =	sand.u32 $0x4000, s31;
	s1 =	sadd.s32 s1, s30  }
0xbe: {  	s0 =	sor.u32 s3, s0;
	s1 =	sshll.u32 s1, $0x11  }
0xbf: {  	s0 =	sor.u32 s1, s0  }
0xc0: {  	s0 =	sadd.s32 $0x8F2B, s0  }
0xc1: {  	[sflag:s0] =	ssyncadd.remote.s32 $0x1  }
0xc2: {  	_ =	sfence.sel $0xFFFF  }
0xc3: {  	[dreg:$0x0] =	wrdreg $0xFFFFFFFF;
	(pc) =	sbr.abs _section_cstart, $3  }
0xc4: {  	[dreg:$0x1] =	wrdreg $0xFFFFFFFF  }
0xc5: {  	_ =	task.clear_ibuf [dreg:s9], $0x2FFFF;
	_ =	strace $0x9FFFFFFF  }
0xc6: {  	(tm) =	ssettm $0x7FFFFFFF  }
0xc7: {  	_ =	shalt  }
tec
execute0_lowered:
.L_overlay_start_1:
0x0: {  	(tag) =	ssettag $0x1  }
0x1: {  	vm14 =	vcmask $0x300;
	v0 =	vimm.s32 $0x1380  }
0x2: {  	vm13 =	vcmask $0x704;
	vm12 =	vcmask $0xB08;
	vm11 =	vcmask $0xF0C  }
0x3: {  	vm10 =	vcmask $0x1310;
	vm9 =	vcmask $0x1714;
	v2 =	vimm.s32 $0x0  }
0x4: {  	vm8 =	vcmask $0x1B18;
	vm7 =	vcmask $0x1F1C;
	vm6 =	vcmask $0x2320  }
0x5: {  	vm5 =	vcmask $0x2724;
	vm3 =	vcmask $0x2B28;
	vm0 =	vcmask $0x2F2C  }
0x6: {  	v3 =	vimm.s32 $0x80;
	vm1 =	vcmask $0x3330;
	vm2 =	vcmask $0x3734  }
0x7: {  	vm4 =	vcmask $0x3B38;
	v4 =	vimm.s32 $0xFEDCBA9;
	v5 =	vimm.s32 $0x87654321  }
0x8: {  	v6 =	vimm.s32 $0x100;
	v9 =	vimm.s32 $0xA9876543;
	v11 =	vimm.s32 $0xBA987654  }
0x9: {  	v13 =	vimm.s32 $0x300;
	v15 =	vimm.s32 $0xDCBA9876;
	v25 =	vimm.s32 $0xEDCBA987  }
0xa: {  	v28 =	vimm.s32 $0x1000;
	v32 =	vimm.s32 $0x76543210;
	v0 =	vsel vm14, $0x0, v0  }
0xb: {  	v2 =	vsel vm14, $0x80, v2;
	v3 =	vsel vm14, $0x100, v3;
	v4 =	vunpack.c.l.s4.s8 v4  }
0xc: {  	v5 =	vunpack.c.l.s4.s8 v5;
	v6 =	vsel vm14, $0x180, v6;
	v9 =	vunpack.c.l.s4.s8 v9  }
0xd: {  	v11 =	vunpack.c.l.s4.s8 v11;
	v13 =	vsel vm14, $0x380, v13;
	v15 =	vunpack.c.l.s4.s8 v15  }
0xe: {  	v25 =	vunpack.c.l.s4.s8 v25;
	v32 =	vunpack.c.l.s4.s8 v32;
	v0 =	vsel vm13, $0x80, v0  }
0xf: {  	v2 =	vsel vm13, $0x100, v2;
	v3 =	vsel vm13, $0x180, v3;
	v13 =	vsel vm13, $0x1000, v13  }
0x10: {  	v1 =	vsel vm12, $0x100, v0;
	v0 =	vlaneseq.u32;
	v2 =	vsel vm12, $0x180, v2  }
0x11: {  	v3 =	vsel vm12, $0x200, v3;
	v17 =	vunpack.c.0.s8.s32 v4;
	v4 =	vsel vm13, $0x200, v6  }
0x12: {  	v18 =	vunpack.c.0.s8.s32 v5;
	v5 =	vimm.s32 $0x10FEDCBA;
	v6 =	vimm.s32 $0x98765432  }
0x13: {  	v22 =	vunpack.c.0.s8.s32 v9;
	v24 =	vunpack.c.0.s8.s32 v11;
	v31 =	vunpack.c.0.s8.s32 v15  }
0x14: {  	v32 =	vunpack.c.0.s8.s32 v32;
	v1 =	vsel vm11, $0x180, v1;
	v2 =	vsel vm11, $0x200, v2  }
0x15: {  	v3 =	vsel vm11, $0x280, v3;
	v4 =	vsel vm12, $0x280, v4;
	v5 =	vunpack.c.l.s4.s8 v5  }
0x16: {  	v6 =	vunpack.c.l.s4.s8 v6;
	v1 =	vsel vm10, $0x200, v1;
	v2 =	vsel vm10, $0x280, v2  }
0x17: {  	v3 =	vsel vm10, $0x300, v3;
	v4 =	vsel vm11, $0x300, v4;
	v7 =	vcombine.low v18, v17  }
0x18: {  	v56 =	vcombine.low v17, v18;
	v18 =	vimm.s32 $0x1080;
	v1 =	vsel vm9, $0x280, v1  }
0x19: {  	v2 =	vsel vm9, $0x300, v2;
	v3 =	vsel vm9, $0x380, v3;
	v4 =	vsel vm10, $0x380, v4  }
0x1a: {  	v19 =	vunpack.c.0.s8.s32 v5;
	v20 =	vunpack.c.0.s8.s32 v6;
	v18 =	vsel vm14, $0x1100, v18  }
0x1b: {  	v1 =	vsel vm8, $0x300, v1;
	v2 =	vsel vm8, $0x380, v2;
	v3 =	vsel vm8, $0x1000, v3  }
0x1c: {  	v57 =	vsel vm13, $0x1180, v18;
	v1 =	vsel vm7, $0x380, v1;
	v2 =	vsel vm7, $0x1000, v2  }
0x1d: {  	v3 =	vsel vm7, $0x1080, v3;
	v6 =	vcombine.low v20, v19;
	v34 =	vcombine.low v19, v20  }
0x1e: {  	v19 =	vimm.s32 $0x1100;
	v20 =	vsel vm12, $0x1200, v57;
	v1 =	vsel vm6, $0x1000, v1  }
0x1f: {  	v2 =	vsel vm6, $0x1080, v2;
	v3 =	vsel vm6, $0x1100, v3;
	v20 =	vsel vm11, $0x1280, v20  }
0x20: {  	v1 =	vsel vm5, $0x1080, v1;
	v2 =	vsel vm5, $0x1100, v2;
	v3 =	vsel vm5, $0x1180, v3  }
0x21: {  	v20 =	vsel vm10, $0x1300, v20;
	v1 =	vsel vm3, $0x1100, v1;
	v2 =	vsel vm3, $0x1180, v2  }
0x22: {  	v3 =	vsel vm3, $0x1200, v3;
	v20 =	vsel vm9, $0x1380, v20;
	v1 =	vsel vm0, $0x1180, v1  }
0x23: {  	v2 =	vsel vm0, $0x1200, v2;
	v3 =	vsel vm0, $0x1280, v3;
	v20 =	vsel vm8, $0x0, v20  }
0x24: {  	v1 =	vsel vm1, $0x1200, v1;
	v2 =	vsel vm1, $0x1280, v2;
	v8 =	vsel vm1, $0x1300, v3  }
0x25: {  	v3 =	vsel vm9, $0x1000, v4;
	v20 =	vsel vm7, $0x80, v20;
	v1 =	vsel vm2, $0x1280, v1  }
0x26: {  	v2 =	vsel vm2, $0x1300, v2;
	v4 =	vsel vm8, $0x1080, v3;
	v3 =	vand.u32 $0xF, v7  }
0x27: {  	v5 =	vsel vm2, $0x1380, v8;
	v8 =	vimm.s32 $0x180;
	v20 =	vsel vm6, $0x100, v20  }
0x28: {  	v1 =	vsel vm4, $0x1300, v1;
	v2 =	vsel vm4, $0x1380, v2;
	v4 =	vsel vm7, $0x1100, v4  }
0x29: {  	v8 =	vsel vm14, $0x200, v8;
	v20 =	vsel vm5, $0x180, v20;
	v7 =	vsel vm6, $0x1180, v4  }
0x2a: {  	v4 =	vsel vm4, $0x0, v5;
	v20 =	vsel vm3, $0x200, v20;
	v7 =	vsel vm5, $0x1200, v7  }
0x2b: {  	v5 =	vand.u32 $0xF, v6;
	v20 =	vsel vm0, $0x280, v20;
	v6 =	vsel vm3, $0x1280, v7  }
0x2c: {  	v7 =	vsel vm13, $0x280, v8;
	v8 =	vimm.s32 $0x210FEDCB;
	v20 =	vsel vm1, $0x300, v20  }
0x2d: {  	v6 =	vsel vm0, $0x1300, v6;
	v7 =	vsel vm12, $0x300, v7;
	v8 =	vunpack.c.l.s4.s8 v8  }
0x2e: {  	v20 =	vsel vm2, $0x380, v20;
	v7 =	vsel vm11, $0x380, v7;
	v6 =	vsel vm1, $0x1380, v6  }
0x2f: {  	v20 =	vsel vm4, $0x1000, v20;
	v7 =	vsel vm10, $0x1000, v7;
	v21 =	vunpack.c.0.s8.s32 v8  }
0x30: {  	v8 =	vimm.s32 $0x200;
	v6 =	vsel vm2, $0x0, v6;
	v7 =	vsel vm9, $0x1080, v7  }
0x31: {  	v8 =	vsel vm14, $0x280, v8;
	v6 =	vsel vm4, $0x80, v6;
	v7 =	vsel vm8, $0x1100, v7  }
0x32: {  	v8 =	vsel vm13, $0x300, v8;
	v9 =	vcombine.low v22, v21;
	v58 =	vcombine.low v21, v22  }
0x33: {  	v21 =	vimm.s32 $0x1180;
	v7 =	vsel vm7, $0x1180, v7;
	v8 =	vsel vm12, $0x380, v8  }
0x34: {  	v21 =	vsel vm14, $0x1200, v21;
	v7 =	vsel vm6, $0x1200, v7;
	v8 =	vsel vm11, $0x1000, v8  }
0x35: {  	v21 =	vsel vm13, $0x1280, v21;
	v10 =	vsel vm5, $0x1280, v7;
	v7 =	vand.u32 $0xF, v9  }
0x36: {  	v8 =	vsel vm10, $0x1080, v8;
	v21 =	vsel vm12, $0x1300, v21;
	v9 =	vsel vm3, $0x1300, v10  }
0x37: {  	v10 =	vimm.s32 $0x3210FEDC;
	v8 =	vsel vm9, $0x1100, v8;
	v21 =	vsel vm11, $0x1380, v21  }
0x38: {  	v9 =	vsel vm0, $0x1380, v9;
	v10 =	vunpack.c.l.s4.s8 v10;
	v8 =	vsel vm8, $0x1180, v8  }
0x39: {  	v21 =	vsel vm10, $0x0, v21;
	v9 =	vsel vm1, $0x0, v9;
	v8 =	vsel vm7, $0x1200, v8  }
0x3a: {  	v21 =	vsel vm9, $0x80, v21;
	v23 =	vunpack.c.0.s8.s32 v10;
	v8 =	vsel vm6, $0x1280, v8  }
0x3b: {  	v10 =	vimm.s32 $0x280;
	v9 =	vsel vm2, $0x80, v9;
	v21 =	vsel vm8, $0x100, v21  }
0x3c: {  	v8 =	vsel vm5, $0x1300, v8;
	v10 =	vsel vm14, $0x300, v10;
	v21 =	vsel vm7, $0x180, v21  }
0x3d: {  	v8 =	vsel vm3, $0x1380, v8;
	v10 =	vsel vm13, $0x380, v10;
	v11 =	vcombine.low v24, v23  }
0x3e: {  	v21 =	vsel vm6, $0x200, v21;
	v59 =	vcombine.low v23, v24;
	v24 =	vimm.s32 $0x1200  }
0x3f: {  	v12 =	vsel vm0, $0x0, v8;
	v10 =	vsel vm12, $0x1000, v10;
	v8 =	vsel vm4, $0x100, v9  }
0x40: {  	v12 =	vsel vm1, $0x80, v12;
	v10 =	vsel vm11, $0x1080, v10;
	v9 =	vand.u32 $0xF, v11  }
0x41: {  	v11 =	vsel vm2, $0x100, v12;
	v10 =	vsel vm10, $0x1100, v10;
	v12 =	vimm.s32 $0x43210FED  }
0x42: {  	v23 =	vand.u32 $0xF, v58;
	v10 =	vsel vm9, $0x1180, v10;
	v12 =	vunpack.c.l.s4.s8 v12  }
0x43: {  	v21 =	vsel vm5, $0x280, v21;
	v60 =	vsel vm14, $0x1280, v24;
	v14 =	vsel vm8, $0x1200, v10  }
0x44: {  	v10 =	vsel vm4, $0x180, v11;
	v11 =	vsel vm7, $0x1280, v14;
	v26 =	vunpack.c.0.s8.s32 v12  }
0x45: {  	v12 =	vsel vm12, $0x1080, v13;
	v13 =	vimm.s32 $0xCBA98765;
	v14 =	vimm.s32 $0x543210FE  }
0x46: {  	v11 =	vsel vm6, $0x1300, v11;
	v12 =	vsel vm11, $0x1100, v12;
	v13 =	vunpack.c.l.s4.s8 v13  }
0x47: {  	v14 =	vunpack.c.l.s4.s8 v14;
	v11 =	vsel vm5, $0x1380, v11;
	v12 =	vsel vm10, $0x1180, v12  }
0x48: {  	v11 =	vsel vm3, $0x0, v11;
	v12 =	vsel vm9, $0x1200, v12;
	v30 =	vunpack.c.0.s8.s32 v13  }
0x49: {  	v29 =	vunpack.c.0.s8.s32 v14;
	v12 =	vsel vm8, $0x1280, v12;
	v11 =	vsel vm0, $0x80, v11  }
0x4a: {  	v12 =	vsel vm7, $0x1300, v12;
	v13 =	vcombine.low v30, v26;
	v11 =	vsel vm1, $0x100, v11  }
0x4b: {  	v15 =	vcombine.low v31, v29;
	v30 =	vcombine.low v26, v30;
	v26 =	vimm.s32 $0x1280  }
0x4c: {  	v29 =	vcombine.low v29, v31;
	v31 =	vimm.s32 $0x1300;
	v12 =	vsel vm6, $0x1380, v12  }
0x4d: {  	v14 =	vsel vm2, $0x180, v11;
	v26 =	vsel vm14, $0x1300, v26;
	v31 =	vsel vm14, $0x1380, v31  }
0x4e: {  	v12 =	vsel vm5, $0x0, v12;
	v11 =	vand.u32 $0xF, v13;
	v13 =	vand.u32 $0xF, v15  }
0x4f: {  	v15 =	vimm.s32 $0x380;
	v26 =	vsel vm13, $0x1380, v26;
	v31 =	vsel vm13, $0x0, v31  }
0x50: {  	v29 =	vand.u32 $0xF, v29;
	v16 =	vsel vm3, $0x80, v12;
	v12 =	vsel vm4, $0x200, v14  }
0x51: {  	v15 =	vsel vm14, $0x1000, v15;
	v26 =	vsel vm12, $0x0, v26;
	v31 =	vsel vm12, $0x80, v31  }
0x52: {  	v14 =	vsel vm0, $0x100, v16;
	v15 =	vsel vm13, $0x1080, v15;
	v26 =	vsel vm11, $0x80, v26  }
0x53: {  	v31 =	vsel vm11, $0x100, v31;
	v14 =	vsel vm1, $0x180, v14;
	v26 =	vsel vm10, $0x100, v26  }
0x54: {  	v31 =	vsel vm10, $0x180, v31;
	v16 =	vsel vm2, $0x200, v14;
	v14 =	vimm.s32 $0x6543210F  }
0x55: {  	v26 =	vsel vm9, $0x180, v26;
	v31 =	vsel vm9, $0x200, v31;
	v14 =	vunpack.c.l.s4.s8 v14  }
0x56: {  	v15 =	vsel vm12, $0x1100, v15;
	v26 =	vsel vm8, $0x200, v26;
	v31 =	vsel vm8, $0x280, v31  }
0x57: {  	v26 =	vsel vm7, $0x280, v26;
	v31 =	vsel vm7, $0x300, v31;
	v27 =	vunpack.c.0.s8.s32 v14  }
0x58: {  	v14 =	vsel vm11, $0x1180, v15;
	v15 =	vsel vm14, $0x1080, v28;
	v28 =	vunpack.c.0.s8.s32 v25  }
0x59: {  	v25 =	vimm.s32 $0xFEDCBA98;
	v26 =	vsel vm6, $0x300, v26;
	v31 =	vsel vm6, $0x380, v31  }
0x5a: {  	v14 =	vsel vm10, $0x1200, v14;
	v15 =	vsel vm13, $0x1100, v15;
	v25 =	vunpack.c.l.s4.s8 v25  }
0x5b: {  	v26 =	vsel vm5, $0x380, v26;
	v31 =	vsel vm5, $0x1000, v31;
	v15 =	vsel vm12, $0x1180, v15  }
0x5c: {  	v14 =	vsel vm9, $0x1280, v14;
	v26 =	vsel vm3, $0x1000, v26;
	v15 =	vsel vm11, $0x1200, v15  }
0x5d: {  	v31 =	vsel vm3, $0x1080, v31;
	v63 =	vcombine.low v27, v28;
	v15 =	vsel vm10, $0x1280, v15  }
0x5e: {  	v14 =	vsel vm8, $0x1300, v14;
	v25 =	vunpack.c.0.s8.s32 v25;
	v15 =	vsel vm9, $0x1300, v15  }
0x5f: {  	v61 =	vsel vm0, $0x1080, v26;
	v14 =	vsel vm7, $0x1380, v14;
	v15 =	vsel vm8, $0x1380, v15  }
0x60: {  	v31 =	vsel vm0, $0x1100, v31;
	v14 =	vsel vm6, $0x0, v14;
	v15 =	vsel vm7, $0x0, v15  }
0x61: {  	v25 =	vand.u32 $0xF, v25;
	v14 =	vsel vm5, $0x80, v14;
	v15 =	vsel vm6, $0x80, v15  }
0x62: {  	v33 =	vsel vm3, $0x100, v14;
	v14 =	vcombine.low v25, v32;
	v54 =	vsel vm5, $0x100, v15  }
0x63: {  	v25 =	vcombine.low v28, v27;
	v53 =	vsel vm0, $0x180, v33;
	v33 =	vsel vm3, $0x180, v54  }
0x64: {  	v15 =	vsel vm4, $0x280, v16;
	v32 =	vsel vm1, $0x200, v53;
	v55 =	vsel vm0, $0x200, v33  }
0x65: {  	s0 =	rddreg [dreg:$0x0];
	v16 =	vand.u32 $0xF, v25;
	v25 =	vsel vm2, $0x280, v32;
	v32 =	vsel vm1, $0x280, v55  }
0x66: {  	s1 =	rddreg [dreg:$0x1];
	v62 =	vsel vm1, $0x1100, v61;
	v17 =	vsel vm4, $0x300, v25;
	v25 =	vsel vm2, $0x300, v32  }
0x67: {  	s2 =	rddreg [dreg:$0x3];
	v32 =	vsel vm13, $0x1300, v60;
	v18 =	vsel vm4, $0x380, v25;
	v25 =	vsel vm14, $0x1180, v19  }
0x68: {  	s3 =	srdreg.scid;
	s13 =	stileid.u32;
	v31 =	vsel vm1, $0x1180, v31;
	v32 =	vsel vm12, $0x1380, v32;
	v25 =	vsel vm13, $0x1200, v25  }
0x69: {  	s5 =	simm.s32 $0x0;
	s18 =	simm.s32 $0x400;
	s19 =	simm.s32 $0x80;
	v27 =	vand.u32 $0xF, v30;
	v32 =	vsel vm11, $0x0, v32;
	v25 =	vsel vm12, $0x1280, v25  }
0x6a: {  	s20 =	simm.s32 $0x5;
	s21 =	simm.s32 $0x1;
	s22 =	simm.s32 $0x4400;
	v30 =	vsel vm2, $0x1200, v31;
	v32 =	vsel vm10, $0x80, v32;
	v22 =	vsel vm11, $0x1300, v25  }
0x6b: {  	s23 =	simm.s32 $0x2;
	s28 =	simm.s32 $0x4;
	s29 =	simm.s32 $0x0;
	v31 =	vand.u32 $0xF, v63;
	v32 =	vsel vm9, $0x100, v32;
	v22 =	vsel vm10, $0x1380, v22  }
0x6c: {  	s3 =	sand.u32 $0x1, s3;
	s4 =	smul.u32 $0x6800, s13;
	[smem:$0x7FF] =	sst s5;
	v30 =	vsel vm4, $0x1280, v30;
	v32 =	vsel vm8, $0x180, v32;
	v22 =	vsel vm9, $0x0, v22  }
0x6d: {  	s6 =	sadd.s32 $0xC00, s2;
	s24 =	sshll.u32 s13, $0x1;
	s15 =	smul.u32 $0x34000, s13;
	v19 =	vand.u32 $0xF, v56;
	v32 =	vsel vm7, $0x200, v32;
	v22 =	vsel vm8, $0x80, v22  }
0x6e: {  	s7 =	smul.u32 $0x3400, s3;
	_ =	strace $0x80000047;
	s10 =	ssub.s32 $0x2, s3;
	v25 =	vsel vm3, $0x300, v21;
	v32 =	vsel vm6, $0x280, v32;
	v22 =	vsel vm7, $0x100, v22  }
0x6f: {  	s8 =	sor.u32 s3, s24;
	s31 =	smul.u32 $0x1A000, s3;
	s24 =	simm.s32 $0x2400;
	v21 =	vand.u32 $0xF, v34;
	v32 =	vsel vm5, $0x300, v32;
	v22 =	vsel vm6, $0x180, v22  }
0x70: {  	s26 =	sshrl.u32 s10, $0x1;
	s11 =	sshll.u32 s8, $0x9;
	p0 =	sne.s32 s8, $0x1F;
	v25 =	vsel vm0, $0x380, v25;
	v32 =	vsel vm3, $0x380, v32;
	v22 =	vsel vm5, $0x200, v22  }
.Ltmp0:
0x71: {  	s7 =	sadd.s32 s7, s4;
	s12 =	ssub.s32 s10, s26;
	v25 =	vsel vm1, $0x1000, v25;
	v32 =	vsel vm0, $0x1000, v32;
	v22 =	vsel vm3, $0x280, v22;
	(pc) =	sbr.rel .LBB2_1-.Ltmp0, $4  }
0x72: {  	s30 =	sadd.s32 s0, s11;
	s10 =	sadd.s32 $0x1E9000, s2;
	s11 =	sor.u32 $0x40, s8;
	v25 =	vsel vm2, $0x1080, v25;
	v32 =	vsel vm1, $0x1080, v32;
	v22 =	vsel vm0, $0x300, v22  }
0x73: {  	s15 =	sadd.s32 s31, s15;
	s26 =	simm.s32 $0x3;
	s9 =	sshrl.u32 s7, $0x3;
	v24 =	vsel vm4, $0x1100, v25;
	v32 =	vsel vm2, $0x1100, v32;
	v22 =	vsel vm1, $0x380, v22  }
0x74: {  	[dreg:$0x5] =	wrdreg s30;
	s12 =	smax.u32 s12, $0x1;
	s25 =	sadd.s32 s9, s2;
	v26 =	vsel vm4, $0x1180, v32;
	v32 =	vsel vm2, $0x1180, v62;
	v22 =	vsel vm2, $0x1000, v22  }
0x75: {  	s13 =	sshrl.u32 s7, $0x7;
	s14 =	sadd.s32 $0x1E9200, s25;
	s25 =	simm.s32 $0x6400;
	v25 =	vand.u32 $0xF, v59;
	v28 =	vsel vm4, $0x1200, v32;
	v22 =	vsel vm4, $0x1080, v22  }
.LBB2_13:
0x76: {  	s29 =	sadd.s32 $0x1, s29  }
0x77: {  	_ =	swait.ge [sflag:s26], $0x2000;
	p1 =	sne.s32 s29, s12  }
.Ltmp1:
0x78: {  	[sflag:s26] =	ssyncset.done $0x0;
	(pc) =	sbr.rel @!p1 .LBB2_14-.Ltmp1, $4  }
0x79: {  	[sflag:s26] =	ssyncadd.s32 $0xFFFFE000  }
0x7a: {  	_ =	swait.ge [sflag:s28], $0x2000  }
0x7b: {  	[sflag:s28] =	ssyncset.done $0x0  }
0x7c: {  	[sflag:s28] =	ssyncadd.s32 $0xFFFFE000  }
.LBB2_1:
0x7d: {  	s2 =	rddreg [dreg:$0x5];
	s3 =	simm.s32 $0x1000;
	s4 =	simm.s32 $0x7A1400  }
0x7e: {  	[tilespmem:s18], [sflag:$0x1] =	stream.strided.gather [hbm4b:s2+s3], $0x2000, s4, s3, $0x38;
	[tilespmem:$0x8800] =	vst v63  }
0x7f: {  	s9 =	sadd.s32 $0x0, s13;
	s3 =	sand.u32 $0xE0000, s7;
	s4 =	sand.u32 $0x1E000, s15  }
0x80: {  	s16 =	sand.u32 $0x380, s9;
	s2 =	sor.u32 s3, s4  }
0x81: {  	s2 =	sor.u32 s16, s2  }
0x82: {  	s2 =	sshrl.u32 s2, $0x3  }
0x83: {  	s2 =	sadd.s32 s1, s2  }
0x84: {  	[tilespmem:s5], [sflag:$0x5] =	stream.strided.gather [hbm4b:s2+s19], $0x400, s18, s19, $0x38;
	[tilespmem:$0x8800] =	vst v63  }
0x85: {  	s31 =	sadd.s32 $0x8, s13;
	s3 =	sadd.s32 $0x2000, s15;
	_ =	swait.ge [sflag:s20], $0x400  }
0x86: {  	s16 =	simm.s32 $0x10;
	s2 =	sadd.s32 $0x400, s7;
	[sflag:s20] =	ssyncset.done $0x0  }
0x87: {  	s30 =	sand.u32 $0x1E000, s3;
	s17 =	sand.u32 $0xE0000, s2;
	[sflag:s20] =	ssyncadd.s32 $0xFFFFFC00  }
0x88: {  	[hbm4b:s14+s5] =	stream.linear.scatter [tilespmem:s5], [sflag:$0x5], $0x400, $0x38;
	[tilespmem:$0x8800] =	vst v63  }
0x89: {  	s4 =	sor.u32 s17, s30;
	s30 =	sand.u32 $0x380, s31;
	_ =	swait.ge [sflag:s20], $0x400  }
0x8a: {  	s30 =	sor.u32 s30, s4;
	s4 =	sadd.s32 $0x80, s14;
	[sflag:s20] =	ssyncset.done $0x0  }
.LBB2_2:
0x8b: {  	s30 =	sshrl.u32 s30, $0x3;
	[sflag:s20] =	ssyncadd.s32 $0xFFFFFC00  }
0x8c: {  	s31 =	smov.u32 s16;
	s17 =	sadd.s32 $0x8, s16;
	p1 =	sne.s32 s16, $0x60  }
0x8d: {  	s3 =	sadd.s32 $0x2000, s3;
	s2 =	sadd.s32 $0x400, s2;
	s16 =	sadd.s32 s1, s30  }
0x8e: {  	[tilespmem:s5], [sflag:$0x5] =	stream.strided.gather [hbm4b:s16+s19], $0x400, s18, s19, $0x38;
	[tilespmem:$0x8800] =	vst v63  }
0x8f: {  	s30 =	sand.u32 $0x1E000, s3;
	s31 =	sadd.s32 s31, s13;
	_ =	swait.ge [sflag:s20], $0x400  }
.Ltmp2:
0x90: {  	s16 =	sand.u32 $0xE0000, s2;
	[sflag:s20] =	ssyncset.done $0x0;
	(pc) =	sbr.rel @p1 .LBB2_2-.Ltmp2, $4  }
0x91: {  	s16 =	sor.u32 s16, s30;
	s30 =	sand.u32 $0x380, s31;
	[sflag:s20] =	ssyncadd.s32 $0xFFFFFC00  }
0x92: {  	[hbm4b:s4+s5] =	stream.linear.scatter [tilespmem:s5], [sflag:$0x5], $0x400, $0x38;
	[tilespmem:$0x8800] =	vst v63  }
0x93: {  	s30 =	sor.u32 s30, s16;
	_ =	swait.ge [sflag:s20], $0x400  }
0x94: {  	s16 =	smov.u32 s17;
	s4 =	sadd.s32 $0x80, s4;
	[sflag:s20] =	ssyncset.done $0x0  }
0x95: {  	s2 =	sshrl.u32 s30, $0x3  }
0x96: {  	[sflag:s20] =	ssyncadd.s32 $0xFFFFFC00;
	s2 =	sadd.s32 s1, s2  }
0x97: {  	[tilespmem:s5], [sflag:$0x5] =	stream.strided.gather [hbm4b:s2+s19], $0x400, s18, s19, $0x38;
	[tilespmem:$0x8800] =	vst v63  }
0x98: {  	_ =	swait.ge [sflag:s20], $0x400  }
0x99: {  	[sflag:s20] =	ssyncset.done $0x0  }
0x9a: {  	[sflag:s20] =	ssyncadd.s32 $0xFFFFFC00  }
0x9b: {  	[hbm4b:s4+s5] =	stream.linear.scatter [tilespmem:s5], [sflag:$0x5], $0x400, $0x38;
	[tilespmem:$0x8800] =	vst v63  }
0x9c: {  	_ =	swait.ge [sflag:s20], $0x400  }
0x9d: {  	[sflag:s20] =	ssyncset.done $0x0  }
0x9e: {  	[sflag:s20] =	ssyncadd.s32 $0xFFFFFC00  }
0x9f: {  	s3 =	simm.s32 @!p0 $0x8400;
	s2 =	simm.s32 @!p0 $0x0;
	s4 =	rddreg [dreg:$0x2]  }
0xa0: {  	[tilespmem:s3], [sflag:$0x5] =	stream.linear.gather @!p0 [hbm4b:s4+s2], $0x400, $0x38;
	[tilespmem:$0x8800] =	vst v63  }
0xa1: {  	s4 =	simm.s32 @!p0 $0x5  }
0xa2: {  	_ =	swait.ge @!p0 [sflag:s4], $0x400  }
0xa3: {  	[sflag:s4] =	ssyncset.done @!p0 $0x0  }
.Ltmp3:
0xa4: {  	[sflag:s4] =	ssyncadd.s32 @!p0 $0xFFFFFC00;
	(pc) =	sbr.rel .LBB2_4-.Ltmp3, $4  }
0xa5: {  	[hbm4b:s10+s2] =	stream.linear.scatter @!p0 [tilespmem:s3], [sflag:$0x5], $0x400, $0x38;
	[tilespmem:$0x8800] =	vst v63  }
0xa6: {  	_ =	swait.ge @!p0 [sflag:s4], $0x400  }
0xa7: {  	[sflag:s4] =	ssyncset.done @!p0 $0x0  }
0xa8: {  	s30 =	simm.s32 $0x0;
	[sflag:s4] =	ssyncadd.s32 @!p0 $0xFFFFFC00  }
.LBB2_12:
0xa9: {  	s30 =	sadd.s32 $0x1, s30  }
0xaa: {  	p1 =	sne.s32 s30, $0x20  }
.Ltmp4:
0xab: {  	_ = 	snop;
	(pc) =	sbr.rel @!p1 .LBB2_13-.Ltmp4, $1  }
0xac: {  	_ =	sdelay $0x3  }
.LBB2_4:
0xad: {  	s3 =	sshll.u32 s30, $0x6  }
0xae: {  	s4 =	sor.u32 s8, s3  }
0xaf: {  	p3 =	sgt.u32 s4, $0x7A0  }
.Ltmp5:
0xb0: {  	s31 =	sor.u32 $0x20, s4;
	(pc) =	sbr.rel @p3 .LBB2_8-.Ltmp5, $4  }
0xb1: {  	p2 =	sgt.u32 s31, $0x7A0  }
0xb2: {  	p1 =	seq.s32 s30, $0x0;
	s2 =	sshll.u32 @!p2 s31, $0x9;
	s16 =	simm.s32 @!p2 $0x1000  }
0xb3: {  	s17 =	simm.s32 @!p2 $0x7A1400;
	s9 =	simm.s32 @!p2 $0x2400;
	s2 =	sadd.s32 @!p2 s0, s2  }
0xb4: {  	[tilespmem:s9], [sflag:$0x2] =	stream.strided.gather @!p2 [hbm4b:s2+s16], $0x2000, s17, s16, $0x38;
	[tilespmem:$0x8800] =	vst v63  }
0xb5: {  	s2 =	simm.s32 $0x0  }
0xb6: {  	v32 =	vmov s2  }
0xb7: {  	v33 =	vor.u32 s2, v0;
	v32 =	vshll.u32 v32, $0x3  }
0xb8: {  	v34 =	vand.u32 $0x7F, v33;
	v32 =	vand.u32 $0xC00, v32  }
0xb9: {  	_ =	swait.ge [sflag:s21], $0x2000;
	v36 =	vor.u32 v32, v34  }
0xba: {  	[sflag:s21] =	ssyncset.done $0x0;
	v34 =	vor.u32 v1, v36  }
0xbb: {  	s2 =	simm.s32 @!p1 $0x3;
	[sflag:s21] =	ssyncadd.s32 $0xFFFFE000  }
0xbc: {  	_ =	swait.ge @!p1 [sflag:s2], $0x2000  }
0xbd: {  	[sflag:s2] =	ssyncset.done @!p1 $0x0  }
0xbe: {  	v32 =	vshll.u32 v33, $0x4;
	[sflag:s2] =	ssyncadd.s32 @!p1 $0xFFFFE000  }
0xbf: {  	v37 =	vor.u32 v0, v32;
	v63 =	vld.idx.msk [tilespmem:v34+s18+$0x0], $0xffff  }
0xc0: {  	v35 =	vor.u32 v2, v36;
	_ =	sdelay $0x3  }
0xc1: {  	[tilespmem:v37+s22+$0x0] =	vst.idx.msk $0xffff, v63  }
0xc2: {  	v38 =	vor.u32 v3, v32;
	v33 =	vld.idx.msk [tilespmem:v35+s18+$0x0], $0xffff  }
0xc3: {  	v39 =	vor.u32 v4, v36;
	_ =	sdelay $0x3  }
0xc4: {  	[tilespmem:v38+s22+$0x0] =	vst.idx.msk $0xffff, v33  }
0xc5: {  	v40 =	vor.u32 v5, v32;
	v33 =	vld.idx.msk [tilespmem:v39+s18+$0x0], $0xffff  }
0xc6: {  	v41 =	vor.u32 v6, v36;
	_ =	sdelay $0x3  }
0xc7: {  	[tilespmem:v40+s22+$0x0] =	vst.idx.msk $0xffff, v33  }
0xc8: {  	v42 =	vor.u32 v7, v32;
	v33 =	vld.idx.msk [tilespmem:v41+s18+$0x0], $0xffff  }
0xc9: {  	v43 =	vor.u32 v8, v36;
	_ =	sdelay $0x3  }
0xca: {  	[tilespmem:v42+s22+$0x0] =	vst.idx.msk $0xffff, v33  }
0xcb: {  	v44 =	vor.u32 v9, v32;
	v33 =	vld.idx.msk [tilespmem:v43+s18+$0x0], $0xffff  }
0xcc: {  	v45 =	vor.u32 v10, v36;
	_ =	sdelay $0x3  }
0xcd: {  	[tilespmem:v44+s22+$0x0] =	vst.idx.msk $0xffff, v33  }
0xce: {  	v46 =	vor.u32 v11, v32;
	v33 =	vld.idx.msk [tilespmem:v45+s18+$0x0], $0xffff  }
0xcf: {  	v47 =	vor.u32 v12, v36;
	_ =	sdelay $0x3  }
0xd0: {  	[tilespmem:v46+s22+$0x0] =	vst.idx.msk $0xffff, v33  }
0xd1: {  	v48 =	vor.u32 v13, v32;
	v33 =	vld.idx.msk [tilespmem:v47+s18+$0x0], $0xffff  }
0xd2: {  	v49 =	vor.u32 v15, v36;
	_ =	sdelay $0x3  }
0xd3: {  	[tilespmem:v48+s22+$0x0] =	vst.idx.msk $0xffff, v33  }
0xd4: {  	v50 =	vor.u32 v16, v32;
	v33 =	vld.idx.msk [tilespmem:v49+s18+$0x0], $0xffff  }
0xd5: {  	v51 =	vor.u32 v17, v36;
	_ =	sdelay $0x3  }
0xd6: {  	[tilespmem:v50+s22+$0x0] =	vst.idx.msk $0xffff, v33  }
0xd7: {  	v52 =	vor.u32 v14, v32;
	v33 =	vld.idx.msk [tilespmem:v51+s18+$0x0], $0xffff  }
0xd8: {  	v53 =	vor.u32 v18, v36;
	_ =	sdelay $0x3  }
0xd9: {  	[tilespmem:v52+s22+$0x0] =	vst.idx.msk $0xffff, v33  }
0xda: {  	v54 =	vor.u32 v19, v32;
	v33 =	vld.idx.msk [tilespmem:v53+s18+$0x0], $0xffff  }
0xdb: {  	v55 =	vor.u32 v20, v36;
	_ =	sdelay $0x3  }
0xdc: {  	[tilespmem:v54+s22+$0x0] =	vst.idx.msk $0xffff, v33  }
0xdd: {  	v56 =	vor.u32 v21, v32;
	v33 =	vld.idx.msk [tilespmem:v55+s18+$0x0], $0xffff  }
0xde: {  	v57 =	vor.u32 v22, v36;
	_ =	sdelay $0x3  }
0xdf: {  	[tilespmem:v56+s22+$0x0] =	vst.idx.msk $0xffff, v33  }
0xe0: {  	v58 =	vor.u32 v23, v32;
	v33 =	vld.idx.msk [tilespmem:v57+s18+$0x0], $0xffff  }
0xe1: {  	v59 =	vor.u32 v24, v36;
	_ =	sdelay $0x3  }
0xe2: {  	[tilespmem:v58+s22+$0x0] =	vst.idx.msk $0xffff, v33  }
0xe3: {  	v60 =	vor.u32 v25, v32;
	v33 =	vld.idx.msk [tilespmem:v59+s18+$0x0], $0xffff  }
0xe4: {  	v61 =	vor.u32 v26, v36;
	_ =	sdelay $0x3  }
0xe5: {  	[tilespmem:v60+s22+$0x0] =	vst.idx.msk $0xffff, v33  }
0xe6: {  	v62 =	vor.u32 v27, v32;
	v33 =	vld.idx.msk [tilespmem:v61+s18+$0x0], $0xffff  }
0xe7: {  	v63 =	vor.u32 v28, v36;
	_ =	sdelay $0x3  }
0xe8: {  	[tilespmem:v62+s22+$0x0] =	vst.idx.msk $0xffff, v33  }
0xe9: {  	v35 =	vor.u32 v29, v32;
	v34 =	vld.idx.msk [tilespmem:v63+s18+$0x0], $0xffff  }
0xea: {  	v33 =	vor.u32 v30, v36;
	_ =	sdelay $0x1  }
0xeb: {  	s2 =	simm.s32 $0x10  }
0xec: {  	s16 =	simm.s32 $0x20;
	v36 =	vmov s2  }
.LBB2_6:
0xed: {  	p3 =	sne.s32 s16, $0x1F0;
	v37 =	vor.u32 s2, v0;
	v36 =	vshll.u32 v36, $0x3;
	[tilespmem:v35+s22+$0x0] =	vst.idx.msk $0xffff, v34;
	s2 =	smov.u32 s16  }
0xee: {  	v34 =	vand.u32 $0x7F, v37;
	v35 =	vand.u32 $0xC00, v36;
	v36 =	vld.idx.msk [tilespmem:v33+s18+$0x0], $0xffff  }
0xef: {  	v32 =	vor.u32 v31, v32;
	v33 =	vor.u32 v35, v34  }
0xf0: {  	v34 =	vor.u32 v1, v33;
	_ =	sdelay $0x3  }
0xf1: {  	[tilespmem:v32+s22+$0x0] =	vst.idx.msk $0xffff, v36  }
0xf2: {  	v32 =	vshll.u32 v37, $0x4;
	v34 =	vld.idx.msk [tilespmem:v34+s18+$0x0], $0xffff  }
0xf3: {  	v35 =	vor.u32 v0, v32  }
0xf4: {  	v36 =	vor.u32 v2, v33;
	_ =	sdelay $0x3  }
0xf5: {  	[tilespmem:v35+s22+$0x0] =	vst.idx.msk $0xffff, v34  }
0xf6: {  	v34 =	vld.idx.msk [tilespmem:v36+s18+$0x0], $0xffff  }
0xf7: {  	v35 =	vor.u32 v3, v32  }
0xf8: {  	v36 =	vor.u32 v4, v33;
	_ =	sdelay $0x3  }
0xf9: {  	[tilespmem:v35+s22+$0x0] =	vst.idx.msk $0xffff, v34  }
0xfa: {  	v34 =	vld.idx.msk [tilespmem:v36+s18+$0x0], $0xffff  }
0xfb: {  	v35 =	vor.u32 v5, v32  }
0xfc: {  	v36 =	vor.u32 v6, v33;
	_ =	sdelay $0x3  }
0xfd: {  	[tilespmem:v35+s22+$0x0] =	vst.idx.msk $0xffff, v34  }
0xfe: {  	v34 =	vld.idx.msk [tilespmem:v36+s18+$0x0], $0xffff  }
0xff: {  	v35 =	vor.u32 v7, v32  }
0x100: {  	v36 =	vor.u32 v8, v33;
	_ =	sdelay $0x3  }
0x101: {  	[tilespmem:v35+s22+$0x0] =	vst.idx.msk $0xffff, v34  }
0x102: {  	v34 =	vld.idx.msk [tilespmem:v36+s18+$0x0], $0xffff  }
0x103: {  	v35 =	vor.u32 v9, v32  }
0x104: {  	v36 =	vor.u32 v10, v33;
	_ =	sdelay $0x3  }
0x105: {  	[tilespmem:v35+s22+$0x0] =	vst.idx.msk $0xffff, v34  }
0x106: {  	v34 =	vld.idx.msk [tilespmem:v36+s18+$0x0], $0xffff  }
0x107: {  	v35 =	vor.u32 v11, v32  }
0x108: {  	v36 =	vor.u32 v12, v33;
	_ =	sdelay $0x3  }
0x109: {  	[tilespmem:v35+s22+$0x0] =	vst.idx.msk $0xffff, v34  }
0x10a: {  	v34 =	vld.idx.msk [tilespmem:v36+s18+$0x0], $0xffff  }
0x10b: {  	v35 =	vor.u32 v13, v32  }
0x10c: {  	v36 =	vor.u32 v15, v33;
	_ =	sdelay $0x3  }
0x10d: {  	[tilespmem:v35+s22+$0x0] =	vst.idx.msk $0xffff, v34  }
0x10e: {  	v34 =	vld.idx.msk [tilespmem:v36+s18+$0x0], $0xffff  }
0x10f: {  	v35 =	vor.u32 v16, v32  }
0x110: {  	v36 =	vor.u32 v17, v33;
	_ =	sdelay $0x3  }
0x111: {  	[tilespmem:v35+s22+$0x0] =	vst.idx.msk $0xffff, v34  }
0x112: {  	v34 =	vld.idx.msk [tilespmem:v36+s18+$0x0], $0xffff  }
0x113: {  	v35 =	vor.u32 v14, v32  }
0x114: {  	v36 =	vor.u32 v18, v33;
	_ =	sdelay $0x3  }
0x115: {  	[tilespmem:v35+s22+$0x0] =	vst.idx.msk $0xffff, v34  }
0x116: {  	v34 =	vld.idx.msk [tilespmem:v36+s18+$0x0], $0xffff  }
0x117: {  	v35 =	vor.u32 v19, v32  }
0x118: {  	v36 =	vor.u32 v20, v33;
	_ =	sdelay $0x3  }
0x119: {  	[tilespmem:v35+s22+$0x0] =	vst.idx.msk $0xffff, v34  }
0x11a: {  	v34 =	vld.idx.msk [tilespmem:v36+s18+$0x0], $0xffff  }
0x11b: {  	v35 =	vor.u32 v21, v32  }
0x11c: {  	v36 =	vor.u32 v22, v33;
	_ =	sdelay $0x3  }
0x11d: {  	[tilespmem:v35+s22+$0x0] =	vst.idx.msk $0xffff, v34  }
0x11e: {  	v34 =	vld.idx.msk [tilespmem:v36+s18+$0x0], $0xffff  }
0x11f: {  	v35 =	vor.u32 v23, v32  }
0x120: {  	v36 =	vor.u32 v24, v33;
	_ =	sdelay $0x3  }
0x121: {  	[tilespmem:v35+s22+$0x0] =	vst.idx.msk $0xffff, v34  }
0x122: {  	v34 =	vld.idx.msk [tilespmem:v36+s18+$0x0], $0xffff  }
0x123: {  	v35 =	vor.u32 v25, v32  }
0x124: {  	v36 =	vor.u32 v26, v33;
	_ =	sdelay $0x3  }
0x125: {  	[tilespmem:v35+s22+$0x0] =	vst.idx.msk $0xffff, v34  }
0x126: {  	v34 =	vld.idx.msk [tilespmem:v36+s18+$0x0], $0xffff  }
0x127: {  	v35 =	vor.u32 v27, v32  }
0x128: {  	v36 =	vor.u32 v28, v33;
	_ =	sdelay $0x3  }
0x129: {  	[tilespmem:v35+s22+$0x0] =	vst.idx.msk $0xffff, v34  }
0x12a: {  	v34 =	vld.idx.msk [tilespmem:v36+s18+$0x0], $0xffff  }
.Ltmp6:
0x12b: {  	v35 =	vor.u32 v29, v32;
	(pc) =	sbr.rel @p3 .LBB2_6-.Ltmp6, $2  }
0x12c: {  	v33 =	vor.u32 v30, v33;
	_ =	sdelay $0x2  }
0x12d: {  	s16 =	sadd.s32 $0x10, s16;
	v36 =	vmov s2  }
0x12e: {  	_ =	sdelay $0x2  }
0x12f: {  	v37 =	vor.u32 s2, v0;
	v36 =	vshll.u32 v36, $0x3  }
0x130: {  	[tilespmem:v35+s22+$0x0] =	vst.idx.msk $0xffff, v34;
	v57 =	vand.u32 $0x7F, v37;
	v58 =	vand.u32 $0xC00, v36  }
0x131: {  	v32 =	vor.u32 v31, v32;
	v33 =	vld.idx.msk [tilespmem:v33+s18+$0x0], $0xffff;
	v34 =	vor.u32 v58, v57  }
0x132: {  	v35 =	vor.u32 v1, v34;
	_ =	sdelay $0x3  }
0x133: {  	[tilespmem:v32+s22+$0x0] =	vst.idx.msk $0xffff, v33;
	v32 =	vshll.u32 v37, $0x4  }
0x134: {  	v59 =	vor.u32 v0, v32;
	v33 =	vld.idx.msk [tilespmem:v35+s18+$0x0], $0xffff  }
0x135: {  	v60 =	vor.u32 v2, v34;
	_ =	sdelay $0x3  }
0x136: {  	[tilespmem:v59+s22+$0x0] =	vst.idx.msk $0xffff, v33  }
0x137: {  	v61 =	vor.u32 v3, v32;
	v33 =	vld.idx.msk [tilespmem:v60+s18+$0x0], $0xffff  }
0x138: {  	v62 =	vor.u32 v4, v34;
	_ =	sdelay $0x3  }
0x139: {  	[tilespmem:v61+s22+$0x0] =	vst.idx.msk $0xffff, v33  }
0x13a: {  	v63 =	vor.u32 v5, v32;
	v33 =	vld.idx.msk [tilespmem:v62+s18+$0x0], $0xffff  }
0x13b: {  	v40 =	vor.u32 v6, v34;
	_ =	sdelay $0x3  }
0x13c: {  	[tilespmem:v63+s22+$0x0] =	vst.idx.msk $0xffff, v33  }
0x13d: {  	v41 =	vor.u32 v7, v32;
	v33 =	vld.idx.msk [tilespmem:v40+s18+$0x0], $0xffff  }
0x13e: {  	v42 =	vor.u32 v8, v34;
	_ =	sdelay $0x3  }
0x13f: {  	[tilespmem:v41+s22+$0x0] =	vst.idx.msk $0xffff, v33  }
0x140: {  	v43 =	vor.u32 v9, v32;
	v33 =	vld.idx.msk [tilespmem:v42+s18+$0x0], $0xffff  }
0x141: {  	v44 =	vor.u32 v10, v34;
	_ =	sdelay $0x3  }
0x142: {  	[tilespmem:v43+s22+$0x0] =	vst.idx.msk $0xffff, v33  }
0x143: {  	v45 =	vor.u32 v11, v32;
	v33 =	vld.idx.msk [tilespmem:v44+s18+$0x0], $0xffff  }
0x144: {  	v46 =	vor.u32 v12, v34;
	_ =	sdelay $0x3  }
0x145: {  	[tilespmem:v45+s22+$0x0] =	vst.idx.msk $0xffff, v33  }
0x146: {  	v47 =	vor.u32 v13, v32;
	v33 =	vld.idx.msk [tilespmem:v46+s18+$0x0], $0xffff  }
0x147: {  	v48 =	vor.u32 v15, v34;
	_ =	sdelay $0x3  }
0x148: {  	[tilespmem:v47+s22+$0x0] =	vst.idx.msk $0xffff, v33  }
0x149: {  	v49 =	vor.u32 v16, v32;
	v33 =	vld.idx.msk [tilespmem:v48+s18+$0x0], $0xffff  }
0x14a: {  	v50 =	vor.u32 v17, v34;
	_ =	sdelay $0x3  }
0x14b: {  	[tilespmem:v49+s22+$0x0] =	vst.idx.msk $0xffff, v33  }
0x14c: {  	v51 =	vor.u32 v14, v32;
	v33 =	vld.idx.msk [tilespmem:v50+s18+$0x0], $0xffff  }
0x14d: {  	v52 =	vor.u32 v18, v34;
	_ =	sdelay $0x3  }
0x14e: {  	[tilespmem:v51+s22+$0x0] =	vst.idx.msk $0xffff, v33  }
0x14f: {  	v53 =	vor.u32 v19, v32;
	v33 =	vld.idx.msk [tilespmem:v52+s18+$0x0], $0xffff  }
0x150: {  	v54 =	vor.u32 v20, v34;
	_ =	sdelay $0x3  }
0x151: {  	[tilespmem:v53+s22+$0x0] =	vst.idx.msk $0xffff, v33  }
0x152: {  	v55 =	vor.u32 v21, v32;
	v33 =	vld.idx.msk [tilespmem:v54+s18+$0x0], $0xffff  }
0x153: {  	v56 =	vor.u32 v22, v34;
	_ =	sdelay $0x3  }
0x154: {  	[tilespmem:v55+s22+$0x0] =	vst.idx.msk $0xffff, v33  }
0x155: {  	v57 =	vor.u32 v23, v32;
	v33 =	vld.idx.msk [tilespmem:v56+s18+$0x0], $0xffff  }
0x156: {  	v58 =	vor.u32 v24, v34;
	_ =	sdelay $0x3  }
0x157: {  	[tilespmem:v57+s22+$0x0] =	vst.idx.msk $0xffff, v33  }
0x158: {  	v59 =	vor.u32 v25, v32;
	v33 =	vld.idx.msk [tilespmem:v58+s18+$0x0], $0xffff  }
0x159: {  	v60 =	vor.u32 v26, v34;
	_ =	sdelay $0x3  }
0x15a: {  	[tilespmem:v59+s22+$0x0] =	vst.idx.msk $0xffff, v33  }
0x15b: {  	v61 =	vor.u32 v27, v32;
	v33 =	vld.idx.msk [tilespmem:v60+s18+$0x0], $0xffff  }
0x15c: {  	v62 =	vor.u32 v28, v34;
	_ =	sdelay $0x3  }
0x15d: {  	[tilespmem:v61+s22+$0x0] =	vst.idx.msk $0xffff, v33  }
0x15e: {  	v63 =	vor.u32 v29, v32;
	v33 =	vld.idx.msk [tilespmem:v62+s18+$0x0], $0xffff  }
0x15f: {  	v34 =	vor.u32 v30, v34;
	_ =	sdelay $0x3  }
0x160: {  	[tilespmem:v63+s22+$0x0] =	vst.idx.msk $0xffff, v33  }
0x161: {  	v32 =	vor.u32 v31, v32;
	v33 =	vld.idx.msk [tilespmem:v34+s18+$0x0], $0xffff;
	_ =	sdelay $0x3  }
0x162: {  	s17 =	sshll.u32 s4, $0xA  }
0x163: {  	s2 =	sadd.s32 s6, s17;
	[tilespmem:v32+s22+$0x0] =	vst.idx.msk $0xffff, v33  }
0x164: {  	[hbm4b:s2+s5] =	stream.linear.scatter [tilespmem:s22], [sflag:$0x3], $0x2000, $0x38;
	[tilespmem:$0x8800] =	vst v63  }
.LBB2_8:
.Ltmp7:
0x165: {  	s2 =	sadd.s32 s11, s3;
	(pc) =	sbr.rel @p2 .LBB2_12-.Ltmp7, $4  }
0x166: {  	p3 =	sgt.u32 s2, $0x7A0  }
0x167: {  	s2 =	sshll.u32 @!p3 s2, $0x9;
	s3 =	simm.s32 @!p3 $0x1000  }
0x168: {  	s4 =	simm.s32 @!p3 $0x7A1400;
	s9 =	simm.s32 @!p3 $0x400;
	s2 =	sadd.s32 @!p3 s0, s2  }
0x169: {  	[tilespmem:s9], [sflag:$0x1] =	stream.strided.gather @!p3 [hbm4b:s2+s3], $0x2000, s4, s3, $0x38;
	[tilespmem:$0x8800] =	vst v63  }
0x16a: {  	s2 =	simm.s32 $0x0  }
0x16b: {  	v32 =	vmov s2  }
0x16c: {  	v33 =	vor.u32 s2, v0;
	v32 =	vshll.u32 v32, $0x3  }
0x16d: {  	v34 =	vand.u32 $0x7F, v33;
	v32 =	vand.u32 $0xC00, v32  }
0x16e: {  	_ =	swait.ge [sflag:s23], $0x2000;
	v36 =	vor.u32 v32, v34  }
0x16f: {  	[sflag:s23] =	ssyncset.done $0x0;
	v34 =	vor.u32 v1, v36  }
0x170: {  	s2 =	simm.s32 @!p1 $0x4;
	[sflag:s23] =	ssyncadd.s32 $0xFFFFE000  }
0x171: {  	_ =	swait.ge @!p1 [sflag:s2], $0x2000  }
0x172: {  	[sflag:s2] =	ssyncset.done @!p1 $0x0  }
0x173: {  	v32 =	vshll.u32 v33, $0x4;
	[sflag:s2] =	ssyncadd.s32 @!p1 $0xFFFFE000  }
0x174: {  	v37 =	vor.u32 v0, v32;
	v63 =	vld.idx.msk [tilespmem:v34+s24+$0x0], $0xffff  }
0x175: {  	v35 =	vor.u32 v2, v36;
	_ =	sdelay $0x3  }
0x176: {  	[tilespmem:v37+s25+$0x0] =	vst.idx.msk $0xffff, v63  }
0x177: {  	v38 =	vor.u32 v3, v32;
	v33 =	vld.idx.msk [tilespmem:v35+s24+$0x0], $0xffff  }
0x178: {  	v39 =	vor.u32 v4, v36;
	_ =	sdelay $0x3  }
0x179: {  	[tilespmem:v38+s25+$0x0] =	vst.idx.msk $0xffff, v33  }
0x17a: {  	v40 =	vor.u32 v5, v32;
	v33 =	vld.idx.msk [tilespmem:v39+s24+$0x0], $0xffff  }
0x17b: {  	v41 =	vor.u32 v6, v36;
	_ =	sdelay $0x3  }
0x17c: {  	[tilespmem:v40+s25+$0x0] =	vst.idx.msk $0xffff, v33  }
0x17d: {  	v42 =	vor.u32 v7, v32;
	v33 =	vld.idx.msk [tilespmem:v41+s24+$0x0], $0xffff  }
0x17e: {  	v43 =	vor.u32 v8, v36;
	_ =	sdelay $0x3  }
0x17f: {  	[tilespmem:v42+s25+$0x0] =	vst.idx.msk $0xffff, v33  }
0x180: {  	v44 =	vor.u32 v9, v32;
	v33 =	vld.idx.msk [tilespmem:v43+s24+$0x0], $0xffff  }
0x181: {  	v45 =	vor.u32 v10, v36;
	_ =	sdelay $0x3  }
0x182: {  	[tilespmem:v44+s25+$0x0] =	vst.idx.msk $0xffff, v33  }
0x183: {  	v46 =	vor.u32 v11, v32;
	v33 =	vld.idx.msk [tilespmem:v45+s24+$0x0], $0xffff  }
0x184: {  	v47 =	vor.u32 v12, v36;
	_ =	sdelay $0x3  }
0x185: {  	[tilespmem:v46+s25+$0x0] =	vst.idx.msk $0xffff, v33  }
0x186: {  	v48 =	vor.u32 v13, v32;
	v33 =	vld.idx.msk [tilespmem:v47+s24+$0x0], $0xffff  }
0x187: {  	v49 =	vor.u32 v15, v36;
	_ =	sdelay $0x3  }
0x188: {  	[tilespmem:v48+s25+$0x0] =	vst.idx.msk $0xffff, v33  }
0x189: {  	v50 =	vor.u32 v16, v32;
	v33 =	vld.idx.msk [tilespmem:v49+s24+$0x0], $0xffff  }
0x18a: {  	v51 =	vor.u32 v17, v36;
	_ =	sdelay $0x3  }
0x18b: {  	[tilespmem:v50+s25+$0x0] =	vst.idx.msk $0xffff, v33  }
0x18c: {  	v52 =	vor.u32 v14, v32;
	v33 =	vld.idx.msk [tilespmem:v51+s24+$0x0], $0xffff  }
0x18d: {  	v53 =	vor.u32 v18, v36;
	_ =	sdelay $0x3  }
0x18e: {  	[tilespmem:v52+s25+$0x0] =	vst.idx.msk $0xffff, v33  }
0x18f: {  	v54 =	vor.u32 v19, v32;
	v33 =	vld.idx.msk [tilespmem:v53+s24+$0x0], $0xffff  }
0x190: {  	v55 =	vor.u32 v20, v36;
	_ =	sdelay $0x3  }
0x191: {  	[tilespmem:v54+s25+$0x0] =	vst.idx.msk $0xffff, v33  }
0x192: {  	v56 =	vor.u32 v21, v32;
	v33 =	vld.idx.msk [tilespmem:v55+s24+$0x0], $0xffff  }
0x193: {  	v57 =	vor.u32 v22, v36;
	_ =	sdelay $0x3  }
0x194: {  	[tilespmem:v56+s25+$0x0] =	vst.idx.msk $0xffff, v33  }
0x195: {  	v58 =	vor.u32 v23, v32;
	v33 =	vld.idx.msk [tilespmem:v57+s24+$0x0], $0xffff  }
0x196: {  	v59 =	vor.u32 v24, v36;
	_ =	sdelay $0x3  }
0x197: {  	[tilespmem:v58+s25+$0x0] =	vst.idx.msk $0xffff, v33  }
0x198: {  	v60 =	vor.u32 v25, v32;
	v33 =	vld.idx.msk [tilespmem:v59+s24+$0x0], $0xffff  }
0x199: {  	v61 =	vor.u32 v26, v36;
	_ =	sdelay $0x3  }
0x19a: {  	[tilespmem:v60+s25+$0x0] =	vst.idx.msk $0xffff, v33  }
0x19b: {  	v62 =	vor.u32 v27, v32;
	v33 =	vld.idx.msk [tilespmem:v61+s24+$0x0], $0xffff  }
0x19c: {  	v63 =	vor.u32 v28, v36;
	_ =	sdelay $0x3  }
0x19d: {  	[tilespmem:v62+s25+$0x0] =	vst.idx.msk $0xffff, v33  }
0x19e: {  	v35 =	vor.u32 v29, v32;
	v34 =	vld.idx.msk [tilespmem:v63+s24+$0x0], $0xffff  }
0x19f: {  	v33 =	vor.u32 v30, v36;
	_ =	sdelay $0x1  }
0x1a0: {  	s2 =	simm.s32 $0x10  }
0x1a1: {  	s3 =	simm.s32 $0x20;
	v36 =	vmov s2  }
.LBB2_10:
0x1a2: {  	p1 =	sne.s32 s3, $0x1F0;
	v37 =	vor.u32 s2, v0;
	v36 =	vshll.u32 v36, $0x3;
	[tilespmem:v35+s25+$0x0] =	vst.idx.msk $0xffff, v34;
	s2 =	smov.u32 s3  }
0x1a3: {  	v34 =	vand.u32 $0x7F, v37;
	v35 =	vand.u32 $0xC00, v36;
	v36 =	vld.idx.msk [tilespmem:v33+s24+$0x0], $0xffff  }
0x1a4: {  	v32 =	vor.u32 v31, v32;
	v33 =	vor.u32 v35, v34  }
0x1a5: {  	v34 =	vor.u32 v1, v33;
	_ =	sdelay $0x3  }
0x1a6: {  	[tilespmem:v32+s25+$0x0] =	vst.idx.msk $0xffff, v36  }
0x1a7: {  	v32 =	vshll.u32 v37, $0x4;
	v34 =	vld.idx.msk [tilespmem:v34+s24+$0x0], $0xffff  }
0x1a8: {  	v35 =	vor.u32 v0, v32  }
0x1a9: {  	v36 =	vor.u32 v2, v33;
	_ =	sdelay $0x3  }
0x1aa: {  	[tilespmem:v35+s25+$0x0] =	vst.idx.msk $0xffff, v34  }
0x1ab: {  	v34 =	vld.idx.msk [tilespmem:v36+s24+$0x0], $0xffff  }
0x1ac: {  	v35 =	vor.u32 v3, v32  }
0x1ad: {  	v36 =	vor.u32 v4, v33;
	_ =	sdelay $0x3  }
0x1ae: {  	[tilespmem:v35+s25+$0x0] =	vst.idx.msk $0xffff, v34  }
0x1af: {  	v34 =	vld.idx.msk [tilespmem:v36+s24+$0x0], $0xffff  }
0x1b0: {  	v35 =	vor.u32 v5, v32  }
0x1b1: {  	v36 =	vor.u32 v6, v33;
	_ =	sdelay $0x3  }
0x1b2: {  	[tilespmem:v35+s25+$0x0] =	vst.idx.msk $0xffff, v34  }
0x1b3: {  	v34 =	vld.idx.msk [tilespmem:v36+s24+$0x0], $0xffff  }
0x1b4: {  	v35 =	vor.u32 v7, v32  }
0x1b5: {  	v36 =	vor.u32 v8, v33;
	_ =	sdelay $0x3  }
0x1b6: {  	[tilespmem:v35+s25+$0x0] =	vst.idx.msk $0xffff, v34  }
0x1b7: {  	v34 =	vld.idx.msk [tilespmem:v36+s24+$0x0], $0xffff  }
0x1b8: {  	v35 =	vor.u32 v9, v32  }
0x1b9: {  	v36 =	vor.u32 v10, v33;
	_ =	sdelay $0x3  }
0x1ba: {  	[tilespmem:v35+s25+$0x0] =	vst.idx.msk $0xffff, v34  }
0x1bb: {  	v34 =	vld.idx.msk [tilespmem:v36+s24+$0x0], $0xffff  }
0x1bc: {  	v35 =	vor.u32 v11, v32  }
0x1bd: {  	v36 =	vor.u32 v12, v33;
	_ =	sdelay $0x3  }
0x1be: {  	[tilespmem:v35+s25+$0x0] =	vst.idx.msk $0xffff, v34  }
0x1bf: {  	v34 =	vld.idx.msk [tilespmem:v36+s24+$0x0], $0xffff  }
0x1c0: {  	v35 =	vor.u32 v13, v32  }
0x1c1: {  	v36 =	vor.u32 v15, v33;
	_ =	sdelay $0x3  }
0x1c2: {  	[tilespmem:v35+s25+$0x0] =	vst.idx.msk $0xffff, v34  }
0x1c3: {  	v34 =	vld.idx.msk [tilespmem:v36+s24+$0x0], $0xffff  }
0x1c4: {  	v35 =	vor.u32 v16, v32  }
0x1c5: {  	v36 =	vor.u32 v17, v33;
	_ =	sdelay $0x3  }
0x1c6: {  	[tilespmem:v35+s25+$0x0] =	vst.idx.msk $0xffff, v34  }
0x1c7: {  	v34 =	vld.idx.msk [tilespmem:v36+s24+$0x0], $0xffff  }
0x1c8: {  	v35 =	vor.u32 v14, v32  }
0x1c9: {  	v36 =	vor.u32 v18, v33;
	_ =	sdelay $0x3  }
0x1ca: {  	[tilespmem:v35+s25+$0x0] =	vst.idx.msk $0xffff, v34  }
0x1cb: {  	v34 =	vld.idx.msk [tilespmem:v36+s24+$0x0], $0xffff  }
0x1cc: {  	v35 =	vor.u32 v19, v32  }
0x1cd: {  	v36 =	vor.u32 v20, v33;
	_ =	sdelay $0x3  }
0x1ce: {  	[tilespmem:v35+s25+$0x0] =	vst.idx.msk $0xffff, v34  }
0x1cf: {  	v34 =	vld.idx.msk [tilespmem:v36+s24+$0x0], $0xffff  }
0x1d0: {  	v35 =	vor.u32 v21, v32  }
0x1d1: {  	v36 =	vor.u32 v22, v33;
	_ =	sdelay $0x3  }
0x1d2: {  	[tilespmem:v35+s25+$0x0] =	vst.idx.msk $0xffff, v34  }
0x1d3: {  	v34 =	vld.idx.msk [tilespmem:v36+s24+$0x0], $0xffff  }
0x1d4: {  	v35 =	vor.u32 v23, v32  }
0x1d5: {  	v36 =	vor.u32 v24, v33;
	_ =	sdelay $0x3  }
0x1d6: {  	[tilespmem:v35+s25+$0x0] =	vst.idx.msk $0xffff, v34  }
0x1d7: {  	v34 =	vld.idx.msk [tilespmem:v36+s24+$0x0], $0xffff  }
0x1d8: {  	v35 =	vor.u32 v25, v32  }
0x1d9: {  	v36 =	vor.u32 v26, v33;
	_ =	sdelay $0x3  }
0x1da: {  	[tilespmem:v35+s25+$0x0] =	vst.idx.msk $0xffff, v34  }
0x1db: {  	v34 =	vld.idx.msk [tilespmem:v36+s24+$0x0], $0xffff  }
0x1dc: {  	v35 =	vor.u32 v27, v32  }
0x1dd: {  	v36 =	vor.u32 v28, v33;
	_ =	sdelay $0x3  }
0x1de: {  	[tilespmem:v35+s25+$0x0] =	vst.idx.msk $0xffff, v34  }
0x1df: {  	v34 =	vld.idx.msk [tilespmem:v36+s24+$0x0], $0xffff  }
.Ltmp8:
0x1e0: {  	v35 =	vor.u32 v29, v32;
	(pc) =	sbr.rel @p1 .LBB2_10-.Ltmp8, $2  }
0x1e1: {  	v33 =	vor.u32 v30, v33;
	_ =	sdelay $0x2  }
0x1e2: {  	s3 =	sadd.s32 $0x10, s3;
	v36 =	vmov s2  }
0x1e3: {  	_ =	sdelay $0x2  }
0x1e4: {  	v37 =	vor.u32 s2, v0;
	v36 =	vshll.u32 v36, $0x3  }
0x1e5: {  	[tilespmem:v35+s25+$0x0] =	vst.idx.msk $0xffff, v34;
	v57 =	vand.u32 $0x7F, v37;
	v58 =	vand.u32 $0xC00, v36  }
0x1e6: {  	v32 =	vor.u32 v31, v32;
	v33 =	vld.idx.msk [tilespmem:v33+s24+$0x0], $0xffff;
	v34 =	vor.u32 v58, v57  }
0x1e7: {  	v35 =	vor.u32 v1, v34;
	_ =	sdelay $0x3  }
0x1e8: {  	[tilespmem:v32+s25+$0x0] =	vst.idx.msk $0xffff, v33;
	v32 =	vshll.u32 v37, $0x4  }
0x1e9: {  	v59 =	vor.u32 v0, v32;
	v33 =	vld.idx.msk [tilespmem:v35+s24+$0x0], $0xffff  }
0x1ea: {  	v60 =	vor.u32 v2, v34;
	_ =	sdelay $0x3  }
0x1eb: {  	[tilespmem:v59+s25+$0x0] =	vst.idx.msk $0xffff, v33  }
0x1ec: {  	v61 =	vor.u32 v3, v32;
	v33 =	vld.idx.msk [tilespmem:v60+s24+$0x0], $0xffff  }
0x1ed: {  	v62 =	vor.u32 v4, v34;
	_ =	sdelay $0x3  }
0x1ee: {  	[tilespmem:v61+s25+$0x0] =	vst.idx.msk $0xffff, v33  }
0x1ef: {  	v63 =	vor.u32 v5, v32;
	v33 =	vld.idx.msk [tilespmem:v62+s24+$0x0], $0xffff  }
0x1f0: {  	v40 =	vor.u32 v6, v34;
	_ =	sdelay $0x3  }
0x1f1: {  	[tilespmem:v63+s25+$0x0] =	vst.idx.msk $0xffff, v33  }
0x1f2: {  	v41 =	vor.u32 v7, v32;
	v33 =	vld.idx.msk [tilespmem:v40+s24+$0x0], $0xffff  }
0x1f3: {  	v42 =	vor.u32 v8, v34;
	_ =	sdelay $0x3  }
0x1f4: {  	[tilespmem:v41+s25+$0x0] =	vst.idx.msk $0xffff, v33  }
0x1f5: {  	v43 =	vor.u32 v9, v32;
	v33 =	vld.idx.msk [tilespmem:v42+s24+$0x0], $0xffff  }
0x1f6: {  	v44 =	vor.u32 v10, v34;
	_ =	sdelay $0x3  }
0x1f7: {  	[tilespmem:v43+s25+$0x0] =	vst.idx.msk $0xffff, v33  }
0x1f8: {  	v45 =	vor.u32 v11, v32;
	v33 =	vld.idx.msk [tilespmem:v44+s24+$0x0], $0xffff  }
0x1f9: {  	v46 =	vor.u32 v12, v34;
	_ =	sdelay $0x3  }
0x1fa: {  	[tilespmem:v45+s25+$0x0] =	vst.idx.msk $0xffff, v33  }
0x1fb: {  	v47 =	vor.u32 v13, v32;
	v33 =	vld.idx.msk [tilespmem:v46+s24+$0x0], $0xffff  }
0x1fc: {  	v48 =	vor.u32 v15, v34;
	_ =	sdelay $0x3  }
0x1fd: {  	[tilespmem:v47+s25+$0x0] =	vst.idx.msk $0xffff, v33  }
0x1fe: {  	v49 =	vor.u32 v16, v32;
	v33 =	vld.idx.msk [tilespmem:v48+s24+$0x0], $0xffff  }
0x1ff: {  	v50 =	vor.u32 v17, v34;
	_ =	sdelay $0x3  }
0x200: {  	[tilespmem:v49+s25+$0x0] =	vst.idx.msk $0xffff, v33  }
0x201: {  	v51 =	vor.u32 v14, v32;
	v33 =	vld.idx.msk [tilespmem:v50+s24+$0x0], $0xffff  }
0x202: {  	v52 =	vor.u32 v18, v34;
	_ =	sdelay $0x3  }
0x203: {  	[tilespmem:v51+s25+$0x0] =	vst.idx.msk $0xffff, v33  }
0x204: {  	v53 =	vor.u32 v19, v32;
	v33 =	vld.idx.msk [tilespmem:v52+s24+$0x0], $0xffff  }
0x205: {  	v54 =	vor.u32 v20, v34;
	_ =	sdelay $0x3  }
0x206: {  	[tilespmem:v53+s25+$0x0] =	vst.idx.msk $0xffff, v33  }
0x207: {  	v55 =	vor.u32 v21, v32;
	v33 =	vld.idx.msk [tilespmem:v54+s24+$0x0], $0xffff  }
0x208: {  	v56 =	vor.u32 v22, v34;
	_ =	sdelay $0x3  }
0x209: {  	[tilespmem:v55+s25+$0x0] =	vst.idx.msk $0xffff, v33  }
0x20a: {  	v57 =	vor.u32 v23, v32;
	v33 =	vld.idx.msk [tilespmem:v56+s24+$0x0], $0xffff  }
0x20b: {  	v58 =	vor.u32 v24, v34;
	_ =	sdelay $0x3  }
0x20c: {  	[tilespmem:v57+s25+$0x0] =	vst.idx.msk $0xffff, v33  }
0x20d: {  	v59 =	vor.u32 v25, v32;
	v33 =	vld.idx.msk [tilespmem:v58+s24+$0x0], $0xffff  }
0x20e: {  	v60 =	vor.u32 v26, v34;
	_ =	sdelay $0x3  }
0x20f: {  	[tilespmem:v59+s25+$0x0] =	vst.idx.msk $0xffff, v33  }
0x210: {  	v61 =	vor.u32 v27, v32;
	v33 =	vld.idx.msk [tilespmem:v60+s24+$0x0], $0xffff  }
0x211: {  	v62 =	vor.u32 v28, v34;
	_ =	sdelay $0x3  }
0x212: {  	[tilespmem:v61+s25+$0x0] =	vst.idx.msk $0xffff, v33  }
0x213: {  	v63 =	vor.u32 v29, v32;
	v33 =	vld.idx.msk [tilespmem:v62+s24+$0x0], $0xffff  }
0x214: {  	v34 =	vor.u32 v30, v34;
	_ =	sdelay $0x3  }
0x215: {  	[tilespmem:v63+s25+$0x0] =	vst.idx.msk $0xffff, v33  }
0x216: {  	v32 =	vor.u32 v31, v32;
	v33 =	vld.idx.msk [tilespmem:v34+s24+$0x0], $0xffff;
	_ =	sdelay $0x1  }
.Ltmp9:
0x217: {  	_ = 	snop;
	(pc) =	sbr.rel .LBB2_12-.Ltmp9, $4  }
0x218: {  	_ = 	snop  }
0x219: {  	s31 =	sshll.u32 s31, $0xA  }
0x21a: {  	s2 =	sadd.s32 s6, s31;
	[tilespmem:v32+s25+$0x0] =	vst.idx.msk $0xffff, v33  }
0x21b: {  	[hbm4b:s2+s5] =	stream.linear.scatter [tilespmem:s25], [sflag:$0x4], $0x2000, $0x38;
	[tilespmem:$0x8800] =	vst v63  }
.LBB2_14:
0x21c: {  	_ =	sfence.sel $0x180000  }
0x21d: {  	[bflag:$0x0] =	sbarrier.arrive $0xFFFF  }
0x21e: {  	_ =	strace $0x90000047  }
0x21f: {  	s0 =	stileid.u32;
	[bflag:$0x2] =	sbarrier.arrive $0xFFFF  }
0x220: {  	p0 =	sne.s32 s0, $0x0;
	s0 =	rddreg [dreg:$0x4]  }
0x221: {  	s0 =	sadd.s32 @!p0 $0x100000, s0  }
0x222: {  	[sflag:s0] =	ssyncadd.tile.s32 @!p0 $0x1;
	_ =	shalt  }
.Lfunc_end2:
_tile_overlayer_lowered:
.L_overlay_start_2:
0x223: {  	(tag) =	ssettag $0x2  }
0x224: {  	s0 =	rddreg [dreg:$0x0];
	s2 =	stileid.u32  }
0x225: {  	s1 =	rddreg [dreg:$0x1];
	p0 =	sne.s32 s2, $0x0  }
0x226: {  	s3 =	rddreg [dreg:$0x2];
	[bflag:$0x3] =	sbarrier.arrive $0xFFFF;
	s2 =	simm.s32 @!p0 $0x1C05  }
0x227: {  	[timem:s3], [sflag:s2] =	dma.local @!p0 [hbm:s0], s1  }
0x228: {  	s0 =	simm.s32 @!p0 $0x5  }
0x229: {  	_ =	swait.ge @!p0 [sflag:s0], s1  }
0x22a: {  	s1 =	ssub.s32 @!p0 $0x0, s1;
	[sflag:s0] =	ssyncset.done @!p0 $0x0  }
0x22b: {  	[sflag:s0] =	ssyncadd.s32 @!p0 s1  }
0x22c: {  	[bflag:$0x3] =	sbarrier.arrive $0xFFFF  }
0x22d: {  	_ =	shalt  }

// kernel: kernel.7.cloned.1.call-start
scs
__scs_entry_jumppad:
0x0: {  	(pc) =	sbr.rel $0x88, $3  }
0x1: {  	(tag) =	ssettag $0x0;
	lr =	simm.s32 $0x1  }
0x2: {  	[smem:$0x3F9F] =	sst lr;
	_ =	strace $0xD0000000  }
0x3: {  	_ = 	snop  }
0x4: {  	_ = 	snop  }
0x5: {  	_ = 	snop  }
0x6: {  	_ = 	snop  }
0x7: {  	_ = 	snop  }
__scs_overlays_trampoline_lowered:
0x8: {  	[smem:$0x3FAE] =	sst s0  }
0x9: {  	[smem:$0x3FAF] =	sst s1  }
0xa: {  	[smem:$0x3FB0] =	sst s2  }
0xb: {  	[smem:$0x3FB1] =	sst s3  }
0xc: {  	[smem:$0x3FB2] =	sst s4  }
0xd: {  	[smem:$0x3FB3] =	sst s5  }
0xe: {  	[smem:$0x3FB4] =	sst s6  }
0xf: {  	[smem:$0x3FB5] =	sst s7  }
0x10: {  	[smem:$0x3FB6] =	sst s8  }
0x11: {  	[smem:$0x3FB7] =	sst s9;
	s0 =	simm.s32 @!p0 $0x0  }
0x12: {  	s1 =	sld [smem:$0x3F9D];
	s0 =	simm.s32 @p0 $0x1  }
0x13: {  	[smem:$0x3FB8] =	sst s0;
	s0 =	simm.s32 @!p1 $0x0  }
0x14: {  	s2 =	sld [smem:$0x3F9C];
	s0 =	simm.s32 @p1 $0x1  }
0x15: {  	[smem:$0x3FB9] =	sst s0;
	s0 =	simm.s32 @!p2 $0x0  }
0x16: {  	s3 =	sld [smem:$0x3FDB];
	s0 =	simm.s32 @p2 $0x1  }
0x17: {  	s4 =	simm.s32 $0x1BF5;
	[smem:$0x3FBB] =	sst s0  }
0x18: {  	s0 =	sld [smem:$0x3F9E];
	_ =	swait.ge [sflag:s4], $0x0  }
0x19: {  	s7 =	sld [smem:$0x3F9F]  }
0x1a: {  	s8 =	sadd.s32 $0xFFFFE003, lr  }
0x1b: {  	s9 =	sadd.s32 $0xFFFFFEF7, lr;
	s5 =	simm.s32 $0xFFFFFFFF;
	p2 =	slt.u32 s8, $0xFFFFF086  }
0x1c: {  	p1 =	slt.u32 s9, $0xF7A;
	s5 =	simm.s32 @!p2 $0x0  }
0x1d: {  	s5 =	simm.s32 @p1 $0x1;
	p0 =	seq.s32 s7, s2  }
0x1e: {  	s7 =	smul.u32 @!p0 $0xF7A, s2;
	p2 =	seq.s32 @!p0 s5, $0x0  }
0x1f: {  	s9 =	smul.u32 $0xF7A, s1;
	s8 =	simm.s32 @!p0 $0x1BF5;
	p2 =	por !p2, p0  }
0x20: {  	[sflag:s8] =	ssyncset.s32 @!p0 $0xFFFFF086;
	s6 =	sadd.s32 @!p0 s3, s7;
	s7 =	simm.s32 @!p0 $0x108  }
0x21: {  	s3 =	sadd.s32 s3, s9;
	s6 =	sadd.s32 @!p0 $0x88, s6;
	s7 =	simm.s32 @p2 $0x1082  }
0x22: {  	[simem:s7], [sflag:s8] =	dma.local @!p0 [hbm:s6], $0xF7A  }
0x23: {  	s9 =	sor.u32 $0xD0000000, s2;
	s6 =	simm.s32 $0x108;
	_ =	swait.ge @!p0 [sflag:s8], $0x0  }
0x24: {  	s3 =	sadd.s32 $0x88, s3;
	s6 =	simm.s32 @!p1 $0x1082;
	[sflag:s4] =	ssyncset.s32 $0xFFFFF086  }
0x25: {  	[simem:s6], [sflag:s4] =	dma.local [hbm:s3], $0xF7A  }
0x26: {  	[smem:$0x3F9F] =	sst s1;
	(tag) =	ssettag s2;
	_ =	strace s9  }
0x27: {  	s1 =	sld [smem:$0x3FAF]  }
0x28: {  	s2 =	sld [smem:$0x3FB0]  }
0x29: {  	s4 =	sld [smem:$0x3FB2]  }
0x2a: {  	p0 =	seq.s32 s5, $0x0;
	s5 =	sld [smem:$0x3FB3]  }
0x2b: {  	s6 =	sld [smem:$0x3FB4]  }
0x2c: {  	s7 =	sld [smem:$0x3FB5]  }
0x2d: {  	s3 =	simm.s32 $0x108;
	s8 =	sld [smem:$0x3FB6]  }
0x2e: {  	s3 =	simm.s32 @!p0 $0x1082;
	s9 =	sld [smem:$0x3FB7]  }
0x2f: {  	lr =	sadd.s32 s0, s3;
	s0 =	sld [smem:$0x3FAE]  }
0x30: {  	s3 =	sld [smem:$0x3FB1]  }
0x31: {  	[smem:$0x3FBA] =	sst s10  }
0x32: {  	s10 =	sld [smem:$0x3FB8];
	_ =	sdelay $0x3  }
0x33: {  	p0 =	seq.s32 s10, $0x1;
	s10 =	sld [smem:$0x3FBA];
	_ =	sdelay $0x3  }
0x34: {  	[smem:$0x3FBA] =	sst s10  }
0x35: {  	s10 =	sld [smem:$0x3FB9];
	_ =	sdelay $0x3  }
0x36: {  	p1 =	seq.s32 s10, $0x1;
	s10 =	sld [smem:$0x3FBA];
	_ =	sdelay $0x3  }
0x37: {  	[smem:$0x3FBA] =	sst s10  }
0x38: {  	s10 =	sld [smem:$0x3FBB]  }
0x39: {  	_ = 	snop;
	(pc) =	sbr.ind lr, $3  }
0x3a: {  	_ = 	snop  }
0x3b: {  	_ = 	snop  }
0x3c: {  	p2 =	seq.s32 s10, $0x1;
	s10 =	sld [smem:$0x3FBA]  }
0x3d: {  	_ =	shalt  }
0x3e: {  	_ =	shalt  }
0x3f: {  	_ =	shalt  }
0x40: {  	_ =	shalt  }
0x41: {  	_ =	shalt  }
0x42: {  	_ =	shalt  }
0x43: {  	_ =	shalt  }
0x44: {  	_ =	shalt  }
0x45: {  	_ =	shalt  }
0x46: {  	_ =	shalt  }
0x47: {  	_ =	shalt  }
0x48: {  	_ =	shalt  }
0x49: {  	_ =	shalt  }
0x4a: {  	_ =	shalt  }
0x4b: {  	_ =	shalt  }
0x4c: {  	_ =	shalt  }
0x4d: {  	_ =	shalt  }
0x4e: {  	_ =	shalt  }
0x4f: {  	_ =	shalt  }
0x50: {  	_ =	shalt  }
0x51: {  	_ =	shalt  }
0x52: {  	_ =	shalt  }
0x53: {  	_ =	shalt  }
0x54: {  	_ =	shalt  }
0x55: {  	_ =	shalt  }
0x56: {  	_ =	shalt  }
0x57: {  	_ =	shalt  }
0x58: {  	_ =	shalt  }
0x59: {  	_ =	shalt  }
0x5a: {  	_ =	shalt  }
0x5b: {  	_ =	shalt  }
0x5c: {  	_ =	shalt  }
0x5d: {  	_ =	shalt  }
0x5e: {  	_ =	shalt  }
0x5f: {  	_ =	shalt  }
0x60: {  	_ =	shalt  }
0x61: {  	_ =	shalt  }
0x62: {  	_ =	shalt  }
0x63: {  	_ =	shalt  }
0x64: {  	_ =	shalt  }
0x65: {  	_ =	shalt  }
0x66: {  	_ =	shalt  }
0x67: {  	_ =	shalt  }
0x68: {  	_ =	shalt  }
0x69: {  	_ =	shalt  }
0x6a: {  	_ =	shalt  }
0x6b: {  	_ =	shalt  }
0x6c: {  	_ =	shalt  }
0x6d: {  	_ =	shalt  }
0x6e: {  	_ =	shalt  }
0x6f: {  	_ =	shalt  }
0x70: {  	_ =	shalt  }
0x71: {  	_ =	shalt  }
0x72: {  	_ =	shalt  }
0x73: {  	_ =	shalt  }
0x74: {  	_ =	shalt  }
0x75: {  	_ =	shalt  }
0x76: {  	_ =	shalt  }
0x77: {  	_ =	shalt  }
0x78: {  	_ =	shalt  }
0x79: {  	_ =	shalt  }
0x7a: {  	_ =	shalt  }
0x7b: {  	_ =	shalt  }
0x7c: {  	_ =	shalt  }
0x7d: {  	_ =	shalt  }
0x7e: {  	_ =	shalt  }
0x7f: {  	_ =	shalt  }
0x80: {  	_ =	shalt  }
0x81: {  	_ =	shalt  }
0x82: {  	_ =	shalt  }
0x83: {  	_ =	shalt  }
0x84: {  	_ =	shalt  }
0x85: {  	_ =	shalt  }
0x86: {  	_ =	shalt  }
0x87: {  	_ =	shalt  }
.Lfunc_end0:
.L_simem_size_0:
called_computation.1_lowered:
.L_overlay_start_0:
0x88: {  	s2 =	sld [smem:$0x3FD9]  }
0x89: {  	s3 =	sld [smem:$0x3FFE];
	_ =	sdelay $0x1  }
0x8a: {  	s1 =	srdreg.scid  }
0x8b: {  	s0 =	sand.u32 $0x1, s1  }
0x8c: {  	s17 =	sshll.u32 s0, $0xA;
	s2 =	sadd.s32 s3, s2  }
0x8d: {  	s2 =	sadd.s32 s2, s17  }
0x8e: {  	[smem:$0x3FC6] =	sst s2  }
0x8f: {  	_ = 	snop  }
0x90: {  	s2 =	sld [smem:$0x3FD0];
	(tm) =	ssettm $0x1  }
0x91: {  	s18 =	sld [smem:$0x3FFB];
	_ =	sdelay $0x3  }
0x92: {  	_ =	strace s18  }
0x93: {  	s3 =	sld [smem:$0x3FFC];
	_ =	sdelay $0x3  }
0x94: {  	_ =	strace s3  }
0x95: {  	s3 =	sld [smem:$0x3FFD];
	_ =	sdelay $0x3  }
0x96: {  	_ =	strace s3  }
0x97: {  	_ =	strace $0x8FFFFFFF  }
0x98: {  	s19 =	sld [smem:$0x3FDB];
	_ =	sdelay $0x1  }
0x99: {  	s4 =	simm.s32 $_scs_section_size  }
0x9a: {  	s5 =	simm.s32 $_size__tile_overlayer_lowered;
	s6 =	simm.s32 $_tile_overlayer_lowered  }
0x9b: {  	s22 =	simm.s32 $0x1BFF;
	s21 =	sshll.u32 s6, $0x1;
	s3 =	sadd.s32 s4, s19  }
0x9c: {  	s7 =	simm.s32 $0x0;
	s20 =	sshll.u32 s5, $0x1;
	s5 =	sadd.s32 s21, s3  }
0x9d: {  	[timem:s7], [sflag:s22] =	dma.local [hbm:s5], s20  }
0x9e: {  	_ =	swait.ge [sflag:s22], s20  }
0x9f: {  	s4 =	ssub.s32 $0x0, s20;
	[sflag:s22] =	ssyncset.done $0x0  }
0xa0: {  	[sflag:s22] =	ssyncadd.s32 s4;
	_ =	sdelay $0x1  }
0xa1: {  	s23 =	simm.s32 $0x1B8B  }
0xa2: {  	_ =	swait.ge [sflag:s23], $0x1  }
0xa3: {  	[sflag:s23] =	ssyncset.done $0x0  }
0xa4: {  	s25 =	simm.s32 $0x1B8E;
	s24 =	sld [smem:$0x3FFE];
	[sflag:s23] =	ssyncadd.s32 $0xFFFFFFFF  }
0xa5: {  	s26 =	simm.s32 $execute0_lowered;
	[smem:$0x3FD2] =	sst s25  }
0xa6: {  	s5 =	sshll.u32 s26, $0x1;
	_ =	strace $0x80000049;
	[dreg:$0x1] =	wrdreg $0xFFFFFFFF  }
0xa7: {  	s28 =	simm.s32 $_size_execute0_lowered;
	s3 =	sadd.s32 s3, s5;
	[dreg:$0x0] =	wrdreg $0x0  }
0xa8: {  	s5 =	sshll.u32 s28, $0x1;
	[dreg:$0x2] =	wrdreg s3  }
0xa9: {  	[dreg:$0x3] =	wrdreg s5  }
0xaa: {  	[dreg:$0x4] =	wrdreg $0xC0  }
0xab: {  	_ =	task [dreg:s7], $0x5FFFF  }
0xac: {  	[dreg:$0x1] =	wrdreg $0xFFFFFFFF  }
0xad: {  	[dreg:$0x0] =	wrdreg $0x60  }
0xae: {  	[dreg:$0x2] =	wrdreg s24  }
0xaf: {  	[dreg:$0x3] =	wrdreg s2  }
0xb0: {  	[dreg:$0x4] =	wrdreg $0x9  }
0xb1: {  	_ =	task.clear_ibuf [dreg:s7], $0x5FFFF;
	_ =	strace $0x90000049  }
0xb2: {  	s29 =	simm.s32 $0x9;
	_ =	strace $0x8000004B  }
0xb3: {  	_ =	swait.ge [sflag:s29], $0x1  }
0xb4: {  	[sflag:s29] =	ssyncadd.s32 $0xFFFFFFFF  }
0xb5: {  	_ =	strace $0x9000004B  }
0xb6: {  	_ =	sfence  }
0xb7: {  	s30 =	sld [smem:$0x0];
	_ =	sdelay $0x2  }
0xb8: {  	s31 =	sshll.u32 s1, $0xD;
	s1 =	sshrl.u32 s1, $0x2  }
0xb9: {  	s3 =	sand.u32 $0x4000, s31;
	s1 =	sadd.s32 s1, s30  }
0xba: {  	s0 =	sor.u32 s3, s0;
	s1 =	sshll.u32 s1, $0x11  }
0xbb: {  	s0 =	sor.u32 s1, s0  }
0xbc: {  	s0 =	sadd.s32 $0x8F2B, s0  }
0xbd: {  	[sflag:s0] =	ssyncadd.remote.s32 $0x1  }
0xbe: {  	_ =	sfence.sel $0xFFFF  }
0xbf: {  	[dreg:$0x0] =	wrdreg $0xFFFFFFFF;
	(pc) =	sbr.abs _section_cstart, $3  }
0xc0: {  	[dreg:$0x1] =	wrdreg $0xFFFFFFFF  }
0xc1: {  	_ =	task.clear_ibuf [dreg:s7], $0x2FFFF;
	_ =	strace $0x9FFFFFFF  }
0xc2: {  	(tm) =	ssettm $0x7FFFFFFF  }
0xc3: {  	_ =	shalt  }
tec
execute0_lowered:
.L_overlay_start_1:
0x0: {  	(tag) =	ssettag $0x1  }
0x1: {  	v0 =	vimm.s32 $0xFEDCBA9;
	v1 =	vimm.s32 $0x87654321  }
0x2: {  	v2 =	vimm.s32 $0x10FEDCBA;
	v3 =	vimm.s32 $0x98765432;
	v4 =	vimm.s32 $0x210FEDCB  }
0x3: {  	v5 =	vimm.s32 $0xA9876543;
	v6 =	vimm.s32 $0x543210FE;
	v7 =	vimm.s32 $0xDCBA9876  }
0x4: {  	v8 =	vimm.s32 $0x6543210F;
	v17 =	vimm.s32 $0xEDCBA987;
	v23 =	vimm.s32 $0x76543210  }
0x5: {  	vm14 =	vcmask $0x300;
	vm13 =	vcmask $0x704;
	vm12 =	vcmask $0xB08  }
0x6: {  	vm11 =	vcmask $0xF0C;
	vm10 =	vcmask $0x1310;
	vm9 =	vcmask $0x1714  }
0x7: {  	vm8 =	vcmask $0x1B18;
	vm7 =	vcmask $0x1F1C;
	vm6 =	vcmask $0x2320  }
0x8: {  	vm5 =	vcmask $0x2724;
	vm4 =	vcmask $0x2B28;
	vm3 =	vcmask $0x2F2C  }
0x9: {  	vm2 =	vcmask $0x3330;
	vm1 =	vcmask $0x3734;
	vm0 =	vcmask $0x3B38  }
0xa: {  	v25 =	vimm.s32 $0x1007;
	v26 =	vimm.s32 $0x1087;
	v27 =	vimm.s32 $0x1107  }
0xb: {  	v28 =	vimm.s32 $0x1187;
	v29 =	vimm.s32 $0x1207;
	v30 =	vimm.s32 $0x1287  }
0xc: {  	v31 =	vimm.s32 $0x1307;
	v0 =	vunpack.c.l.s4.s8 v0;
	v1 =	vunpack.c.l.s4.s8 v1  }
0xd: {  	v2 =	vunpack.c.l.s4.s8 v2;
	v3 =	vunpack.c.l.s4.s8 v3;
	v6 =	vunpack.c.l.s4.s8 v6  }
0xe: {  	v7 =	vunpack.c.l.s4.s8 v7;
	v23 =	vunpack.c.l.s4.s8 v23;
	v25 =	vsel vm14, $0x1080, v25  }
0xf: {  	v26 =	vsel vm14, $0x1100, v26;
	v27 =	vsel vm14, $0x1180, v27;
	v28 =	vsel vm14, $0x1200, v28  }
0x10: {  	v29 =	vsel vm14, $0x1280, v29;
	v30 =	vsel vm14, $0x1300, v30;
	v31 =	vsel vm14, $0x1380, v31  }
0x11: {  	v25 =	vsel vm13, $0x1101, v25;
	v26 =	vsel vm13, $0x1181, v26;
	v27 =	vsel vm13, $0x1201, v27  }
0x12: {  	v28 =	vsel vm13, $0x1281, v28;
	v29 =	vsel vm13, $0x1301, v29;
	v30 =	vsel vm13, $0x1381, v30  }
0x13: {  	v31 =	vsel vm13, $0x1, v31;
	v9 =	vunpack.c.0.s8.s32 v0;
	v0 =	vunpack.c.l.s4.s8 v4  }
0x14: {  	v4 =	vunpack.c.l.s4.s8 v5;
	v10 =	vunpack.c.0.s8.s32 v1;
	v11 =	vunpack.c.0.s8.s32 v2  }
0x15: {  	v12 =	vunpack.c.0.s8.s32 v3;
	v5 =	vimm.s32 $0xBA987654;
	v19 =	vunpack.c.0.s8.s32 v6  }
0x16: {  	v20 =	vunpack.c.0.s8.s32 v7;
	v23 =	vunpack.c.0.s8.s32 v23;
	v25 =	vsel vm12, $0x1182, v25  }
0x17: {  	v26 =	vsel vm12, $0x1202, v26;
	v27 =	vsel vm12, $0x1282, v27;
	v28 =	vsel vm12, $0x1302, v28  }
0x18: {  	v29 =	vsel vm12, $0x1382, v29;
	v30 =	vsel vm12, $0x2, v30;
	v31 =	vsel vm12, $0x82, v31  }
0x19: {  	v5 =	vunpack.c.l.s4.s8 v5;
	v25 =	vsel vm11, $0x1203, v25;
	v26 =	vsel vm11, $0x1283, v26  }
0x1a: {  	v27 =	vsel vm11, $0x1303, v27;
	v28 =	vsel vm11, $0x1383, v28;
	v29 =	vsel vm11, $0x3, v29  }
0x1b: {  	v30 =	vsel vm11, $0x83, v30;
	v31 =	vsel vm11, $0x103, v31;
	v13 =	vunpack.c.0.s8.s32 v0  }
0x1c: {  	v14 =	vunpack.c.0.s8.s32 v4;
	v1 =	vcombine.low v10, v9;
	v2 =	vcombine.low v12, v11  }
0x1d: {  	v4 =	vimm.s32 $0x3210FEDC;
	v0 =	vlaneseq.u32;
	v7 =	vcombine.low v20, v19  }
0x1e: {  	v9 =	vcombine.low v9, v10;
	v11 =	vcombine.low v11, v12;
	v25 =	vsel vm10, $0x1284, v25  }
0x1f: {  	v26 =	vsel vm10, $0x1304, v26;
	v27 =	vsel vm10, $0x1384, v27;
	v28 =	vsel vm10, $0x4, v28  }
0x20: {  	v29 =	vsel vm10, $0x84, v29;
	v30 =	vsel vm10, $0x104, v30;
	v31 =	vsel vm10, $0x184, v31  }
0x21: {  	v4 =	vunpack.c.l.s4.s8 v4;
	v16 =	vunpack.c.0.s8.s32 v5;
	v5 =	vimm.s32 $0xCBA98765  }
0x22: {  	v25 =	vsel vm9, $0x1305, v25;
	v26 =	vsel vm9, $0x1385, v26;
	v27 =	vsel vm9, $0x5, v27  }
0x23: {  	v28 =	vsel vm9, $0x85, v28;
	v29 =	vsel vm9, $0x105, v29;
	v30 =	vsel vm9, $0x185, v30  }
0x24: {  	v31 =	vsel vm9, $0x205, v31;
	v3 =	vcombine.low v14, v13;
	v1 =	vand.u32 $0xF, v1  }
0x25: {  	v2 =	vand.u32 $0xF, v2;
	v5 =	vunpack.c.l.s4.s8 v5;
	v9 =	vand.u32 $0xF, v9  }
0x26: {  	v25 =	vsel vm8, $0x1386, v25;
	v26 =	vsel vm8, $0x6, v26;
	v27 =	vsel vm8, $0x86, v27  }
0x27: {  	v28 =	vsel vm8, $0x106, v28;
	v29 =	vsel vm8, $0x186, v29;
	v30 =	vsel vm8, $0x206, v30  }
0x28: {  	v31 =	vsel vm8, $0x286, v31;
	v15 =	vunpack.c.0.s8.s32 v4;
	v4 =	vimm.s32 $0x43210FED  }
0x29: {  	v25 =	vsel vm7, $0x7, v25;
	v26 =	vsel vm7, $0x87, v26;
	v27 =	vsel vm7, $0x107, v27  }
0x2a: {  	v28 =	vsel vm7, $0x187, v28;
	v29 =	vsel vm7, $0x207, v29;
	v30 =	vsel vm7, $0x287, v30  }
0x2b: {  	v31 =	vsel vm7, $0x307, v31;
	v3 =	vand.u32 $0xF, v3;
	v4 =	vunpack.c.l.s4.s8 v4  }
0x2c: {  	v25 =	vsel vm6, $0x80, v25;
	v26 =	vsel vm6, $0x100, v26;
	v27 =	vsel vm6, $0x180, v27  }
0x2d: {  	v28 =	vsel vm6, $0x200, v28;
	v29 =	vsel vm6, $0x280, v29;
	v30 =	vsel vm6, $0x300, v30  }
0x2e: {  	v31 =	vsel vm6, $0x380, v31;
	v25 =	vsel vm5, $0x101, v25;
	v26 =	vsel vm5, $0x181, v26  }
0x2f: {  	v27 =	vsel vm5, $0x201, v27;
	v28 =	vsel vm5, $0x281, v28;
	v29 =	vsel vm5, $0x301, v29  }
0x30: {  	v30 =	vsel vm5, $0x381, v30;
	v31 =	vsel vm5, $0x1001, v31;
	v18 =	vunpack.c.0.s8.s32 v4  }
0x31: {  	v4 =	vunpack.c.l.s4.s8 v8;
	v8 =	vunpack.c.l.s4.s8 v17;
	v17 =	vunpack.c.0.s8.s32 v5  }
0x32: {  	v5 =	vcombine.low v16, v15;
	v25 =	vsel vm4, $0x182, v25;
	v26 =	vsel vm4, $0x202, v26  }
0x33: {  	v27 =	vsel vm4, $0x282, v27;
	v28 =	vsel vm4, $0x302, v28;
	v29 =	vsel vm4, $0x382, v29  }
0x34: {  	v30 =	vsel vm4, $0x1002, v30;
	v31 =	vsel vm4, $0x1082, v31;
	v25 =	vsel vm3, $0x203, v25  }
0x35: {  	v26 =	vsel vm3, $0x283, v26;
	v27 =	vsel vm3, $0x303, v27;
	v28 =	vsel vm3, $0x383, v28  }
0x36: {  	v29 =	vsel vm3, $0x1003, v29;
	v30 =	vsel vm3, $0x1083, v30;
	v31 =	vsel vm3, $0x1103, v31  }
0x37: {  	v21 =	vunpack.c.0.s8.s32 v4;
	v22 =	vunpack.c.0.s8.s32 v8;
	v6 =	vcombine.low v17, v18  }
0x38: {  	v4 =	vimm.s32 $0xFEDCBA98;
	v25 =	vsel vm2, $0x284, v25;
	v26 =	vsel vm2, $0x304, v26  }
0x39: {  	v27 =	vsel vm2, $0x384, v27;
	v28 =	vsel vm2, $0x1004, v28;
	v29 =	vsel vm2, $0x1084, v29  }
0x3a: {  	v30 =	vsel vm2, $0x1104, v30;
	v31 =	vsel vm2, $0x1184, v31;
	v24 =	vunpack.c.l.s4.s8 v4  }
0x3b: {  	v4 =	vand.u32 $0xF, v5;
	v25 =	vsel vm1, $0x305, v25;
	v26 =	vsel vm1, $0x385, v26  }
0x3c: {  	v27 =	vsel vm1, $0x1005, v27;
	v28 =	vsel vm1, $0x1085, v28;
	v29 =	vsel vm1, $0x1105, v29  }
0x3d: {  	v30 =	vsel vm1, $0x1185, v30;
	v31 =	vsel vm1, $0x1205, v31;
	v8 =	vcombine.low v22, v21  }
0x3e: {  	v5 =	vand.u32 $0xF, v6;
	v6 =	vand.u32 $0xF, v7;
	v25 =	vsel vm0, $0x386, v25  }
0x3f: {  	v26 =	vsel vm0, $0x1006, v26;
	v7 =	vand.u32 $0xF, v8;
	v8 =	vunpack.c.0.s8.s32 v24  }
0x40: {  	v27 =	vsel vm0, $0x1086, v27;
	v28 =	vsel vm0, $0x1106, v28;
	v24 =	vimm.s32 $0x1387  }
0x41: {  	v29 =	vsel vm0, $0x1186, v29;
	v24 =	vsel vm14, $0x0, v24;
	v8 =	vand.u32 $0xF, v8  }
0x42: {  	v30 =	vsel vm0, $0x1206, v30;
	v8 =	vcombine.low v8, v23;
	v23 =	vsel vm13, $0x81, v24  }
0x43: {  	v31 =	vsel vm0, $0x1286, v31;
	v24 =	vimm.s32 $0x387;
	v10 =	vsel vm12, $0x102, v23  }
0x44: {  	v23 =	vimm.s32 $0x307;
	v24 =	vsel vm14, $0x1000, v24;
	v10 =	vsel vm11, $0x183, v10  }
0x45: {  	v23 =	vsel vm14, $0x380, v23;
	v24 =	vsel vm13, $0x1081, v24;
	v12 =	vsel vm10, $0x204, v10  }
0x46: {  	v10 =	vand.u32 $0xF, v11;
	v23 =	vsel vm13, $0x1001, v23;
	v24 =	vsel vm12, $0x1102, v24  }
0x47: {  	v11 =	vsel vm9, $0x285, v12;
	v12 =	vcombine.low v13, v14;
	v13 =	vcombine.low v15, v16  }
0x48: {  	v15 =	vcombine.low v19, v20;
	v16 =	vcombine.low v21, v22;
	v19 =	vimm.s32 $0x107  }
0x49: {  	v20 =	vimm.s32 $0x187;
	v21 =	vimm.s32 $0x207;
	v22 =	vimm.s32 $0x287  }
0x4a: {  	v23 =	vsel vm12, $0x1082, v23;
	v24 =	vsel vm11, $0x1183, v24;
	v11 =	vsel vm8, $0x306, v11  }
0x4b: {  	v19 =	vsel vm14, $0x180, v19;
	v20 =	vsel vm14, $0x200, v20;
	v21 =	vsel vm14, $0x280, v21  }
0x4c: {  	v22 =	vsel vm14, $0x300, v22;
	v23 =	vsel vm11, $0x1103, v23;
	v24 =	vsel vm10, $0x1204, v24  }
0x4d: {  	v14 =	vsel vm7, $0x387, v11;
	v11 =	vand.u32 $0xF, v12;
	v12 =	vand.u32 $0xF, v13  }
0x4e: {  	v19 =	vsel vm13, $0x201, v19;
	v20 =	vsel vm13, $0x281, v20;
	v21 =	vsel vm13, $0x301, v21  }
0x4f: {  	v22 =	vsel vm13, $0x381, v22;
	v23 =	vsel vm10, $0x1184, v23;
	v24 =	vsel vm9, $0x1285, v24  }
0x50: {  	v14 =	vsel vm6, $0x1000, v14;
	v19 =	vsel vm12, $0x282, v19;
	v20 =	vsel vm12, $0x302, v20  }
0x51: {  	v21 =	vsel vm12, $0x382, v21;
	v22 =	vsel vm12, $0x1002, v22;
	v23 =	vsel vm9, $0x1205, v23  }
0x52: {  	v24 =	vsel vm8, $0x1306, v24;
	v13 =	vsel vm5, $0x1081, v14;
	v14 =	vcombine.low v18, v17  }
0x53: {  	v18 =	vimm.s32 $0x87;
	v19 =	vsel vm11, $0x303, v19;
	v20 =	vsel vm11, $0x383, v20  }
0x54: {  	v21 =	vsel vm11, $0x1003, v21;
	v22 =	vsel vm11, $0x1083, v22;
	v23 =	vsel vm8, $0x1286, v23  }
0x55: {  	v24 =	vsel vm7, $0x1387, v24;
	v13 =	vsel vm4, $0x1102, v13;
	v18 =	vsel vm14, $0x100, v18  }
0x56: {  	v19 =	vsel vm10, $0x384, v19;
	v20 =	vsel vm10, $0x1004, v20;
	v21 =	vsel vm10, $0x1084, v21  }
0x57: {  	v22 =	vsel vm10, $0x1104, v22;
	v23 =	vsel vm7, $0x1307, v23;
	v24 =	vsel vm6, $0x0, v24  }
0x58: {  	v13 =	vsel vm3, $0x1183, v13;
	v18 =	vsel vm13, $0x181, v18;
	v19 =	vsel vm9, $0x1005, v19  }
0x59: {  	v20 =	vsel vm9, $0x1085, v20;
	v21 =	vsel vm9, $0x1105, v21;
	v22 =	vsel vm9, $0x1185, v22  }
0x5a: {  	v23 =	vsel vm6, $0x1380, v23;
	v24 =	vsel vm5, $0x81, v24;
	v17 =	vsel vm2, $0x1204, v13  }
0x5b: {  	v13 =	vand.u32 $0xF, v14;
	v14 =	vand.u32 $0xF, v15;
	v15 =	vand.u32 $0xF, v16  }
0x5c: {  	v18 =	vsel vm12, $0x202, v18;
	v19 =	vsel vm8, $0x1086, v19;
	v20 =	vsel vm8, $0x1106, v20  }
0x5d: {  	v21 =	vsel vm8, $0x1186, v21;
	v22 =	vsel vm8, $0x1206, v22;
	v23 =	vsel vm5, $0x1, v23  }
0x5e: {  	v24 =	vsel vm4, $0x102, v24;
	v17 =	vsel vm1, $0x1285, v17;
	v18 =	vsel vm11, $0x283, v18  }
0x5f: {  	v19 =	vsel vm7, $0x1107, v19;
	v20 =	vsel vm7, $0x1187, v20;
	v21 =	vsel vm7, $0x1207, v21  }
0x60: {  	v22 =	vsel vm7, $0x1287, v22;
	v23 =	vsel vm4, $0x82, v23;
	v24 =	vsel vm3, $0x183, v24  }
0x61: {  	v16 =	vsel vm0, $0x1306, v17;
	v17 =	vimm.s32 $0x7;
	v18 =	vsel vm10, $0x304, v18  }
0x62: {  	v19 =	vsel vm6, $0x1180, v19;
	v20 =	vsel vm6, $0x1200, v20;
	v21 =	vsel vm6, $0x1280, v21  }
0x63: {  	v22 =	vsel vm6, $0x1300, v22;
	v23 =	vsel vm3, $0x103, v23;
	v24 =	vsel vm2, $0x204, v24  }
0x64: {  	v17 =	vsel vm14, $0x80, v17;
	v18 =	vsel vm9, $0x385, v18;
	v19 =	vsel vm5, $0x1201, v19  }
0x65: {  	v20 =	vsel vm5, $0x1281, v20;
	v21 =	vsel vm5, $0x1301, v21;
	v22 =	vsel vm5, $0x1381, v22  }
0x66: {  	v23 =	vsel vm2, $0x184, v23;
	v24 =	vsel vm1, $0x285, v24;
	v17 =	vsel vm13, $0x101, v17  }
0x67: {  	v18 =	vsel vm8, $0x1006, v18;
	v19 =	vsel vm4, $0x1282, v19;
	v20 =	vsel vm4, $0x1302, v20  }
0x68: {  	s0 =	rddreg [dreg:$0x0];
	v21 =	vsel vm4, $0x1382, v21;
	v22 =	vsel vm4, $0x2, v22;
	v23 =	vsel vm1, $0x205, v23  }
0x69: {  	s1 =	rddreg [dreg:$0x1];
	s2 =	srdreg.scid;
	s3 =	simm.s32 $0x0;
	v24 =	vsel vm0, $0x306, v24;
	v17 =	vsel vm12, $0x182, v17;
	v18 =	vsel vm7, $0x1087, v18  }
0x6a: {  	s8 =	stileid.u32;
	s9 =	simm.s32 $0x80;
	s10 =	simm.s32 $0x3400;
	v19 =	vsel vm3, $0x1303, v19;
	v20 =	vsel vm3, $0x1383, v20;
	v17 =	vsel vm11, $0x203, v17  }
0x6b: {  	s14 =	simm.s32 $0x180;
	s15 =	simm.s32 $0x4C00;
	s16 =	simm.s32 $0x5400;
	v21 =	vsel vm3, $0x3, v21;
	v22 =	vsel vm3, $0x83, v22;
	v17 =	vsel vm10, $0x284, v17  }
0x6c: {  	s17 =	simm.s32 $0x5C00;
	s18 =	simm.s32 $0x6400;
	s19 =	simm.s32 $0x6C00;
	v23 =	vsel vm0, $0x286, v23;
	v18 =	vsel vm6, $0x1100, v18;
	v17 =	vsel vm9, $0x305, v17  }
0x6d: {  	s20 =	simm.s32 $0x1;
	s21 =	simm.s32 $0x7400;
	s22 =	simm.s32 $0x1000;
	v19 =	vsel vm2, $0x1384, v19;
	v20 =	vsel vm2, $0x4, v20;
	v17 =	vsel vm8, $0x386, v17  }
0x6e: {  	s23 =	simm.s32 $0x20000;
	s28 =	simm.s32 $0x4;
	s29 =	simm.s32 $0x0;
	v21 =	vsel vm2, $0x84, v21;
	v22 =	vsel vm2, $0x104, v22;
	v17 =	vsel vm7, $0x1007, v17  }
0x6f: {  	s30 =	simm.s32 $0x0;
	s2 =	sand.u32 $0x1, s2;
	[smem:$0x7FF] =	sst s3;
	v18 =	vsel vm5, $0x1181, v18;
	v19 =	vsel vm1, $0x5, v19;
	v17 =	vsel vm6, $0x1080, v17  }
0x70: {  	s4 =	sshll.u32 s8, $0x7;
	s26 =	sshll.u32 s8, $0xD;
	s8 =	simm.s32 $0x5;
	v20 =	vsel vm1, $0x85, v20;
	v21 =	vsel vm1, $0x105, v21;
	v17 =	vsel vm5, $0x1101, v17  }
0x71: {  	s5 =	ssub.s32 $0x2, s2;
	_ =	strace $0x8000004A;
	s6 =	sadd.s32 s4, s0;
	v22 =	vsel vm1, $0x185, v22;
	v18 =	vsel vm4, $0x1202, v18;
	v17 =	vsel vm4, $0x1182, v17  }
0x72: {  	s4 =	sadd.s32 $0xC00, s0;
	s25 =	sshll.u32 s2, $0x6;
	s2 =	sshll.u32 s2, $0xC;
	v19 =	vsel vm0, $0x86, v19;
	v18 =	vsel vm3, $0x1283, v18;
	v17 =	vsel vm3, $0x1203, v17  }
0x73: {  	s7 =	sshrl.u32 s5, $0x1;
	s31 =	sadd.s32 s25, s6;
	s25 =	simm.s32 $0x9400;
	v20 =	vsel vm0, $0x106, v20;
	v18 =	vsel vm2, $0x1304, v18;
	v17 =	vsel vm2, $0x1284, v17  }
0x74: {  	s24 =	ssub.s32 s5, s7;
	s5 =	sor.u32 s2, s26;
	s7 =	sadd.s32 $0x1E9200, s31;
	v21 =	vsel vm0, $0x186, v21;
	v18 =	vsel vm1, $0x1385, v18;
	v17 =	vsel vm1, $0x1305, v17  }
0x75: {  	s26 =	simm.s32 $0x3;
	s6 =	smax.u32 s24, $0x1;
	s24 =	simm.s32 $0x2;
	v22 =	vsel vm0, $0x206, v22;
	v18 =	vsel vm0, $0x6, v18;
	v17 =	vsel vm0, $0x1386, v17  }
.LBB2_1:
0x76: {  	s0 =	simm.s32 $0x0;
	s2 =	sadd.s32 $0x0, s7  }
0x77: {  	[tilespmem:s0], [sflag:$0x5] =	stream.linear.gather [hbm4b:s2+s3], $0x200, $0x38;
	[tilespmem:$0xB400] =	vst v63  }
0x78: {  	_ =	swait.ge [sflag:s8], $0x200  }
0x79: {  	s0 =	simm.s32 $0x800;
	[sflag:s8] =	ssyncset.done $0x0  }
.LBB2_2:
0x7a: {  	s2 =	sshra.s32 s0, $0x2  }
0x7b: {  	s11 =	sadd.s32 s0, s7;
	[sflag:s8] =	ssyncadd.s32 $0xFFFFFE00;
	p0 =	sne.s32 s0, $0xC800  }
0x7c: {  	[tilespmem:s2], [sflag:$0x5] =	stream.linear.gather [hbm4b:s11+s3], $0x200, $0x38;
	[tilespmem:$0xB400] =	vst v63  }
.Ltmp0:
0x7d: {  	_ = 	snop;
	(pc) =	sbr.rel @p0 .LBB2_2-.Ltmp0, $4  }
0x7e: {  	_ = 	snop  }
0x7f: {  	s0 =	sadd.s32 $0x800, s0  }
0x80: {  	_ =	swait.ge [sflag:s8], $0x200  }
0x81: {  	[sflag:s8] =	ssyncset.done $0x0  }
0x82: {  	[sflag:s8] =	ssyncadd.s32 $0xFFFFFE00  }
0x83: {  	[tilespmem:s10], [sflag:$0x1] =	stream.indirect.gather [hbm4b:s4+s9], $0x10, s30, s9, $0xb8;
	[tilespmem:$0xB400] =	vst v63  }
0x84: {  	s0 =	simm.s32 $0x3C00  }
0x85: {  	[tilespmem:s0], [sflag:$0x1] =	stream.indirect.gather [hbm4b:s4+s9], $0x10, s9, s9, $0xb8;
	[tilespmem:$0xB400] =	vst v63  }
0x86: {  	s13 =	simm.s32 $0x100;
	s2 =	simm.s32 $0x4400  }
0x87: {  	[tilespmem:s2], [sflag:$0x1] =	stream.indirect.gather [hbm4b:s4+s9], $0x10, s13, s9, $0xb8;
	[tilespmem:$0xB400] =	vst v63  }
0x88: {  	s31 =	simm.s32 $0x0  }
0x89: {  	[tilespmem:s15], [sflag:$0x1] =	stream.indirect.gather [hbm4b:s4+s9], $0x10, s14, s9, $0xb8;
	[tilespmem:$0xB400] =	vst v63  }
.LBB2_4:
0x8a: {  	s0 =	sshllo.u32 s31, $0x1  }
0x8b: {  	s2 =	sshll.u32 s0, $0x9  }
0x8c: {  	s2 =	sand.u32 $0x3FFFFE00, s2  }
0x8d: {  	[tilespmem:s16], [sflag:$0x2] =	stream.indirect.gather [hbm4b:s4+s9], $0x10, s2, s9, $0xb8;
	[tilespmem:$0xB400] =	vst v63  }
0x8e: {  	s11 =	sor.u32 $0x80, s2  }
0x8f: {  	[tilespmem:s17], [sflag:$0x2] =	stream.indirect.gather [hbm4b:s4+s9], $0x10, s11, s9, $0xb8;
	[tilespmem:$0xB400] =	vst v63  }
0x90: {  	s13 =	sor.u32 $0x100, s2  }
0x91: {  	[tilespmem:s18], [sflag:$0x2] =	stream.indirect.gather [hbm4b:s4+s9], $0x10, s13, s9, $0xb8;
	[tilespmem:$0xB400] =	vst v63  }
0x92: {  	s2 =	sor.u32 $0x180, s2  }
0x93: {  	[tilespmem:s19], [sflag:$0x2] =	stream.indirect.gather [hbm4b:s4+s9], $0x10, s2, s9, $0xb8;
	[tilespmem:$0xB400] =	vst v63  }
0x94: {  	_ =	swait.ge [sflag:s20], $0x800  }
0x95: {  	[sflag:s20] =	ssyncset.done $0x0  }
0x96: {  	[sflag:s20] =	ssyncadd.s32 $0xFFFFF800  }
0x97: {  	_ =	swait.ge [sflag:s20], $0x800  }
0x98: {  	[sflag:s20] =	ssyncset.done $0x0  }
0x99: {  	[sflag:s20] =	ssyncadd.s32 $0xFFFFF800  }
0x9a: {  	_ =	swait.ge [sflag:s20], $0x800  }
0x9b: {  	[sflag:s20] =	ssyncset.done $0x0  }
0x9c: {  	v32 =	vor.u32 s30, v0;
	[sflag:s20] =	ssyncadd.s32 $0xFFFFF800  }
0x9d: {  	v33 =	vshll.u32 v32, $0x4;
	_ =	swait.ge [sflag:s20], $0x800  }
0x9e: {  	p0 =	seq.s32 s31, $0x0;
	v34 =	vor.u32 v0, v33;
	[sflag:s20] =	ssyncset.done $0x0  }
0x9f: {  	v35 =	vor.u32 v1, v33;
	s2 =	simm.s32 @!p0 $0x3;
	[sflag:s20] =	ssyncadd.s32 $0xFFFFF800  }
0xa0: {  	_ =	swait.ge @!p0 [sflag:s2], $0x2000  }
0xa1: {  	v36 =	vor.u32 v2, v33;
	[sflag:s2] =	ssyncset.done @!p0 $0x0  }
0xa2: {  	[sflag:s2] =	ssyncadd.s32 @!p0 $0xFFFFE000  }
0xa3: {  	v37 =	vor.u32 v3, v33;
	v34 =	vld.idx.msk [tilespmem:v34+s10+$0x0], $0xffff  }
0xa4: {  	v35 =	vld.idx.msk [tilespmem:v35+s10+$0x0], $0xffff  }
0xa5: {  	v38 =	vor.u32 v4, v33  }
0xa6: {  	v36 =	vld.idx.msk [tilespmem:v36+s10+$0x0], $0xffff  }
0xa7: {  	v39 =	vor.u32 v5, v33  }
0xa8: {  	v37 =	vld.idx.msk [tilespmem:v37+s10+$0x0], $0xffff  }
0xa9: {  	v40 =	vor.u32 v6, v33;
	v41 =	vmul.f32 v34, v34;
	v42 =	vmul.f32 v35, v35  }
0xaa: {  	v38 =	vld.idx.msk [tilespmem:v38+s10+$0x0], $0xffff  }
0xab: {  	v43 =	vor.u32 v7, v33;
	v44 =	vmul.f32 v36, v36;
	v41 =	vadd.f32 v42, v41  }
0xac: {  	v39 =	vld.idx.msk [tilespmem:v39+s10+$0x0], $0xffff  }
0xad: {  	v57 =	vor.u32 v8, v33;
	v45 =	vmul.f32 v37, v37;
	v41 =	vadd.f32 v44, v41  }
0xae: {  	v40 =	vld.idx.msk [tilespmem:v40+s10+$0x0], $0xffff  }
0xaf: {  	v58 =	vor.u32 v9, v33;
	v46 =	vmul.f32 v38, v38;
	v41 =	vadd.f32 v45, v41  }
0xb0: {  	v43 =	vld.idx.msk [tilespmem:v43+s10+$0x0], $0xffff  }
0xb1: {  	v59 =	vor.u32 v10, v33;
	v47 =	vmul.f32 v39, v39;
	v41 =	vadd.f32 v46, v41  }
0xb2: {  	v42 =	vld.idx.msk [tilespmem:v57+s10+$0x0], $0xffff  }
0xb3: {  	v60 =	vor.u32 v11, v33;
	v48 =	vmul.f32 v40, v40;
	v41 =	vadd.f32 v47, v41  }
0xb4: {  	v44 =	vld.idx.msk [tilespmem:v58+s10+$0x0], $0xffff  }
0xb5: {  	v61 =	vor.u32 v12, v33;
	v49 =	vmul.f32 v43, v43;
	v41 =	vadd.f32 v48, v41  }
0xb6: {  	v45 =	vld.idx.msk [tilespmem:v59+s10+$0x0], $0xffff  }
0xb7: {  	v62 =	vor.u32 v13, v33;
	v50 =	vmul.f32 v42, v42;
	v41 =	vadd.f32 v49, v41  }
0xb8: {  	v46 =	vld.idx.msk [tilespmem:v60+s10+$0x0], $0xffff  }
0xb9: {  	v63 =	vor.u32 v14, v33;
	v51 =	vmul.f32 v44, v44;
	v41 =	vadd.f32 v50, v41  }
0xba: {  	v47 =	vld.idx.msk [tilespmem:v61+s10+$0x0], $0xffff  }
0xbb: {  	v33 =	vor.u32 v15, v33;
	v54 =	vmul.f32 v45, v45;
	v41 =	vadd.f32 v51, v41  }
0xbc: {  	v48 =	vld.idx.msk [tilespmem:v62+s10+$0x0], $0xffff  }
0xbd: {  	v55 =	vmul.f32 v46, v46;
	v41 =	vadd.f32 v54, v41  }
0xbe: {  	v49 =	vld.idx.msk [tilespmem:v63+s10+$0x0], $0xffff  }
0xbf: {  	v56 =	vmul.f32 v47, v47;
	v41 =	vadd.f32 v55, v41  }
0xc0: {  	v33 =	vld.idx.msk [tilespmem:v33+s10+$0x0], $0xffff  }
0xc1: {  	v57 =	vmul.f32 v48, v48;
	v41 =	vadd.f32 v56, v41;
	_ =	sdelay $0x1  }
0xc2: {  	v58 =	vmul.f32 v49, v49;
	v41 =	vadd.f32 v57, v41;
	_ =	sdelay $0x1  }
0xc3: {  	v59 =	vmul.f32 v33, v33;
	v41 =	vadd.f32 v58, v41;
	_ =	sdelay $0x1  }
0xc4: {  	v41 =	vadd.f32 v59, v41;
	_ =	sdelay $0x1  }
0xc5: {  	v60 =	vshra.s32 v41, $0x1;
	v51 =	vmul.f32 $5.000000000e-01, v41  }
0xc6: {  	v50 =	vsub.s32 $0x5F3759DF, v60  }
0xc7: {  	v52 =	vmul.f32 v50, v51;
	_ =	sdelay $0x1  }
0xc8: {  	v52 =	vmul.f32 v50, v52;
	_ =	sdelay $0x1  }
0xc9: {  	v52 =	vsub.f32 $1.500000000e+00, v52;
	_ =	sdelay $0x1  }
0xca: {  	v50 =	vmul.f32 v50, v52;
	_ =	sdelay $0x1  }
0xcb: {  	v52 =	vmul.f32 v50, v51;
	_ =	sdelay $0x1  }
0xcc: {  	v52 =	vmul.f32 v52, v50;
	_ =	sdelay $0x1  }
0xcd: {  	v52 =	vsub.f32 $1.500000000e+00, v52;
	_ =	sdelay $0x1  }
0xce: {  	v50 =	vmul.f32 v52, v50;
	_ =	sdelay $0x1  }
0xcf: {  	v51 =	vmul.f32 v50, v51;
	_ =	sdelay $0x1  }
0xd0: {  	v51 =	vmul.f32 v51, v50;
	_ =	sdelay $0x1  }
0xd1: {  	v61 =	vmov s30;
	v51 =	vsub.f32 $1.500000000e+00, v51  }
0xd2: {  	v52 =	vshll.u32 v61, $0x3  }
0xd3: {  	v32 =	vand.u32 $0x78, v32;
	v52 =	vand.u32 $0xC00, v52;
	v50 =	vmul.f32 v51, v50  }
0xd4: {  	v32 =	vor.u32 v52, v32  }
0xd5: {  	v62 =	vor.u32 v16, v32;
	v50 =	vmul.f32 $9.999899860e-01, v50  }
0xd6: {  	vm0 =	vgt.f32 v41, $9.999799720e-01;
	v63 =	vor.u32 v17, v32  }
0xd7: {  	v52 =	vor.u32 v18, v32;
	v53 =	vor.u32 v19, v32;
	v50 =	vnsel vm0, $0x3F800000, v50  }
0xd8: {  	v55 =	vor.u32 v20, v32;
	v56 =	vor.u32 v21, v32;
	v54 =	vmul.f32 v50, v34  }
0xd9: {  	v58 =	vor.u32 v23, v32;
	v60 =	vor.u32 v24, v32;
	v35 =	vmul.f32 v50, v35  }
0xda: {  	v41 =	vor.u32 v26, v32;
	v36 =	vmul.f32 v50, v36;
	[tilespmem:v62+s21+$0x0] =	vst.idx.msk $0xffff, v54  }
0xdb: {  	v51 =	vor.u32 v22, v32;
	v37 =	vmul.f32 v50, v37;
	[tilespmem:v63+s21+$0x0] =	vst.idx.msk $0xffff, v35  }
0xdc: {  	v34 =	vor.u32 v31, v32;
	v57 =	vmul.f32 v50, v38;
	[tilespmem:v52+s21+$0x0] =	vst.idx.msk $0xffff, v36  }
0xdd: {  	v59 =	vmul.f32 v50, v39;
	v61 =	vmul.f32 v50, v40;
	[tilespmem:v53+s21+$0x0] =	vst.idx.msk $0xffff, v37  }
0xde: {  	v40 =	vor.u32 v25, v32;
	v62 =	vmul.f32 v50, v43;
	[tilespmem:v55+s21+$0x0] =	vst.idx.msk $0xffff, v57  }
0xdf: {  	v43 =	vmul.f32 v50, v49;
	v63 =	vmul.f32 v50, v42;
	[tilespmem:v56+s21+$0x0] =	vst.idx.msk $0xffff, v59  }
0xe0: {  	v35 =	vor.u32 v30, v32;
	v52 =	vor.u32 v27, v32;
	[tilespmem:v51+s21+$0x0] =	vst.idx.msk $0xffff, v61  }
0xe1: {  	v57 =	vor.u32 v28, v32;
	v56 =	vmul.f32 v50, v44;
	[tilespmem:v58+s21+$0x0] =	vst.idx.msk $0xffff, v62  }
0xe2: {  	s2 =	simm.s32 $0x10;
	v59 =	vor.u32 v29, v32;
	v58 =	vmul.f32 v50, v45;
	[tilespmem:v60+s21+$0x0] =	vst.idx.msk $0xffff, v63  }
0xe3: {  	v36 =	vmul.f32 v50, v33;
	v61 =	vor.u32 s2, v0;
	v60 =	vmul.f32 v50, v46;
	[tilespmem:v40+s21+$0x0] =	vst.idx.msk $0xffff, v56  }
0xe4: {  	v62 =	vmul.f32 v50, v47;
	v33 =	vshll.u32 v61, $0x4;
	v63 =	vmul.f32 v50, v48;
	[tilespmem:v41+s21+$0x0] =	vst.idx.msk $0xffff, v58  }
0xe5: {  	v42 =	vor.u32 v0, v33;
	v38 =	vor.u32 v1, v33;
	[tilespmem:v52+s21+$0x0] =	vst.idx.msk $0xffff, v60  }
0xe6: {  	v37 =	vor.u32 v4, v33;
	v39 =	vor.u32 v5, v33;
	[tilespmem:v57+s21+$0x0] =	vst.idx.msk $0xffff, v62  }
0xe7: {  	s11 =	simm.s32 $0x20;
	v32 =	vand.u32 $0x78, v61;
	v40 =	vor.u32 v3, v33;
	v41 =	vor.u32 v2, v33;
	[tilespmem:v59+s21+$0x0] =	vst.idx.msk $0xffff, v63  }
.LBB2_5:
0xe8: {  	p1 =	sne.s32 s11, $0x1F0;
	v44 =	vor.u32 v6, v33;
	v45 =	vor.u32 v7, v33;
	[tilespmem:v35+s21+$0x0] =	vst.idx.msk $0xffff, v43;
	s12 =	smov.u32 s11;
	s11 =	sadd.s32 $0x10, s11  }
0xe9: {  	v35 =	vmov s2;
	v43 =	vor.u32 v8, v33;
	v46 =	vor.u32 v9, v33;
	[tilespmem:v34+s21+$0x0] =	vst.idx.msk $0xffff, v36;
	s2 =	smov.u32 s12  }
0xea: {  	v47 =	vor.u32 v10, v33;
	v48 =	vor.u32 v11, v33;
	v36 =	vshll.u32 v35, $0x3;
	v34 =	vld.idx.msk [tilespmem:v42+s10+$0x0], $0xffff  }
0xeb: {  	v49 =	vor.u32 v13, v33;
	v50 =	vor.u32 v14, v33;
	v36 =	vand.u32 $0xC00, v36;
	v35 =	vld.idx.msk [tilespmem:v38+s10+$0x0], $0xffff  }
0xec: {  	v32 =	vor.u32 v36, v32;
	v38 =	vld.idx.msk [tilespmem:v41+s10+$0x0], $0xffff;
	_ =	sdelay $0x1  }
0xed: {  	v36 =	vld.idx.msk [tilespmem:v40+s10+$0x0], $0xffff;
	_ =	sdelay $0x1  }
0xee: {  	v40 =	vmul.f32 v34, v34;
	v37 =	vld.idx.msk [tilespmem:v37+s10+$0x0], $0xffff  }
0xef: {  	v41 =	vmul.f32 v35, v35  }
0xf0: {  	v42 =	vmul.f32 v38, v38;
	v39 =	vld.idx.msk [tilespmem:v39+s10+$0x0], $0xffff  }
0xf1: {  	v41 =	vadd.f32 v41, v40  }
0xf2: {  	v51 =	vmul.f32 v36, v36;
	v40 =	vld.idx.msk [tilespmem:v44+s10+$0x0], $0xffff  }
0xf3: {  	v42 =	vadd.f32 v42, v41  }
0xf4: {  	v44 =	vmul.f32 v37, v37;
	v41 =	vld.idx.msk [tilespmem:v45+s10+$0x0], $0xffff  }
0xf5: {  	v45 =	vadd.f32 v51, v42  }
0xf6: {  	v51 =	vmul.f32 v39, v39;
	v42 =	vld.idx.msk [tilespmem:v43+s10+$0x0], $0xffff  }
0xf7: {  	v44 =	vadd.f32 v44, v45  }
0xf8: {  	v45 =	vmul.f32 v40, v40;
	v43 =	vld.idx.msk [tilespmem:v46+s10+$0x0], $0xffff  }
0xf9: {  	v46 =	vadd.f32 v51, v44;
	v51 =	vor.u32 v12, v33  }
0xfa: {  	v52 =	vmul.f32 v41, v41;
	v44 =	vld.idx.msk [tilespmem:v47+s10+$0x0], $0xffff  }
0xfb: {  	v46 =	vadd.f32 v45, v46  }
0xfc: {  	v47 =	vmul.f32 v42, v42;
	v45 =	vld.idx.msk [tilespmem:v48+s10+$0x0], $0xffff  }
0xfd: {  	v48 =	vadd.f32 v52, v46  }
0xfe: {  	v52 =	vmul.f32 v43, v43;
	v46 =	vld.idx.msk [tilespmem:v51+s10+$0x0], $0xffff  }
0xff: {  	v33 =	vor.u32 v15, v33;
	v48 =	vadd.f32 v47, v48  }
0x100: {  	v51 =	vmul.f32 v44, v44;
	v47 =	vld.idx.msk [tilespmem:v49+s10+$0x0], $0xffff  }
0x101: {  	v48 =	vadd.f32 v52, v48  }
0x102: {  	v49 =	vmul.f32 v45, v45;
	v50 =	vld.idx.msk [tilespmem:v50+s10+$0x0], $0xffff  }
0x103: {  	v48 =	vadd.f32 v51, v48  }
0x104: {  	v51 =	vmul.f32 v46, v46;
	v33 =	vld.idx.msk [tilespmem:v33+s10+$0x0], $0xffff  }
0x105: {  	v48 =	vadd.f32 v49, v48  }
0x106: {  	v49 =	vmul.f32 v47, v47  }
0x107: {  	v48 =	vadd.f32 v51, v48  }
0x108: {  	v51 =	vmul.f32 v50, v50  }
0x109: {  	v48 =	vadd.f32 v49, v48  }
0x10a: {  	v49 =	vmul.f32 v33, v33  }
0x10b: {  	v48 =	vadd.f32 v51, v48;
	_ =	sdelay $0x1  }
0x10c: {  	v48 =	vadd.f32 v49, v48;
	_ =	sdelay $0x1  }
0x10d: {  	v49 =	vshra.s32 v48, $0x1;
	v51 =	vmul.f32 $5.000000000e-01, v48  }
0x10e: {  	v49 =	vsub.s32 $0x5F3759DF, v49  }
0x10f: {  	v52 =	vmul.f32 v49, v51;
	_ =	sdelay $0x1  }
0x110: {  	v52 =	vmul.f32 v49, v52;
	_ =	sdelay $0x1  }
0x111: {  	v52 =	vsub.f32 $1.500000000e+00, v52;
	_ =	sdelay $0x1  }
0x112: {  	v49 =	vmul.f32 v49, v52;
	_ =	sdelay $0x1  }
0x113: {  	v52 =	vmul.f32 v49, v51;
	_ =	sdelay $0x1  }
0x114: {  	v52 =	vmul.f32 v52, v49;
	_ =	sdelay $0x1  }
0x115: {  	v52 =	vsub.f32 $1.500000000e+00, v52;
	_ =	sdelay $0x1  }
0x116: {  	v49 =	vmul.f32 v52, v49;
	_ =	sdelay $0x1  }
0x117: {  	v51 =	vmul.f32 v49, v51;
	_ =	sdelay $0x1  }
0x118: {  	v51 =	vmul.f32 v51, v49;
	_ =	sdelay $0x1  }
0x119: {  	v51 =	vsub.f32 $1.500000000e+00, v51;
	_ =	sdelay $0x1  }
0x11a: {  	v49 =	vmul.f32 v51, v49  }
0x11b: {  	v51 =	vor.u32 v16, v32  }
0x11c: {  	vm0 =	vgt.f32 v48, $9.999799720e-01;
	v48 =	vmul.f32 $9.999899860e-01, v49;
	v49 =	vor.u32 v17, v32  }
0x11d: {  	v52 =	vor.u32 v18, v32  }
0x11e: {  	v53 =	vor.u32 v19, v32;
	v48 =	vnsel vm0, $0x3F800000, v48  }
0x11f: {  	v55 =	vor.u32 v20, v32;
	v54 =	vmul.f32 v48, v34;
	v35 =	vmul.f32 v48, v35  }
0x120: {  	v56 =	vor.u32 v21, v32;
	v38 =	vmul.f32 v48, v38;
	v34 =	vor.u32 v31, v32  }
0x121: {  	v36 =	vmul.f32 v48, v36;
	[tilespmem:v51+s21+$0x0] =	vst.idx.msk $0xffff, v54;
	v51 =	vor.u32 v22, v32  }
0x122: {  	[tilespmem:v49+s21+$0x0] =	vst.idx.msk $0xffff, v35;
	v35 =	vmul.f32 v48, v37;
	v37 =	vor.u32 v23, v32  }
0x123: {  	[tilespmem:v52+s21+$0x0] =	vst.idx.msk $0xffff, v38;
	v38 =	vmul.f32 v48, v39;
	v39 =	vor.u32 v24, v32  }
0x124: {  	[tilespmem:v53+s21+$0x0] =	vst.idx.msk $0xffff, v36;
	v36 =	vmul.f32 v48, v40;
	v40 =	vor.u32 v25, v32  }
0x125: {  	[tilespmem:v55+s21+$0x0] =	vst.idx.msk $0xffff, v35;
	v35 =	vmul.f32 v48, v41;
	v41 =	vor.u32 v26, v32  }
0x126: {  	v49 =	vor.u32 v27, v32;
	[tilespmem:v56+s21+$0x0] =	vst.idx.msk $0xffff, v38;
	v38 =	vmul.f32 v48, v42  }
0x127: {  	[tilespmem:v51+s21+$0x0] =	vst.idx.msk $0xffff, v36;
	v36 =	vmul.f32 v48, v43;
	v51 =	vor.u32 v28, v32  }
0x128: {  	[tilespmem:v37+s21+$0x0] =	vst.idx.msk $0xffff, v35;
	v37 =	vmul.f32 v48, v44;
	v44 =	vor.u32 v29, v32  }
0x129: {  	v35 =	vor.u32 v30, v32;
	[tilespmem:v39+s21+$0x0] =	vst.idx.msk $0xffff, v38;
	v39 =	vmul.f32 v48, v45  }
.Ltmp1:
0x12a: {  	v32 =	vor.u32 s2, v0;
	v45 =	vmul.f32 v48, v46;
	[tilespmem:v40+s21+$0x0] =	vst.idx.msk $0xffff, v36;
	v36 =	vmul.f32 v48, v33;
	(pc) =	sbr.rel @p1 .LBB2_5-.Ltmp1, $4  }
0x12b: {  	v43 =	vmul.f32 v48, v50;
	v46 =	vmul.f32 v48, v47;
	v33 =	vshll.u32 v32, $0x4;
	[tilespmem:v41+s21+$0x0] =	vst.idx.msk $0xffff, v37  }
0x12c: {  	v32 =	vand.u32 $0x78, v32;
	v42 =	vor.u32 v0, v33;
	v38 =	vor.u32 v1, v33;
	[tilespmem:v49+s21+$0x0] =	vst.idx.msk $0xffff, v39  }
0x12d: {  	v41 =	vor.u32 v2, v33;
	v40 =	vor.u32 v3, v33;
	[tilespmem:v51+s21+$0x0] =	vst.idx.msk $0xffff, v45  }
0x12e: {  	v37 =	vor.u32 v4, v33;
	v39 =	vor.u32 v5, v33;
	[tilespmem:v44+s21+$0x0] =	vst.idx.msk $0xffff, v46  }
0x12f: {  	_ =	sdelay $0x3  }
0x130: {  	[tilespmem:v35+s21+$0x0] =	vst.idx.msk $0xffff, v43  }
0x131: {  	[tilespmem:v34+s21+$0x0] =	vst.idx.msk $0xffff, v36  }
0x132: {  	v34 =	vld.idx.msk [tilespmem:v42+s10+$0x0], $0xffff  }
0x133: {  	v35 =	vld.idx.msk [tilespmem:v38+s10+$0x0], $0xffff;
	_ =	sdelay $0x1  }
0x134: {  	v36 =	vld.idx.msk [tilespmem:v41+s10+$0x0], $0xffff;
	_ =	sdelay $0x1  }
0x135: {  	v38 =	vld.idx.msk [tilespmem:v40+s10+$0x0], $0xffff  }
0x136: {  	v63 =	vor.u32 v6, v33;
	v48 =	vmul.f32 v34, v34;
	v49 =	vmul.f32 v35, v35  }
0x137: {  	v37 =	vld.idx.msk [tilespmem:v37+s10+$0x0], $0xffff  }
0x138: {  	v50 =	vor.u32 v7, v33;
	v44 =	vmul.f32 v36, v36;
	v41 =	vadd.f32 v49, v48  }
0x139: {  	v39 =	vld.idx.msk [tilespmem:v39+s10+$0x0], $0xffff  }
0x13a: {  	v51 =	vor.u32 v8, v33;
	v45 =	vmul.f32 v38, v38;
	v41 =	vadd.f32 v44, v41  }
0x13b: {  	v40 =	vld.idx.msk [tilespmem:v63+s10+$0x0], $0xffff  }
0x13c: {  	v52 =	vor.u32 v9, v33;
	v46 =	vmul.f32 v37, v37;
	v41 =	vadd.f32 v45, v41  }
0x13d: {  	v43 =	vld.idx.msk [tilespmem:v50+s10+$0x0], $0xffff  }
0x13e: {  	v53 =	vor.u32 v10, v33;
	v47 =	vmul.f32 v39, v39;
	v41 =	vadd.f32 v46, v41  }
0x13f: {  	v42 =	vld.idx.msk [tilespmem:v51+s10+$0x0], $0xffff  }
0x140: {  	v54 =	vor.u32 v11, v33;
	v48 =	vmul.f32 v40, v40;
	v41 =	vadd.f32 v47, v41  }
0x141: {  	v44 =	vld.idx.msk [tilespmem:v52+s10+$0x0], $0xffff  }
0x142: {  	v55 =	vor.u32 v12, v33;
	v49 =	vmul.f32 v43, v43;
	v41 =	vadd.f32 v48, v41  }
0x143: {  	v45 =	vld.idx.msk [tilespmem:v53+s10+$0x0], $0xffff  }
0x144: {  	v56 =	vor.u32 v13, v33;
	v50 =	vmul.f32 v42, v42;
	v41 =	vadd.f32 v49, v41  }
0x145: {  	v46 =	vld.idx.msk [tilespmem:v54+s10+$0x0], $0xffff  }
0x146: {  	v57 =	vor.u32 v14, v33;
	v51 =	vmul.f32 v44, v44;
	v41 =	vadd.f32 v50, v41  }
0x147: {  	v47 =	vld.idx.msk [tilespmem:v55+s10+$0x0], $0xffff  }
0x148: {  	v58 =	vor.u32 v15, v33;
	v59 =	vmul.f32 v45, v45;
	v41 =	vadd.f32 v51, v41  }
0x149: {  	v48 =	vld.idx.msk [tilespmem:v56+s10+$0x0], $0xffff  }
0x14a: {  	v60 =	vmul.f32 v46, v46;
	v41 =	vadd.f32 v59, v41  }
0x14b: {  	v49 =	vld.idx.msk [tilespmem:v57+s10+$0x0], $0xffff  }
0x14c: {  	v61 =	vmul.f32 v47, v47;
	v41 =	vadd.f32 v60, v41  }
0x14d: {  	v33 =	vld.idx.msk [tilespmem:v58+s10+$0x0], $0xffff  }
0x14e: {  	v62 =	vmul.f32 v48, v48;
	v41 =	vadd.f32 v61, v41;
	_ =	sdelay $0x1  }
0x14f: {  	v63 =	vmul.f32 v49, v49;
	v41 =	vadd.f32 v62, v41;
	_ =	sdelay $0x1  }
0x150: {  	v54 =	vmul.f32 v33, v33;
	v41 =	vadd.f32 v63, v41;
	_ =	sdelay $0x1  }
0x151: {  	v41 =	vadd.f32 v54, v41;
	_ =	sdelay $0x1  }
0x152: {  	v55 =	vshra.s32 v41, $0x1;
	v51 =	vmul.f32 $5.000000000e-01, v41  }
0x153: {  	v50 =	vsub.s32 $0x5F3759DF, v55  }
0x154: {  	v52 =	vmul.f32 v50, v51;
	_ =	sdelay $0x1  }
0x155: {  	v52 =	vmul.f32 v50, v52;
	_ =	sdelay $0x1  }
0x156: {  	v52 =	vsub.f32 $1.500000000e+00, v52;
	_ =	sdelay $0x1  }
0x157: {  	v50 =	vmul.f32 v50, v52;
	_ =	sdelay $0x1  }
0x158: {  	v52 =	vmul.f32 v50, v51;
	_ =	sdelay $0x1  }
0x159: {  	v52 =	vmul.f32 v52, v50;
	_ =	sdelay $0x1  }
0x15a: {  	v52 =	vsub.f32 $1.500000000e+00, v52;
	_ =	sdelay $0x1  }
0x15b: {  	v50 =	vmul.f32 v52, v50;
	_ =	sdelay $0x1  }
0x15c: {  	v51 =	vmul.f32 v50, v51;
	_ =	sdelay $0x1  }
0x15d: {  	v51 =	vmul.f32 v51, v50;
	_ =	sdelay $0x1  }
0x15e: {  	v56 =	vmov s2;
	v51 =	vsub.f32 $1.500000000e+00, v51  }
0x15f: {  	v52 =	vshll.u32 v56, $0x3  }
0x160: {  	v52 =	vand.u32 $0xC00, v52;
	v50 =	vmul.f32 v51, v50  }
0x161: {  	v32 =	vor.u32 v52, v32  }
0x162: {  	v57 =	vor.u32 v16, v32;
	v50 =	vmul.f32 $9.999899860e-01, v50  }
0x163: {  	vm0 =	vgt.f32 v41, $9.999799720e-01;
	v58 =	vor.u32 v17, v32  }
0x164: {  	v52 =	vor.u32 v18, v32;
	v50 =	vnsel vm0, $0x3F800000, v50  }
0x165: {  	v53 =	vor.u32 v19, v32;
	v34 =	vmul.f32 v50, v34  }
0x166: {  	v54 =	vor.u32 v20, v32;
	v35 =	vmul.f32 v50, v35  }
0x167: {  	v55 =	vor.u32 v21, v32;
	v36 =	vmul.f32 v50, v36;
	[tilespmem:v57+s21+$0x0] =	vst.idx.msk $0xffff, v34  }
0x168: {  	v60 =	vor.u32 v22, v32;
	v59 =	vmul.f32 v50, v38;
	[tilespmem:v58+s21+$0x0] =	vst.idx.msk $0xffff, v35  }
0x169: {  	v62 =	vor.u32 v23, v32;
	v61 =	vmul.f32 v50, v37;
	[tilespmem:v52+s21+$0x0] =	vst.idx.msk $0xffff, v36  }
0x16a: {  	v51 =	vor.u32 v24, v32;
	v63 =	vmul.f32 v50, v39;
	[tilespmem:v53+s21+$0x0] =	vst.idx.msk $0xffff, v59  }
0x16b: {  	v52 =	vmul.f32 v50, v40;
	v53 =	vor.u32 v25, v32;
	[tilespmem:v54+s21+$0x0] =	vst.idx.msk $0xffff, v61  }
0x16c: {  	v56 =	vmul.f32 v50, v43;
	v57 =	vor.u32 v26, v32;
	[tilespmem:v55+s21+$0x0] =	vst.idx.msk $0xffff, v63  }
0x16d: {  	v58 =	vmul.f32 v50, v42;
	v59 =	vor.u32 v27, v32;
	[tilespmem:v60+s21+$0x0] =	vst.idx.msk $0xffff, v52  }
0x16e: {  	v61 =	vor.u32 v28, v32;
	v60 =	vmul.f32 v50, v44;
	[tilespmem:v62+s21+$0x0] =	vst.idx.msk $0xffff, v56  }
0x16f: {  	v63 =	vor.u32 v29, v32;
	v62 =	vmul.f32 v50, v45;
	[tilespmem:v51+s21+$0x0] =	vst.idx.msk $0xffff, v58  }
0x170: {  	v43 =	vmul.f32 v50, v46;
	v44 =	vor.u32 v30, v32;
	[tilespmem:v53+s21+$0x0] =	vst.idx.msk $0xffff, v60  }
0x171: {  	v32 =	vor.u32 v31, v32;
	v45 =	vmul.f32 v50, v47;
	[tilespmem:v57+s21+$0x0] =	vst.idx.msk $0xffff, v62  }
0x172: {  	v46 =	vmul.f32 v50, v48;
	[tilespmem:v59+s21+$0x0] =	vst.idx.msk $0xffff, v43  }
0x173: {  	s12 =	sshll.u32 s31, $0x13;
	v47 =	vmul.f32 v50, v49;
	[tilespmem:v61+s21+$0x0] =	vst.idx.msk $0xffff, v45  }
0x174: {  	s2 =	sor.u32 s5, s12;
	v33 =	vmul.f32 v50, v33;
	[tilespmem:v63+s21+$0x0] =	vst.idx.msk $0xffff, v46  }
0x175: {  	s2 =	sshrl.u32 s2, $0x3;
	[tilespmem:v44+s21+$0x0] =	vst.idx.msk $0xffff, v47  }
0x176: {  	p1 =	seq.s32 s31, $0xC;
	s2 =	sadd.s32 s1, s2;
	[tilespmem:v32+s21+$0x0] =	vst.idx.msk $0xffff, v33  }
0x177: {  	[hbm4b:s2+s22] =	stream.strided.scatter [tilespmem:s21], [sflag:$0x3], $0x2000, s23, s22, $0x38;
	[tilespmem:$0xB400] =	vst v63  }
0x178: {  	s2 =	sshll.u32 @!p1 s31, $0xA  }
0x179: {  	s2 =	sand.u32 @!p1 $0x3FFFFC00, s2  }
0x17a: {  	s13 =	simm.s32 @!p1 $0x3400;
	s12 =	simm.s32 @!p1 $0x80;
	s11 =	sadd.s32 @!p1 $0x400, s2  }
0x17b: {  	[tilespmem:s13], [sflag:$0x1] =	stream.indirect.gather @!p1 [hbm4b:s4+s12], $0x10, s11, s12, $0xb8;
	[tilespmem:$0xB400] =	vst v63  }
0x17c: {  	s11 =	sadd.s32 @!p1 $0x480, s2;
	s13 =	simm.s32 @!p1 $0x3C00  }
0x17d: {  	[tilespmem:s13], [sflag:$0x1] =	stream.indirect.gather @!p1 [hbm4b:s4+s12], $0x10, s11, s12, $0xb8;
	[tilespmem:$0xB400] =	vst v63  }
0x17e: {  	s11 =	sadd.s32 @!p1 $0x500, s2;
	s13 =	simm.s32 @!p1 $0x4400  }
0x17f: {  	[tilespmem:s13], [sflag:$0x1] =	stream.indirect.gather @!p1 [hbm4b:s4+s12], $0x10, s11, s12, $0xb8;
	[tilespmem:$0xB400] =	vst v63  }
0x180: {  	s2 =	sadd.s32 @!p1 $0x580, s2;
	s11 =	simm.s32 @!p1 $0x4C00  }
0x181: {  	[tilespmem:s11], [sflag:$0x1] =	stream.indirect.gather @!p1 [hbm4b:s4+s12], $0x10, s2, s12, $0xb8;
	[tilespmem:$0xB400] =	vst v63  }
0x182: {  	_ =	swait.ge [sflag:s24], $0x800  }
0x183: {  	[sflag:s24] =	ssyncset.done $0x0  }
0x184: {  	[sflag:s24] =	ssyncadd.s32 $0xFFFFF800  }
0x185: {  	_ =	swait.ge [sflag:s24], $0x800  }
0x186: {  	[sflag:s24] =	ssyncset.done $0x0  }
0x187: {  	[sflag:s24] =	ssyncadd.s32 $0xFFFFF800  }
0x188: {  	_ =	swait.ge [sflag:s24], $0x800  }
0x189: {  	s13 =	simm.s32 $0x0;
	[sflag:s24] =	ssyncset.done $0x0  }
0x18a: {  	v32 =	vor.u32 s13, v0;
	[sflag:s24] =	ssyncadd.s32 $0xFFFFF800  }
0x18b: {  	v33 =	vshll.u32 v32, $0x4;
	_ =	swait.ge [sflag:s24], $0x800  }
0x18c: {  	v48 =	vor.u32 v0, v33;
	[sflag:s24] =	ssyncset.done $0x0  }
0x18d: {  	s11 =	simm.s32 @!p0 $0x4;
	v49 =	vor.u32 v1, v33;
	[sflag:s24] =	ssyncadd.s32 $0xFFFFF800  }
0x18e: {  	_ =	swait.ge @!p0 [sflag:s11], $0x2000  }
0x18f: {  	v50 =	vor.u32 v2, v33;
	[sflag:s11] =	ssyncset.done @!p0 $0x0  }
0x190: {  	[sflag:s11] =	ssyncadd.s32 @!p0 $0xFFFFE000  }
0x191: {  	v51 =	vor.u32 v3, v33;
	v34 =	vld.idx.msk [tilespmem:v48+s16+$0x0], $0xffff  }
0x192: {  	v35 =	vld.idx.msk [tilespmem:v49+s16+$0x0], $0xffff  }
0x193: {  	v52 =	vor.u32 v4, v33  }
0x194: {  	v36 =	vld.idx.msk [tilespmem:v50+s16+$0x0], $0xffff  }
0x195: {  	v53 =	vor.u32 v5, v33  }
0x196: {  	v37 =	vld.idx.msk [tilespmem:v51+s16+$0x0], $0xffff  }
0x197: {  	v54 =	vor.u32 v6, v33;
	v55 =	vmul.f32 v34, v34;
	v56 =	vmul.f32 v35, v35  }
0x198: {  	v38 =	vld.idx.msk [tilespmem:v52+s16+$0x0], $0xffff  }
0x199: {  	v57 =	vor.u32 v7, v33;
	v58 =	vmul.f32 v36, v36;
	v41 =	vadd.f32 v56, v55  }
0x19a: {  	v39 =	vld.idx.msk [tilespmem:v53+s16+$0x0], $0xffff  }
0x19b: {  	v59 =	vor.u32 v8, v33;
	v60 =	vmul.f32 v37, v37;
	v41 =	vadd.f32 v58, v41  }
0x19c: {  	v40 =	vld.idx.msk [tilespmem:v54+s16+$0x0], $0xffff  }
0x19d: {  	v61 =	vor.u32 v9, v33;
	v62 =	vmul.f32 v38, v38;
	v41 =	vadd.f32 v60, v41  }
0x19e: {  	v43 =	vld.idx.msk [tilespmem:v57+s16+$0x0], $0xffff  }
0x19f: {  	v63 =	vor.u32 v10, v33;
	v52 =	vmul.f32 v39, v39;
	v41 =	vadd.f32 v62, v41  }
0x1a0: {  	v42 =	vld.idx.msk [tilespmem:v59+s16+$0x0], $0xffff  }
0x1a1: {  	v53 =	vor.u32 v11, v33;
	v54 =	vmul.f32 v40, v40;
	v41 =	vadd.f32 v52, v41  }
0x1a2: {  	v44 =	vld.idx.msk [tilespmem:v61+s16+$0x0], $0xffff  }
0x1a3: {  	v55 =	vor.u32 v12, v33;
	v56 =	vmul.f32 v43, v43;
	v41 =	vadd.f32 v54, v41  }
0x1a4: {  	v45 =	vld.idx.msk [tilespmem:v63+s16+$0x0], $0xffff  }
0x1a5: {  	v57 =	vor.u32 v13, v33;
	v58 =	vmul.f32 v42, v42;
	v41 =	vadd.f32 v56, v41  }
0x1a6: {  	v46 =	vld.idx.msk [tilespmem:v53+s16+$0x0], $0xffff  }
0x1a7: {  	v59 =	vor.u32 v14, v33;
	v60 =	vmul.f32 v44, v44;
	v41 =	vadd.f32 v58, v41  }
0x1a8: {  	v47 =	vld.idx.msk [tilespmem:v55+s16+$0x0], $0xffff  }
0x1a9: {  	v61 =	vmul.f32 v45, v45;
	v33 =	vor.u32 v15, v33;
	v41 =	vadd.f32 v60, v41  }
0x1aa: {  	v48 =	vld.idx.msk [tilespmem:v57+s16+$0x0], $0xffff  }
0x1ab: {  	v62 =	vmul.f32 v46, v46;
	v41 =	vadd.f32 v61, v41  }
0x1ac: {  	v49 =	vld.idx.msk [tilespmem:v59+s16+$0x0], $0xffff  }
0x1ad: {  	v63 =	vmul.f32 v47, v47;
	v41 =	vadd.f32 v62, v41  }
0x1ae: {  	v33 =	vld.idx.msk [tilespmem:v33+s16+$0x0], $0xffff  }
0x1af: {  	v54 =	vmul.f32 v48, v48;
	v41 =	vadd.f32 v63, v41;
	_ =	sdelay $0x1  }
0x1b0: {  	v55 =	vmul.f32 v49, v49;
	v41 =	vadd.f32 v54, v41;
	_ =	sdelay $0x1  }
0x1b1: {  	v56 =	vmul.f32 v33, v33;
	v41 =	vadd.f32 v55, v41;
	_ =	sdelay $0x1  }
0x1b2: {  	v41 =	vadd.f32 v56, v41;
	_ =	sdelay $0x1  }
0x1b3: {  	v57 =	vshra.s32 v41, $0x1;
	v51 =	vmul.f32 $5.000000000e-01, v41  }
0x1b4: {  	v50 =	vsub.s32 $0x5F3759DF, v57  }
0x1b5: {  	v58 =	vmul.f32 v50, v51;
	_ =	sdelay $0x1  }
0x1b6: {  	v52 =	vmul.f32 v50, v58;
	_ =	sdelay $0x1  }
0x1b7: {  	v52 =	vsub.f32 $1.500000000e+00, v52;
	_ =	sdelay $0x1  }
0x1b8: {  	v50 =	vmul.f32 v50, v52;
	_ =	sdelay $0x1  }
0x1b9: {  	v52 =	vmul.f32 v50, v51;
	_ =	sdelay $0x1  }
0x1ba: {  	v52 =	vmul.f32 v52, v50;
	_ =	sdelay $0x1  }
0x1bb: {  	v52 =	vsub.f32 $1.500000000e+00, v52;
	_ =	sdelay $0x1  }
0x1bc: {  	v50 =	vmul.f32 v52, v50;
	_ =	sdelay $0x1  }
0x1bd: {  	v51 =	vmul.f32 v50, v51;
	_ =	sdelay $0x1  }
0x1be: {  	v51 =	vmul.f32 v51, v50;
	_ =	sdelay $0x1  }
0x1bf: {  	v59 =	vmov s13;
	v51 =	vsub.f32 $1.500000000e+00, v51  }
0x1c0: {  	v52 =	vshll.u32 v59, $0x3  }
0x1c1: {  	v32 =	vand.u32 $0x78, v32;
	v52 =	vand.u32 $0xC00, v52;
	v50 =	vmul.f32 v51, v50  }
0x1c2: {  	v32 =	vor.u32 v52, v32  }
0x1c3: {  	v51 =	vor.u32 v16, v32;
	v50 =	vmul.f32 $9.999899860e-01, v50  }
0x1c4: {  	vm15 =	vgt.f32 v41, $9.999799720e-01;
	v60 =	vor.u32 v17, v32  }
0x1c5: {  	v52 =	vor.u32 v18, v32;
	v61 =	vor.u32 v19, v32;
	v50 =	vnsel vm15, $0x3F800000, v50  }
0x1c6: {  	v63 =	vor.u32 v20, v32;
	v56 =	vor.u32 v21, v32;
	v62 =	vmul.f32 v50, v34  }
0x1c7: {  	v58 =	vor.u32 v23, v32;
	v41 =	vor.u32 v26, v32;
	v35 =	vmul.f32 v50, v35  }
0x1c8: {  	v36 =	vmul.f32 v50, v36;
	v34 =	vor.u32 v31, v32;
	[tilespmem:v51+s25+$0x0] =	vst.idx.msk $0xffff, v62  }
0x1c9: {  	v37 =	vmul.f32 v50, v37;
	v51 =	vor.u32 v22, v32;
	[tilespmem:v60+s25+$0x0] =	vst.idx.msk $0xffff, v35  }
0x1ca: {  	v57 =	vmul.f32 v50, v38;
	v59 =	vmul.f32 v50, v39;
	[tilespmem:v52+s25+$0x0] =	vst.idx.msk $0xffff, v36  }
0x1cb: {  	v62 =	vmul.f32 v50, v43;
	v60 =	vor.u32 v24, v32;
	[tilespmem:v61+s25+$0x0] =	vst.idx.msk $0xffff, v37  }
0x1cc: {  	v61 =	vmul.f32 v50, v40;
	v40 =	vor.u32 v25, v32;
	[tilespmem:v63+s25+$0x0] =	vst.idx.msk $0xffff, v57  }
0x1cd: {  	v43 =	vmul.f32 v50, v49;
	v35 =	vor.u32 v30, v32;
	[tilespmem:v56+s25+$0x0] =	vst.idx.msk $0xffff, v59  }
0x1ce: {  	v52 =	vor.u32 v27, v32;
	v63 =	vmul.f32 v50, v42;
	[tilespmem:v51+s25+$0x0] =	vst.idx.msk $0xffff, v61  }
0x1cf: {  	v57 =	vor.u32 v28, v32;
	v56 =	vmul.f32 v50, v44;
	[tilespmem:v58+s25+$0x0] =	vst.idx.msk $0xffff, v62  }
0x1d0: {  	s2 =	simm.s32 $0x10;
	v59 =	vor.u32 v29, v32;
	v58 =	vmul.f32 v50, v45;
	[tilespmem:v60+s25+$0x0] =	vst.idx.msk $0xffff, v63  }
0x1d1: {  	v36 =	vmul.f32 v50, v33;
	v61 =	vor.u32 s2, v0;
	v60 =	vmul.f32 v50, v46;
	[tilespmem:v40+s25+$0x0] =	vst.idx.msk $0xffff, v56  }
0x1d2: {  	v62 =	vmul.f32 v50, v47;
	v33 =	vshll.u32 v61, $0x4;
	v63 =	vmul.f32 v50, v48;
	[tilespmem:v41+s25+$0x0] =	vst.idx.msk $0xffff, v58  }
0x1d3: {  	v42 =	vor.u32 v0, v33;
	v38 =	vor.u32 v1, v33;
	[tilespmem:v52+s25+$0x0] =	vst.idx.msk $0xffff, v60  }
0x1d4: {  	v37 =	vor.u32 v4, v33;
	v39 =	vor.u32 v5, v33;
	[tilespmem:v57+s25+$0x0] =	vst.idx.msk $0xffff, v62  }
0x1d5: {  	s11 =	simm.s32 $0x20;
	v32 =	vand.u32 $0x78, v61;
	v40 =	vor.u32 v3, v33;
	v41 =	vor.u32 v2, v33;
	[tilespmem:v59+s25+$0x0] =	vst.idx.msk $0xffff, v63  }
.LBB2_7:
0x1d6: {  	p0 =	sne.s32 s11, $0x1F0;
	v44 =	vor.u32 v6, v33;
	v45 =	vor.u32 v7, v33;
	[tilespmem:v35+s25+$0x0] =	vst.idx.msk $0xffff, v43;
	s12 =	smov.u32 s11;
	s11 =	sadd.s32 $0x10, s11  }
0x1d7: {  	v35 =	vmov s2;
	v43 =	vor.u32 v8, v33;
	v46 =	vor.u32 v9, v33;
	[tilespmem:v34+s25+$0x0] =	vst.idx.msk $0xffff, v36;
	s2 =	smov.u32 s12  }
0x1d8: {  	v47 =	vor.u32 v10, v33;
	v48 =	vor.u32 v11, v33;
	v36 =	vshll.u32 v35, $0x3;
	v34 =	vld.idx.msk [tilespmem:v42+s16+$0x0], $0xffff  }
0x1d9: {  	v49 =	vor.u32 v13, v33;
	v50 =	vor.u32 v14, v33;
	v36 =	vand.u32 $0xC00, v36;
	v35 =	vld.idx.msk [tilespmem:v38+s16+$0x0], $0xffff  }
0x1da: {  	v32 =	vor.u32 v36, v32;
	v38 =	vld.idx.msk [tilespmem:v41+s16+$0x0], $0xffff;
	_ =	sdelay $0x1  }
0x1db: {  	v36 =	vld.idx.msk [tilespmem:v40+s16+$0x0], $0xffff;
	_ =	sdelay $0x1  }
0x1dc: {  	v40 =	vmul.f32 v34, v34;
	v37 =	vld.idx.msk [tilespmem:v37+s16+$0x0], $0xffff  }
0x1dd: {  	v41 =	vmul.f32 v35, v35  }
0x1de: {  	v42 =	vmul.f32 v38, v38;
	v39 =	vld.idx.msk [tilespmem:v39+s16+$0x0], $0xffff  }
0x1df: {  	v41 =	vadd.f32 v41, v40  }
0x1e0: {  	v51 =	vmul.f32 v36, v36;
	v40 =	vld.idx.msk [tilespmem:v44+s16+$0x0], $0xffff  }
0x1e1: {  	v42 =	vadd.f32 v42, v41  }
0x1e2: {  	v44 =	vmul.f32 v37, v37;
	v41 =	vld.idx.msk [tilespmem:v45+s16+$0x0], $0xffff  }
0x1e3: {  	v45 =	vadd.f32 v51, v42  }
0x1e4: {  	v51 =	vmul.f32 v39, v39;
	v42 =	vld.idx.msk [tilespmem:v43+s16+$0x0], $0xffff  }
0x1e5: {  	v44 =	vadd.f32 v44, v45  }
0x1e6: {  	v45 =	vmul.f32 v40, v40;
	v43 =	vld.idx.msk [tilespmem:v46+s16+$0x0], $0xffff  }
0x1e7: {  	v46 =	vadd.f32 v51, v44;
	v51 =	vor.u32 v12, v33  }
0x1e8: {  	v52 =	vmul.f32 v41, v41;
	v44 =	vld.idx.msk [tilespmem:v47+s16+$0x0], $0xffff  }
0x1e9: {  	v46 =	vadd.f32 v45, v46  }
0x1ea: {  	v47 =	vmul.f32 v42, v42;
	v45 =	vld.idx.msk [tilespmem:v48+s16+$0x0], $0xffff  }
0x1eb: {  	v48 =	vadd.f32 v52, v46  }
0x1ec: {  	v52 =	vmul.f32 v43, v43;
	v46 =	vld.idx.msk [tilespmem:v51+s16+$0x0], $0xffff  }
0x1ed: {  	v33 =	vor.u32 v15, v33;
	v48 =	vadd.f32 v47, v48  }
0x1ee: {  	v51 =	vmul.f32 v44, v44;
	v47 =	vld.idx.msk [tilespmem:v49+s16+$0x0], $0xffff  }
0x1ef: {  	v48 =	vadd.f32 v52, v48  }
0x1f0: {  	v49 =	vmul.f32 v45, v45;
	v50 =	vld.idx.msk [tilespmem:v50+s16+$0x0], $0xffff  }
0x1f1: {  	v48 =	vadd.f32 v51, v48  }
0x1f2: {  	v51 =	vmul.f32 v46, v46;
	v33 =	vld.idx.msk [tilespmem:v33+s16+$0x0], $0xffff  }
0x1f3: {  	v48 =	vadd.f32 v49, v48  }
0x1f4: {  	v49 =	vmul.f32 v47, v47  }
0x1f5: {  	v48 =	vadd.f32 v51, v48  }
0x1f6: {  	v51 =	vmul.f32 v50, v50  }
0x1f7: {  	v48 =	vadd.f32 v49, v48  }
0x1f8: {  	v49 =	vmul.f32 v33, v33  }
0x1f9: {  	v48 =	vadd.f32 v51, v48;
	_ =	sdelay $0x1  }
0x1fa: {  	v48 =	vadd.f32 v49, v48;
	_ =	sdelay $0x1  }
0x1fb: {  	v49 =	vshra.s32 v48, $0x1;
	v51 =	vmul.f32 $5.000000000e-01, v48  }
0x1fc: {  	v49 =	vsub.s32 $0x5F3759DF, v49  }
0x1fd: {  	v52 =	vmul.f32 v49, v51;
	_ =	sdelay $0x1  }
0x1fe: {  	v52 =	vmul.f32 v49, v52;
	_ =	sdelay $0x1  }
0x1ff: {  	v52 =	vsub.f32 $1.500000000e+00, v52;
	_ =	sdelay $0x1  }
0x200: {  	v49 =	vmul.f32 v49, v52;
	_ =	sdelay $0x1  }
0x201: {  	v52 =	vmul.f32 v49, v51;
	_ =	sdelay $0x1  }
0x202: {  	v52 =	vmul.f32 v52, v49;
	_ =	sdelay $0x1  }
0x203: {  	v52 =	vsub.f32 $1.500000000e+00, v52;
	_ =	sdelay $0x1  }
0x204: {  	v49 =	vmul.f32 v52, v49;
	_ =	sdelay $0x1  }
0x205: {  	v51 =	vmul.f32 v49, v51;
	_ =	sdelay $0x1  }
0x206: {  	v51 =	vmul.f32 v51, v49;
	_ =	sdelay $0x1  }
0x207: {  	v51 =	vsub.f32 $1.500000000e+00, v51;
	_ =	sdelay $0x1  }
0x208: {  	v49 =	vmul.f32 v51, v49  }
0x209: {  	v51 =	vor.u32 v16, v32  }
0x20a: {  	vm0 =	vgt.f32 v48, $9.999799720e-01;
	v48 =	vmul.f32 $9.999899860e-01, v49;
	v49 =	vor.u32 v17, v32  }
0x20b: {  	v52 =	vor.u32 v18, v32  }
0x20c: {  	v53 =	vor.u32 v19, v32;
	v48 =	vnsel vm0, $0x3F800000, v48  }
0x20d: {  	v55 =	vor.u32 v20, v32;
	v54 =	vmul.f32 v48, v34;
	v35 =	vmul.f32 v48, v35  }
0x20e: {  	v56 =	vor.u32 v21, v32;
	v38 =	vmul.f32 v48, v38;
	v34 =	vor.u32 v31, v32  }
0x20f: {  	v36 =	vmul.f32 v48, v36;
	[tilespmem:v51+s25+$0x0] =	vst.idx.msk $0xffff, v54;
	v51 =	vor.u32 v22, v32  }
0x210: {  	[tilespmem:v49+s25+$0x0] =	vst.idx.msk $0xffff, v35;
	v35 =	vmul.f32 v48, v37;
	v37 =	vor.u32 v23, v32  }
0x211: {  	[tilespmem:v52+s25+$0x0] =	vst.idx.msk $0xffff, v38;
	v38 =	vmul.f32 v48, v39;
	v39 =	vor.u32 v24, v32  }
0x212: {  	[tilespmem:v53+s25+$0x0] =	vst.idx.msk $0xffff, v36;
	v36 =	vmul.f32 v48, v40;
	v40 =	vor.u32 v25, v32  }
0x213: {  	[tilespmem:v55+s25+$0x0] =	vst.idx.msk $0xffff, v35;
	v35 =	vmul.f32 v48, v41;
	v41 =	vor.u32 v26, v32  }
0x214: {  	v49 =	vor.u32 v27, v32;
	[tilespmem:v56+s25+$0x0] =	vst.idx.msk $0xffff, v38;
	v38 =	vmul.f32 v48, v42  }
0x215: {  	[tilespmem:v51+s25+$0x0] =	vst.idx.msk $0xffff, v36;
	v36 =	vmul.f32 v48, v43;
	v51 =	vor.u32 v28, v32  }
0x216: {  	[tilespmem:v37+s25+$0x0] =	vst.idx.msk $0xffff, v35;
	v37 =	vmul.f32 v48, v44;
	v44 =	vor.u32 v29, v32  }
0x217: {  	v35 =	vor.u32 v30, v32;
	[tilespmem:v39+s25+$0x0] =	vst.idx.msk $0xffff, v38;
	v39 =	vmul.f32 v48, v45  }
.Ltmp2:
0x218: {  	v32 =	vor.u32 s2, v0;
	v45 =	vmul.f32 v48, v46;
	[tilespmem:v40+s25+$0x0] =	vst.idx.msk $0xffff, v36;
	v36 =	vmul.f32 v48, v33;
	(pc) =	sbr.rel @p0 .LBB2_7-.Ltmp2, $4  }
0x219: {  	v43 =	vmul.f32 v48, v50;
	v46 =	vmul.f32 v48, v47;
	v33 =	vshll.u32 v32, $0x4;
	[tilespmem:v41+s25+$0x0] =	vst.idx.msk $0xffff, v37  }
0x21a: {  	v32 =	vand.u32 $0x78, v32;
	v42 =	vor.u32 v0, v33;
	v38 =	vor.u32 v1, v33;
	[tilespmem:v49+s25+$0x0] =	vst.idx.msk $0xffff, v39  }
0x21b: {  	v41 =	vor.u32 v2, v33;
	v40 =	vor.u32 v3, v33;
	[tilespmem:v51+s25+$0x0] =	vst.idx.msk $0xffff, v45  }
0x21c: {  	v37 =	vor.u32 v4, v33;
	v39 =	vor.u32 v5, v33;
	[tilespmem:v44+s25+$0x0] =	vst.idx.msk $0xffff, v46  }
0x21d: {  	_ =	sdelay $0x3  }
0x21e: {  	[tilespmem:v35+s25+$0x0] =	vst.idx.msk $0xffff, v43  }
0x21f: {  	[tilespmem:v34+s25+$0x0] =	vst.idx.msk $0xffff, v36  }
0x220: {  	v34 =	vld.idx.msk [tilespmem:v42+s16+$0x0], $0xffff  }
0x221: {  	v35 =	vld.idx.msk [tilespmem:v38+s16+$0x0], $0xffff;
	_ =	sdelay $0x1  }
0x222: {  	v36 =	vld.idx.msk [tilespmem:v41+s16+$0x0], $0xffff;
	_ =	sdelay $0x1  }
0x223: {  	v38 =	vld.idx.msk [tilespmem:v40+s16+$0x0], $0xffff  }
0x224: {  	v52 =	vor.u32 v6, v33;
	v53 =	vmul.f32 v34, v34;
	v54 =	vmul.f32 v35, v35  }
0x225: {  	v37 =	vld.idx.msk [tilespmem:v37+s16+$0x0], $0xffff  }
0x226: {  	v55 =	vor.u32 v7, v33;
	v44 =	vmul.f32 v36, v36;
	v41 =	vadd.f32 v54, v53  }
0x227: {  	v39 =	vld.idx.msk [tilespmem:v39+s16+$0x0], $0xffff  }
0x228: {  	v56 =	vor.u32 v8, v33;
	v45 =	vmul.f32 v38, v38;
	v41 =	vadd.f32 v44, v41  }
0x229: {  	v40 =	vld.idx.msk [tilespmem:v52+s16+$0x0], $0xffff  }
0x22a: {  	v57 =	vor.u32 v9, v33;
	v46 =	vmul.f32 v37, v37;
	v41 =	vadd.f32 v45, v41  }
0x22b: {  	v43 =	vld.idx.msk [tilespmem:v55+s16+$0x0], $0xffff  }
0x22c: {  	v58 =	vor.u32 v10, v33;
	v47 =	vmul.f32 v39, v39;
	v41 =	vadd.f32 v46, v41  }
0x22d: {  	v42 =	vld.idx.msk [tilespmem:v56+s16+$0x0], $0xffff  }
0x22e: {  	v59 =	vor.u32 v11, v33;
	v48 =	vmul.f32 v40, v40;
	v41 =	vadd.f32 v47, v41  }
0x22f: {  	v44 =	vld.idx.msk [tilespmem:v57+s16+$0x0], $0xffff  }
0x230: {  	v60 =	vor.u32 v12, v33;
	v49 =	vmul.f32 v43, v43;
	v41 =	vadd.f32 v48, v41  }
0x231: {  	v45 =	vld.idx.msk [tilespmem:v58+s16+$0x0], $0xffff  }
0x232: {  	v61 =	vor.u32 v13, v33;
	v50 =	vmul.f32 v42, v42;
	v41 =	vadd.f32 v49, v41  }
0x233: {  	v46 =	vld.idx.msk [tilespmem:v59+s16+$0x0], $0xffff  }
0x234: {  	v62 =	vor.u32 v14, v33;
	v51 =	vmul.f32 v44, v44;
	v41 =	vadd.f32 v50, v41  }
0x235: {  	v47 =	vld.idx.msk [tilespmem:v60+s16+$0x0], $0xffff  }
0x236: {  	v63 =	vor.u32 v15, v33;
	v54 =	vmul.f32 v45, v45;
	v41 =	vadd.f32 v51, v41  }
0x237: {  	v48 =	vld.idx.msk [tilespmem:v61+s16+$0x0], $0xffff  }
0x238: {  	v55 =	vmul.f32 v46, v46;
	v41 =	vadd.f32 v54, v41  }
0x239: {  	v49 =	vld.idx.msk [tilespmem:v62+s16+$0x0], $0xffff  }
0x23a: {  	v56 =	vmul.f32 v47, v47;
	v41 =	vadd.f32 v55, v41  }
0x23b: {  	v33 =	vld.idx.msk [tilespmem:v63+s16+$0x0], $0xffff  }
0x23c: {  	v57 =	vmul.f32 v48, v48;
	v41 =	vadd.f32 v56, v41;
	_ =	sdelay $0x1  }
0x23d: {  	v58 =	vmul.f32 v49, v49;
	v41 =	vadd.f32 v57, v41;
	_ =	sdelay $0x1  }
0x23e: {  	v59 =	vmul.f32 v33, v33;
	v41 =	vadd.f32 v58, v41;
	_ =	sdelay $0x1  }
0x23f: {  	v41 =	vadd.f32 v59, v41;
	_ =	sdelay $0x1  }
0x240: {  	v60 =	vshra.s32 v41, $0x1;
	v51 =	vmul.f32 $5.000000000e-01, v41  }
0x241: {  	v50 =	vsub.s32 $0x5F3759DF, v60  }
0x242: {  	v52 =	vmul.f32 v50, v51;
	_ =	sdelay $0x1  }
0x243: {  	v52 =	vmul.f32 v50, v52;
	_ =	sdelay $0x1  }
0x244: {  	v52 =	vsub.f32 $1.500000000e+00, v52;
	_ =	sdelay $0x1  }
0x245: {  	v50 =	vmul.f32 v50, v52;
	_ =	sdelay $0x1  }
0x246: {  	v52 =	vmul.f32 v50, v51;
	_ =	sdelay $0x1  }
0x247: {  	v52 =	vmul.f32 v52, v50;
	_ =	sdelay $0x1  }
0x248: {  	v52 =	vsub.f32 $1.500000000e+00, v52;
	_ =	sdelay $0x1  }
0x249: {  	v50 =	vmul.f32 v52, v50;
	_ =	sdelay $0x1  }
0x24a: {  	v51 =	vmul.f32 v50, v51;
	_ =	sdelay $0x1  }
0x24b: {  	v51 =	vmul.f32 v51, v50;
	_ =	sdelay $0x1  }
0x24c: {  	v61 =	vmov s2;
	v51 =	vsub.f32 $1.500000000e+00, v51  }
0x24d: {  	v52 =	vshll.u32 v61, $0x3  }
0x24e: {  	v52 =	vand.u32 $0xC00, v52;
	v50 =	vmul.f32 v51, v50  }
0x24f: {  	v32 =	vor.u32 v52, v32  }
0x250: {  	v62 =	vor.u32 v16, v32;
	v50 =	vmul.f32 $9.999899860e-01, v50  }
0x251: {  	vm0 =	vgt.f32 v41, $9.999799720e-01;
	v63 =	vor.u32 v17, v32  }
0x252: {  	v52 =	vor.u32 v18, v32;
	v50 =	vnsel vm0, $0x3F800000, v50  }
0x253: {  	v53 =	vor.u32 v19, v32;
	v34 =	vmul.f32 v50, v34  }
0x254: {  	v54 =	vor.u32 v20, v32;
	v35 =	vmul.f32 v50, v35  }
0x255: {  	v55 =	vor.u32 v21, v32;
	v36 =	vmul.f32 v50, v36;
	[tilespmem:v62+s25+$0x0] =	vst.idx.msk $0xffff, v34  }
0x256: {  	v57 =	vor.u32 v22, v32;
	v56 =	vmul.f32 v50, v38;
	[tilespmem:v63+s25+$0x0] =	vst.idx.msk $0xffff, v35  }
0x257: {  	v59 =	vor.u32 v23, v32;
	v58 =	vmul.f32 v50, v37;
	[tilespmem:v52+s25+$0x0] =	vst.idx.msk $0xffff, v36  }
0x258: {  	v61 =	vor.u32 v24, v32;
	v60 =	vmul.f32 v50, v39;
	[tilespmem:v53+s25+$0x0] =	vst.idx.msk $0xffff, v56  }
0x259: {  	v62 =	vmul.f32 v50, v40;
	v63 =	vor.u32 v25, v32;
	[tilespmem:v54+s25+$0x0] =	vst.idx.msk $0xffff, v58  }
0x25a: {  	v51 =	vmul.f32 v50, v43;
	v52 =	vor.u32 v26, v32;
	[tilespmem:v55+s25+$0x0] =	vst.idx.msk $0xffff, v60  }
0x25b: {  	v53 =	vmul.f32 v50, v42;
	v54 =	vor.u32 v27, v32;
	[tilespmem:v57+s25+$0x0] =	vst.idx.msk $0xffff, v62  }
0x25c: {  	v56 =	vor.u32 v28, v32;
	v55 =	vmul.f32 v50, v44;
	[tilespmem:v59+s25+$0x0] =	vst.idx.msk $0xffff, v51  }
0x25d: {  	v58 =	vor.u32 v29, v32;
	v57 =	vmul.f32 v50, v45;
	[tilespmem:v61+s25+$0x0] =	vst.idx.msk $0xffff, v53  }
0x25e: {  	v60 =	vor.u32 v30, v32;
	v59 =	vmul.f32 v50, v46;
	[tilespmem:v63+s25+$0x0] =	vst.idx.msk $0xffff, v55  }
0x25f: {  	s31 =	sadd.s32 $0x1, s31;
	v32 =	vor.u32 v31, v32;
	v61 =	vmul.f32 v50, v47;
	[tilespmem:v52+s25+$0x0] =	vst.idx.msk $0xffff, v57  }
0x260: {  	p0 =	sne.s32 s31, $0xD;
	v62 =	vmul.f32 v50, v48;
	[tilespmem:v54+s25+$0x0] =	vst.idx.msk $0xffff, v59  }
.Ltmp3:
0x261: {  	s0 =	sshll.u32 s0, $0x12;
	v63 =	vmul.f32 v50, v49;
	[tilespmem:v56+s25+$0x0] =	vst.idx.msk $0xffff, v61;
	(pc) =	sbr.rel @p0 .LBB2_4-.Ltmp3, $4  }
0x262: {  	s0 =	sor.u32 s5, s0;
	v33 =	vmul.f32 v50, v33;
	[tilespmem:v58+s25+$0x0] =	vst.idx.msk $0xffff, v62  }
0x263: {  	s0 =	sshrl.u32 s0, $0x3;
	[tilespmem:v60+s25+$0x0] =	vst.idx.msk $0xffff, v63  }
0x264: {  	s0 =	sadd.s32 s1, s0;
	[tilespmem:v32+s25+$0x0] =	vst.idx.msk $0xffff, v33  }
0x265: {  	[hbm4b:s0+s22] =	stream.strided.scatter [tilespmem:s25], [sflag:$0x4], $0x2000, s23, s22, $0x38;
	[tilespmem:$0xB400] =	vst v63  }
0x266: {  	s29 =	sadd.s32 $0x1, s29  }
0x267: {  	_ =	swait.ge [sflag:s26], $0x2000;
	p0 =	sne.s32 s29, s6  }
.Ltmp4:
0x268: {  	[sflag:s26] =	ssyncset.done $0x0;
	(pc) =	sbr.rel @p0 .LBB2_1-.Ltmp4, $4  }
0x269: {  	[sflag:s26] =	ssyncadd.s32 $0xFFFFE000  }
0x26a: {  	_ =	swait.ge [sflag:s28], $0x2000  }
0x26b: {  	[sflag:s28] =	ssyncset.done $0x0  }
0x26c: {  	[sflag:s28] =	ssyncadd.s32 $0xFFFFE000  }
0x26d: {  	_ =	sfence.sel $0x180000  }
0x26e: {  	[bflag:$0x0] =	sbarrier.arrive $0xFFFF  }
0x26f: {  	_ =	strace $0x9000004A  }
0x270: {  	s0 =	stileid.u32;
	[bflag:$0x2] =	sbarrier.arrive $0xFFFF  }
0x271: {  	p0 =	sne.s32 s0, $0x0;
	s0 =	rddreg [dreg:$0x2]  }
0x272: {  	s0 =	sadd.s32 @!p0 $0x100000, s0  }
0x273: {  	[sflag:s0] =	ssyncadd.tile.s32 @!p0 $0x1;
	_ =	shalt  }
.Lfunc_end2:
_tile_overlayer_lowered:
.L_overlay_start_2:
0x274: {  	(tag) =	ssettag $0x2  }
0x275: {  	s0 =	rddreg [dreg:$0x0];
	s2 =	stileid.u32  }
0x276: {  	s1 =	rddreg [dreg:$0x1];
	p0 =	sne.s32 s2, $0x0  }
0x277: {  	s3 =	rddreg [dreg:$0x2];
	[bflag:$0x3] =	sbarrier.arrive $0xFFFF;
	s2 =	simm.s32 @!p0 $0x1C05  }
0x278: {  	[timem:s3], [sflag:s2] =	dma.local @!p0 [hbm:s0], s1  }
0x279: {  	s0 =	simm.s32 @!p0 $0x5  }
0x27a: {  	_ =	swait.ge @!p0 [sflag:s0], s1  }
0x27b: {  	s1 =	ssub.s32 @!p0 $0x0, s1;
	[sflag:s0] =	ssyncset.done @!p0 $0x0  }
0x27c: {  	[sflag:s0] =	ssyncadd.s32 @!p0 s1  }
0x27d: {  	[bflag:$0x3] =	sbarrier.arrive $0xFFFF  }
0x27e: {  	_ =	shalt  }

</sc_bundles>
